<compile_context>
chip_gen: v7x
topology: tpu7x:2x2x1
jax: 0.10.2.dev20260603
libtpu: 0.0.44.dev20260713+nightly
codegen_flags: <defaults>
</compile_context>

<pallas_src>
import functools

import jax
import jax.numpy as jnp
from jax import lax
from jax.experimental import pallas as pl
from jax.experimental.pallas import tpu as pltpu
from jax.experimental.pallas import tpu_sc as plsc

B = 32
S = 8
MAX_K = 32
V = 100000
TEMPERATURE = 10.0

R = B * S
NC = 2
NS = 16
NW = NC * NS
ROWS_PER_W = R // NW
L = 16


def _body(vals_hbm, dist_hbm, out_hbm, vals_v, dist_v, row_buf, sem):
    wid = lax.axis_index("s") * NC + lax.axis_index("c")
    base = wid * ROWS_PER_W

    cp_v = pltpu.async_copy(
        vals_hbm.at[pl.ds(base * MAX_K, ROWS_PER_W * MAX_K)], vals_v, sem)
    cp_d = pltpu.async_copy(
        dist_hbm.at[pl.ds(base * MAX_K, ROWS_PER_W * MAX_K)], dist_v, sem)

    zeros16 = jnp.zeros((L,), jnp.float32)

    def zero_step(i, carry):
        for j in range(25):
            row_buf[pl.ds(i * (25 * L) + j * L, L)] = zeros16
        return carry

    lax.fori_loop(0, V // (25 * L), zero_step, 0)
    cp_v.wait()
    cp_d.wait()

    lane_iota = lax.iota(jnp.int32, L)

    for r in range(ROWS_PER_W):
        idx0 = vals_v[pl.ds(r * MAX_K, L)]
        idx1 = vals_v[pl.ds(r * MAX_K + L, L)]
        d0 = dist_v[pl.ds(r * MAX_K, L)]
        d1 = dist_v[pl.ds(r * MAX_K + L, L)]

        e0 = jnp.exp(d0 * (-1.0 / TEMPERATURE))
        e1 = jnp.exp(d1 * (-1.0 / TEMPERATURE))
        t = e0 + e1
        for sh in (8, 4, 2, 1):
            t = t + t.at[lane_iota ^ sh].get(mode="promise_in_bounds")
        inv = 1.0 / t
        w0 = e0 * inv
        w1 = e1 * inv

        for k in range(L):
            m = lane_iota == k
            plsc.addupdate_scatter(row_buf, [idx0], w0, mask=m)
        for k in range(L):
            m = lane_iota == k
            plsc.addupdate_scatter(row_buf, [idx1], w1, mask=m)

        pltpu.sync_copy(row_buf, out_hbm.at[base + r])
        plsc.store_scatter(row_buf, [idx0], zeros16)
        plsc.store_scatter(row_buf, [idx1], zeros16)


@functools.partial(
    pl.kernel,
    mesh=plsc.VectorSubcoreMesh(core_axis_name="c", subcore_axis_name="s"),
    out_type=jax.ShapeDtypeStruct((R, V), jnp.float32),
    scratch_types=[
        pltpu.VMEM((ROWS_PER_W * MAX_K,), jnp.int32),
        pltpu.VMEM((ROWS_PER_W * MAX_K,), jnp.float32),
        pltpu.VMEM((V,), jnp.float32),
        pltpu.SemaphoreType.DMA,
    ],
    compiler_params=pltpu.CompilerParams(needs_layout_passes=False),
)
def _combine(vals_hbm, dist_hbm, out_hbm, vals_v, dist_v, row_buf, sem):
    _body(vals_hbm, dist_hbm, out_hbm, vals_v, dist_v, row_buf, sem)


def kernel(vals, distances):
    vals_flat = vals.reshape(R * MAX_K).astype(jnp.int32)
    dist_flat = distances.reshape(R * MAX_K).astype(jnp.float32)
    out = _combine(vals_flat, dist_flat)
    return out.reshape(B, S, V)

# --- scband reference (transcript-rebuilt; emitter-appended) ---
"""Pipeline reference for scband-robust-combiner-21534966022154 (READ-ONLY COPY).

The authoritative reference and input builder live on the scoring server;
editing this copy changes nothing except your own understanding.
"""

import jax, jax.numpy as jnp
import numpy as np

B = 32
S = 8
MAX_K = 32
V = 100000
TEMPERATURE = 10.0


def setup_inputs(seed: int = 0) -> dict:
    key = jax.random.key(seed)
    k1, k2 = jax.random.split(key)
    vals = jax.random.randint(k1, (B, S, MAX_K), 0, V)
    distances = jax.random.uniform(k2, (B, S, MAX_K), dtype=jnp.float32) * 100.0
    return {"vals": vals, "distances": distances}


def reference(vals, distances):
    # RobustCombiner.get_knn_prob with k/lambda/temperature fixed (non-trainable path):
    # knn_prob = calculate_knn_prob(vals, distances, probability_dim, temperature)
    # i.e. softmax over negative scaled distances, scatter-added into the vocab dim.
    weights = jax.nn.softmax(-distances / TEMPERATURE, axis=-1)  # [B, S, K]
    b_idx = jnp.arange(B)[:, None, None]
    s_idx = jnp.arange(S)[None, :, None]
    knn_prob = jnp.zeros((B, S, V), dtype=jnp.float32).at[b_idx, s_idx, vals].add(weights)
    return knn_prob

if __name__ == "__main__":
    import jax
    _d = setup_inputs()
    print(jax.jit(kernel)(*tuple(_d.values())))

</pallas_src>

<mosaic_0001>
#map = affine_map<(d0, d1) -> (0)>
#map1 = affine_map<(d0, d1) -> (0, 0)>
module attributes {stable_mosaic.version = 14 : i64} {
  func.func @_combine(%arg0: i32, %arg1: i32, %arg2: memref<8192xi32, #tpu.memory_space<hbm>>, %arg3: memref<8192xf32, #tpu.memory_space<hbm>>, %arg4: memref<256x100000xf32, #tpu.memory_space<hbm>>, %arg5: memref<256xi32, #tpu.memory_space<vmem>>, %arg6: memref<256xf32, #tpu.memory_space<vmem>>, %arg7: memref<100000xf32, #tpu.memory_space<vmem>>, %arg8: memref<!tpu.dma_semaphore, #tpu.memory_space<semaphore_mem>>) attributes {dimension_semantics = [#tpu.dimension_semantics<core_parallel>, #tpu.dimension_semantics<subcore_parallel>], iteration_bounds = array<i64: 2, 16>, scalar_prefetch = 0 : i64, scratch_operands = 4 : i64, tpu.core_type = #tpu.core_type<sc_vector_subcore>, window_params = [{transform_indices = #map}, {transform_indices = #map}, {transform_indices = #map1}]} {
    %mul3A = arith.constant 2 : i32
    %mul3A_0 = arith.muli %arg1, %mul3A : i32
    %add3A = arith.addi %mul3A_0, %arg0 : i32
    %mul3A_1 = arith.constant 8 : i32
    %mul3A_2 = arith.muli %add3A, %mul3A_1 : i32
    %mul3A_3 = arith.constant 32 : i32
    %mul3A_4 = arith.muli %mul3A_2, %mul3A_3 : i32
    %dma_start3A = tpu.memref_slice %arg2[%mul3A_4] : memref<8192xi32, #tpu.memory_space<hbm>> -> memref<256xi32, #tpu.memory_space<hbm>>
    %dma_start3A_5 = tpu.memref_slice %arg2[%mul3A_4] : memref<8192xi32, #tpu.memory_space<hbm>> -> memref<256xi32, #tpu.memory_space<hbm>>
    tpu.enqueue_dma source(%dma_start3A_5 : memref<256xi32, #tpu.memory_space<hbm>>) target(%arg5 : memref<256xi32, #tpu.memory_space<vmem>>) target_semaphore(%arg8 : memref<!tpu.dma_semaphore, #tpu.memory_space<semaphore_mem>>)
    %mul3A_6 = arith.constant 32 : i32
    %mul3A_7 = arith.muli %mul3A_2, %mul3A_6 : i32
    %dma_start3A_8 = tpu.memref_slice %arg3[%mul3A_7] : memref<8192xf32, #tpu.memory_space<hbm>> -> memref<256xf32, #tpu.memory_space<hbm>>
    %dma_start3A_9 = tpu.memref_slice %arg3[%mul3A_7] : memref<8192xf32, #tpu.memory_space<hbm>> -> memref<256xf32, #tpu.memory_space<hbm>>
    tpu.enqueue_dma source(%dma_start3A_9 : memref<256xf32, #tpu.memory_space<hbm>>) target(%arg6 : memref<256xf32, #tpu.memory_space<vmem>>) target_semaphore(%arg8 : memref<!tpu.dma_semaphore, #tpu.memory_space<semaphore_mem>>)
    %broadcast_in_dim3A = arith.constant 0.000000e+00 : f32
    %broadcast_in_dim3A_10 = vector.broadcast %broadcast_in_dim3A : f32 to vector<16xf32>
    %scan3A = arith.constant 0 : i32
    %scan3A_11 = arith.constant 0 : i32
    %scan3A_12 = arith.constant 250 : i32
    %scan3A_13 = arith.addi %scan3A_11, %scan3A_12 : i32
    %scan3A_14 = arith.constant 1 : i32
    scf.for %scan3A_1419 = %scan3A_11 to %scan3A_13 step %scan3A_14  : i32 {
      %mul3A_1420 = arith.constant 400 : i32
      %mul3A_1421 = arith.muli %scan3A_1419, %mul3A_1420 : i32
      %add3A_1422 = arith.constant 0 : i32
      %add3A_1423 = arith.addi %mul3A_1421, %add3A_1422 : i32
      %swap3A = arith.index_cast %add3A_1423 : i32 to index
      %swap3A_1424 = tpu.vector_load %arg7[%swap3A] {strides = array<i32>} : memref<100000xf32, #tpu.memory_space<vmem>>, vector<16xf32>,
      tpu.vector_store %arg7[%swap3A], %broadcast_in_dim3A_10 {strides = array<i32>} : memref<100000xf32, #tpu.memory_space<vmem>>, vector<16xf32>,
      %mul3A_1425 = arith.constant 400 : i32
      %mul3A_1426 = arith.muli %scan3A_1419, %mul3A_1425 : i32
      %add3A_1427 = arith.constant 16 : i32
      %add3A_1428 = arith.addi %mul3A_1426, %add3A_1427 : i32
      %swap3A_1429 = arith.index_cast %add3A_1428 : i32 to index
      %swap3A_1430 = tpu.vector_load %arg7[%swap3A_1429] {strides = array<i32>} : memref<100000xf32, #tpu.memory_space<vmem>>, vector<16xf32>,
      tpu.vector_store %arg7[%swap3A_1429], %broadcast_in_dim3A_10 {strides = array<i32>} : memref<100000xf32, #tpu.memory_space<vmem>>, vector<16xf32>,
      %mul3A_1431 = arith.constant 400 : i32
      %mul3A_1432 = arith.muli %scan3A_1419, %mul3A_1431 : i32
      %add3A_1433 = arith.constant 32 : i32
      %add3A_1434 = arith.addi %mul3A_1432, %add3A_1433 : i32
      %swap3A_1435 = arith.index_cast %add3A_1434 : i32 to index
      %swap3A_1436 = tpu.vector_load %arg7[%swap3A_1435] {strides = array<i32>} : memref<100000xf32, #tpu.memory_space<vmem>>, vector<16xf32>,
      tpu.vector_store %arg7[%swap3A_1435], %broadcast_in_dim3A_10 {strides = array<i32>} : memref<100000xf32, #tpu.memory_space<vmem>>, vector<16xf32>,
      %mul3A_1437 = arith.constant 400 : i32
      %mul3A_1438 = arith.muli %scan3A_1419, %mul3A_1437 : i32
      %add3A_1439 = arith.constant 48 : i32
      %add3A_1440 = arith.addi %mul3A_1438, %add3A_1439 : i32
      %swap3A_1441 = arith.index_cast %add3A_1440 : i32 to index
      %swap3A_1442 = tpu.vector_load %arg7[%swap3A_1441] {strides = array<i32>} : memref<100000xf32, #tpu.memory_space<vmem>>, vector<16xf32>,
      tpu.vector_store %arg7[%swap3A_1441], %broadcast_in_dim3A_10 {strides = array<i32>} : memref<100000xf32, #tpu.memory_space<vmem>>, vector<16xf32>,
      %mul3A_1443 = arith.constant 400 : i32
      %mul3A_1444 = arith.muli %scan3A_1419, %mul3A_1443 : i32
      %add3A_1445 = arith.constant 64 : i32
      %add3A_1446 = arith.addi %mul3A_1444, %add3A_1445 : i32
      %swap3A_1447 = arith.index_cast %add3A_1446 : i32 to index
      %swap3A_1448 = tpu.vector_load %arg7[%swap3A_1447] {strides = array<i32>} : memref<100000xf32, #tpu.memory_space<vmem>>, vector<16xf32>,
      tpu.vector_store %arg7[%swap3A_1447], %broadcast_in_dim3A_10 {strides = array<i32>} : memref<100000xf32, #tpu.memory_space<vmem>>, vector<16xf32>,
      %mul3A_1449 = arith.constant 400 : i32
      %mul3A_1450 = arith.muli %scan3A_1419, %mul3A_1449 : i32
      %add3A_1451 = arith.constant 80 : i32
      %add3A_1452 = arith.addi %mul3A_1450, %add3A_1451 : i32
      %swap3A_1453 = arith.index_cast %add3A_1452 : i32 to index
      %swap3A_1454 = tpu.vector_load %arg7[%swap3A_1453] {strides = array<i32>} : memref<100000xf32, #tpu.memory_space<vmem>>, vector<16xf32>,
      tpu.vector_store %arg7[%swap3A_1453], %broadcast_in_dim3A_10 {strides = array<i32>} : memref<100000xf32, #tpu.memory_space<vmem>>, vector<16xf32>,
      %mul3A_1455 = arith.constant 400 : i32
      %mul3A_1456 = arith.muli %scan3A_1419, %mul3A_1455 : i32
      %add3A_1457 = arith.constant 96 : i32
      %add3A_1458 = arith.addi %mul3A_1456, %add3A_1457 : i32
      %swap3A_1459 = arith.index_cast %add3A_1458 : i32 to index
      %swap3A_1460 = tpu.vector_load %arg7[%swap3A_1459] {strides = array<i32>} : memref<100000xf32, #tpu.memory_space<vmem>>, vector<16xf32>,
      tpu.vector_store %arg7[%swap3A_1459], %broadcast_in_dim3A_10 {strides = array<i32>} : memref<100000xf32, #tpu.memory_space<vmem>>, vector<16xf32>,
      %mul3A_1461 = arith.constant 400 : i32
      %mul3A_1462 = arith.muli %scan3A_1419, %mul3A_1461 : i32
      %add3A_1463 = arith.constant 112 : i32
      %add3A_1464 = arith.addi %mul3A_1462, %add3A_1463 : i32
      %swap3A_1465 = arith.index_cast %add3A_1464 : i32 to index
      %swap3A_1466 = tpu.vector_load %arg7[%swap3A_1465] {strides = array<i32>} : memref<100000xf32, #tpu.memory_space<vmem>>, vector<16xf32>,
      tpu.vector_store %arg7[%swap3A_1465], %broadcast_in_dim3A_10 {strides = array<i32>} : memref<100000xf32, #tpu.memory_space<vmem>>, vector<16xf32>,
      %mul3A_1467 = arith.constant 400 : i32
      %mul3A_1468 = arith.muli %scan3A_1419, %mul3A_1467 : i32
      %add3A_1469 = arith.constant 128 : i32
      %add3A_1470 = arith.addi %mul3A_1468, %add3A_1469 : i32
      %swap3A_1471 = arith.index_cast %add3A_1470 : i32 to index
      %swap3A_1472 = tpu.vector_load %arg7[%swap3A_1471] {strides = array<i32>} : memref<100000xf32, #tpu.memory_space<vmem>>, vector<16xf32>,
      tpu.vector_store %arg7[%swap3A_1471], %broadcast_in_dim3A_10 {strides = array<i32>} : memref<100000xf32, #tpu.memory_space<vmem>>, vector<16xf32>,
      %mul3A_1473 = arith.constant 400 : i32
      %mul3A_1474 = arith.muli %scan3A_1419, %mul3A_1473 : i32
      %add3A_1475 = arith.constant 144 : i32
      %add3A_1476 = arith.addi %mul3A_1474, %add3A_1475 : i32
      %swap3A_1477 = arith.index_cast %add3A_1476 : i32 to index
      %swap3A_1478 = tpu.vector_load %arg7[%swap3A_1477] {strides = array<i32>} : memref<100000xf32, #tpu.memory_space<vmem>>, vector<16xf32>,
      tpu.vector_store %arg7[%swap3A_1477], %broadcast_in_dim3A_10 {strides = array<i32>} : memref<100000xf32, #tpu.memory_space<vmem>>, vector<16xf32>,
      %mul3A_1479 = arith.constant 400 : i32
      %mul3A_1480 = arith.muli %scan3A_1419, %mul3A_1479 : i32
      %add3A_1481 = arith.constant 160 : i32
      %add3A_1482 = arith.addi %mul3A_1480, %add3A_1481 : i32
      %swap3A_1483 = arith.index_cast %add3A_1482 : i32 to index
      %swap3A_1484 = tpu.vector_load %arg7[%swap3A_1483] {strides = array<i32>} : memref<100000xf32, #tpu.memory_space<vmem>>, vector<16xf32>,
      tpu.vector_store %arg7[%swap3A_1483], %broadcast_in_dim3A_10 {strides = array<i32>} : memref<100000xf32, #tpu.memory_space<vmem>>, vector<16xf32>,
      %mul3A_1485 = arith.constant 400 : i32
      %mul3A_1486 = arith.muli %scan3A_1419, %mul3A_1485 : i32
      %add3A_1487 = arith.constant 176 : i32
      %add3A_1488 = arith.addi %mul3A_1486, %add3A_1487 : i32
      %swap3A_1489 = arith.index_cast %add3A_1488 : i32 to index
      %swap3A_1490 = tpu.vector_load %arg7[%swap3A_1489] {strides = array<i32>} : memref<100000xf32, #tpu.memory_space<vmem>>, vector<16xf32>,
      tpu.vector_store %arg7[%swap3A_1489], %broadcast_in_dim3A_10 {strides = array<i32>} : memref<100000xf32, #tpu.memory_space<vmem>>, vector<16xf32>,
      %mul3A_1491 = arith.constant 400 : i32
      %mul3A_1492 = arith.muli %scan3A_1419, %mul3A_1491 : i32
      %add3A_1493 = arith.constant 192 : i32
      %add3A_1494 = arith.addi %mul3A_1492, %add3A_1493 : i32
      %swap3A_1495 = arith.index_cast %add3A_1494 : i32 to index
      %swap3A_1496 = tpu.vector_load %arg7[%swap3A_1495] {strides = array<i32>} : memref<100000xf32, #tpu.memory_space<vmem>>, vector<16xf32>,
      tpu.vector_store %arg7[%swap3A_1495], %broadcast_in_dim3A_10 {strides = array<i32>} : memref<100000xf32, #tpu.memory_space<vmem>>, vector<16xf32>,
      %mul3A_1497 = arith.constant 400 : i32
      %mul3A_1498 = arith.muli %scan3A_1419, %mul3A_1497 : i32
      %add3A_1499 = arith.constant 208 : i32
      %add3A_1500 = arith.addi %mul3A_1498, %add3A_1499 : i32
      %swap3A_1501 = arith.index_cast %add3A_1500 : i32 to index
      %swap3A_1502 = tpu.vector_load %arg7[%swap3A_1501] {strides = array<i32>} : memref<100000xf32, #tpu.memory_space<vmem>>, vector<16xf32>,
      tpu.vector_store %arg7[%swap3A_1501], %broadcast_in_dim3A_10 {strides = array<i32>} : memref<100000xf32, #tpu.memory_space<vmem>>, vector<16xf32>,
      %mul3A_1503 = arith.constant 400 : i32
      %mul3A_1504 = arith.muli %scan3A_1419, %mul3A_1503 : i32
      %add3A_1505 = arith.constant 224 : i32
      %add3A_1506 = arith.addi %mul3A_1504, %add3A_1505 : i32
      %swap3A_1507 = arith.index_cast %add3A_1506 : i32 to index
      %swap3A_1508 = tpu.vector_load %arg7[%swap3A_1507] {strides = array<i32>} : memref<100000xf32, #tpu.memory_space<vmem>>, vector<16xf32>,
      tpu.vector_store %arg7[%swap3A_1507], %broadcast_in_dim3A_10 {strides = array<i32>} : memref<100000xf32, #tpu.memory_space<vmem>>, vector<16xf32>,
      %mul3A_1509 = arith.constant 400 : i32
      %mul3A_1510 = arith.muli %scan3A_1419, %mul3A_1509 : i32
      %add3A_1511 = arith.constant 240 : i32
      %add3A_1512 = arith.addi %mul3A_1510, %add3A_1511 : i32
      %swap3A_1513 = arith.index_cast %add3A_1512 : i32 to index
      %swap3A_1514 = tpu.vector_load %arg7[%swap3A_1513] {strides = array<i32>} : memref<100000xf32, #tpu.memory_space<vmem>>, vector<16xf32>,
      tpu.vector_store %arg7[%swap3A_1513], %broadcast_in_dim3A_10 {strides = array<i32>} : memref<100000xf32, #tpu.memory_space<vmem>>, vector<16xf32>,
      %mul3A_1515 = arith.constant 400 : i32
      %mul3A_1516 = arith.muli %scan3A_1419, %mul3A_1515 : i32
      %add3A_1517 = arith.constant 256 : i32
      %add3A_1518 = arith.addi %mul3A_1516, %add3A_1517 : i32
      %swap3A_1519 = arith.index_cast %add3A_1518 : i32 to index
      %swap3A_1520 = tpu.vector_load %arg7[%swap3A_1519] {strides = array<i32>} : memref<100000xf32, #tpu.memory_space<vmem>>, vector<16xf32>,
      tpu.vector_store %arg7[%swap3A_1519], %broadcast_in_dim3A_10 {strides = array<i32>} : memref<100000xf32, #tpu.memory_space<vmem>>, vector<16xf32>,
      %mul3A_1521 = arith.constant 400 : i32
      %mul3A_1522 = arith.muli %scan3A_1419, %mul3A_1521 : i32
      %add3A_1523 = arith.constant 272 : i32
      %add3A_1524 = arith.addi %mul3A_1522, %add3A_1523 : i32
      %swap3A_1525 = arith.index_cast %add3A_1524 : i32 to index
      %swap3A_1526 = tpu.vector_load %arg7[%swap3A_1525] {strides = array<i32>} : memref<100000xf32, #tpu.memory_space<vmem>>, vector<16xf32>,
      tpu.vector_store %arg7[%swap3A_1525], %broadcast_in_dim3A_10 {strides = array<i32>} : memref<100000xf32, #tpu.memory_space<vmem>>, vector<16xf32>,
      %mul3A_1527 = arith.constant 400 : i32
      %mul3A_1528 = arith.muli %scan3A_1419, %mul3A_1527 : i32
      %add3A_1529 = arith.constant 288 : i32
      %add3A_1530 = arith.addi %mul3A_1528, %add3A_1529 : i32
      %swap3A_1531 = arith.index_cast %add3A_1530 : i32 to index
      %swap3A_1532 = tpu.vector_load %arg7[%swap3A_1531] {strides = array<i32>} : memref<100000xf32, #tpu.memory_space<vmem>>, vector<16xf32>,
      tpu.vector_store %arg7[%swap3A_1531], %broadcast_in_dim3A_10 {strides = array<i32>} : memref<100000xf32, #tpu.memory_space<vmem>>, vector<16xf32>,
      %mul3A_1533 = arith.constant 400 : i32
      %mul3A_1534 = arith.muli %scan3A_1419, %mul3A_1533 : i32
      %add3A_1535 = arith.constant 304 : i32
      %add3A_1536 = arith.addi %mul3A_1534, %add3A_1535 : i32
      %swap3A_1537 = arith.index_cast %add3A_1536 : i32 to index
      %swap3A_1538 = tpu.vector_load %arg7[%swap3A_1537] {strides = array<i32>} : memref<100000xf32, #tpu.memory_space<vmem>>, vector<16xf32>,
      tpu.vector_store %arg7[%swap3A_1537], %broadcast_in_dim3A_10 {strides = array<i32>} : memref<100000xf32, #tpu.memory_space<vmem>>, vector<16xf32>,
      %mul3A_1539 = arith.constant 400 : i32
      %mul3A_1540 = arith.muli %scan3A_1419, %mul3A_1539 : i32
      %add3A_1541 = arith.constant 320 : i32
      %add3A_1542 = arith.addi %mul3A_1540, %add3A_1541 : i32
      %swap3A_1543 = arith.index_cast %add3A_1542 : i32 to index
      %swap3A_1544 = tpu.vector_load %arg7[%swap3A_1543] {strides = array<i32>} : memref<100000xf32, #tpu.memory_space<vmem>>, vector<16xf32>,
      tpu.vector_store %arg7[%swap3A_1543], %broadcast_in_dim3A_10 {strides = array<i32>} : memref<100000xf32, #tpu.memory_space<vmem>>, vector<16xf32>,
      %mul3A_1545 = arith.constant 400 : i32
      %mul3A_1546 = arith.muli %scan3A_1419, %mul3A_1545 : i32
      %add3A_1547 = arith.constant 336 : i32
      %add3A_1548 = arith.addi %mul3A_1546, %add3A_1547 : i32
      %swap3A_1549 = arith.index_cast %add3A_1548 : i32 to index
      %swap3A_1550 = tpu.vector_load %arg7[%swap3A_1549] {strides = array<i32>} : memref<100000xf32, #tpu.memory_space<vmem>>, vector<16xf32>,
      tpu.vector_store %arg7[%swap3A_1549], %broadcast_in_dim3A_10 {strides = array<i32>} : memref<100000xf32, #tpu.memory_space<vmem>>, vector<16xf32>,
      %mul3A_1551 = arith.constant 400 : i32
      %mul3A_1552 = arith.muli %scan3A_1419, %mul3A_1551 : i32
      %add3A_1553 = arith.constant 352 : i32
      %add3A_1554 = arith.addi %mul3A_1552, %add3A_1553 : i32
      %swap3A_1555 = arith.index_cast %add3A_1554 : i32 to index
      %swap3A_1556 = tpu.vector_load %arg7[%swap3A_1555] {strides = array<i32>} : memref<100000xf32, #tpu.memory_space<vmem>>, vector<16xf32>,
      tpu.vector_store %arg7[%swap3A_1555], %broadcast_in_dim3A_10 {strides = array<i32>} : memref<100000xf32, #tpu.memory_space<vmem>>, vector<16xf32>,
      %mul3A_1557 = arith.constant 400 : i32
      %mul3A_1558 = arith.muli %scan3A_1419, %mul3A_1557 : i32
      %add3A_1559 = arith.constant 368 : i32
      %add3A_1560 = arith.addi %mul3A_1558, %add3A_1559 : i32
      %swap3A_1561 = arith.index_cast %add3A_1560 : i32 to index
      %swap3A_1562 = tpu.vector_load %arg7[%swap3A_1561] {strides = array<i32>} : memref<100000xf32, #tpu.memory_space<vmem>>, vector<16xf32>,
      tpu.vector_store %arg7[%swap3A_1561], %broadcast_in_dim3A_10 {strides = array<i32>} : memref<100000xf32, #tpu.memory_space<vmem>>, vector<16xf32>,
      %mul3A_1563 = arith.constant 400 : i32
      %mul3A_1564 = arith.muli %scan3A_1419, %mul3A_1563 : i32
      %add3A_1565 = arith.constant 384 : i32
      %add3A_1566 = arith.addi %mul3A_1564, %add3A_1565 : i32
      %swap3A_1567 = arith.index_cast %add3A_1566 : i32 to index
      %swap3A_1568 = tpu.vector_load %arg7[%swap3A_1567] {strides = array<i32>} : memref<100000xf32, #tpu.memory_space<vmem>>, vector<16xf32>,
      tpu.vector_store %arg7[%swap3A_1567], %broadcast_in_dim3A_10 {strides = array<i32>} : memref<100000xf32, #tpu.memory_space<vmem>>, vector<16xf32>,
    }
    %scan3A_15 = arith.constant 250 : i32
    %dma_wait3A = tpu.memref_slice %arg2[%mul3A_4] : memref<8192xi32, #tpu.memory_space<hbm>> -> memref<256xi32, #tpu.memory_space<hbm>>
    %dma_wait3A_16 = tpu.memref_slice %arg2[%mul3A_4] : memref<8192xi32, #tpu.memory_space<hbm>> -> memref<256xi32, #tpu.memory_space<hbm>>
    tpu.wait_dma2 semaphore(%arg8 : memref<!tpu.dma_semaphore, #tpu.memory_space<semaphore_mem>>) src(%dma_wait3A_16 : memref<256xi32, #tpu.memory_space<hbm>>) dst(%arg5 : memref<256xi32, #tpu.memory_space<vmem>>)
    %dma_wait3A_17 = tpu.memref_slice %arg3[%mul3A_7] : memref<8192xf32, #tpu.memory_space<hbm>> -> memref<256xf32, #tpu.memory_space<hbm>>
    %dma_wait3A_18 = tpu.memref_slice %arg3[%mul3A_7] : memref<8192xf32, #tpu.memory_space<hbm>> -> memref<256xf32, #tpu.memory_space<hbm>>
    tpu.wait_dma2 semaphore(%arg8 : memref<!tpu.dma_semaphore, #tpu.memory_space<semaphore_mem>>) src(%dma_wait3A_18 : memref<256xf32, #tpu.memory_space<hbm>>) dst(%arg6 : memref<256xf32, #tpu.memory_space<vmem>>)
    %iota3A = tpu.iota {dimensions = array<i32: 0>} : vector<16xi32>
    %get3A = arith.constant 0 : index
    %get3A_19 = tpu.vector_load %arg5[%get3A] {strides = array<i32>} : memref<256xi32, #tpu.memory_space<vmem>>, vector<16xi32>,
    %get3A_20 = arith.constant 16 : index
    %get3A_21 = tpu.vector_load %arg5[%get3A_20] {strides = array<i32>} : memref<256xi32, #tpu.memory_space<vmem>>, vector<16xi32>,
    %get3A_22 = arith.constant 0 : index
    %get3A_23 = tpu.vector_load %arg6[%get3A_22] {strides = array<i32>} : memref<256xf32, #tpu.memory_space<vmem>>, vector<16xf32>,
    %get3A_24 = arith.constant 16 : index
    %get3A_25 = tpu.vector_load %arg6[%get3A_24] {strides = array<i32>} : memref<256xf32, #tpu.memory_space<vmem>>, vector<16xf32>,
    %mul3A_26 = arith.constant -1.000000e-01 : f32
    %mul3A_27 = vector.broadcast %mul3A_26 : f32 to vector<16xf32>
    %mul3A_28 = arith.mulf %get3A_23, %mul3A_27 : vector<16xf32>
    %exp3A = math.exp %mul3A_28 : vector<16xf32>
    %mul3A_29 = arith.constant -1.000000e-01 : f32
    %mul3A_30 = vector.broadcast %mul3A_29 : f32 to vector<16xf32>
    %mul3A_31 = arith.mulf %get3A_25, %mul3A_30 : vector<16xf32>
    %exp3A_32 = math.exp %mul3A_31 : vector<16xf32>
    %add3A_33 = arith.addf %exp3A, %exp3A_32 : vector<16xf32>
    %xor3A = arith.constant 8 : i32
    %xor3A_34 = vector.broadcast %xor3A : i32 to vector<16xi32>
    %xor3A_35 = arith.xori %iota3A, %xor3A_34 : vector<16xi32>
    %lt3A = arith.constant 0 : i32
    %lt3A_36 = vector.broadcast %lt3A : i32 to vector<16xi32>
    %lt3A_37 = arith.cmpi slt, %xor3A_35, %lt3A_36 : vector<16xi32>
    %add3A_38 = arith.constant 16 : i32
    %add3A_39 = vector.broadcast %add3A_38 : i32 to vector<16xi32>
    %add3A_40 = arith.addi %xor3A_35, %add3A_39 : vector<16xi32>
    %select_n3A = arith.select %lt3A_37, %add3A_40, %xor3A_35 : vector<16xi1>, vector<16xi32>
    %broadcast_in_dim3A_41 = vector.shape_cast %select_n3A : vector<16xi32> to vector<16x1xi32>
    %gather3A = vector.shape_cast %broadcast_in_dim3A_41 : vector<16x1xi32> to vector<16xi32>
    %gather3A_42 = tpu.dynamic_gather %add3A_33[%gather3A] in [0] : vector<16xf32>, vector<16xi32> -> vector<16xf32>
    %add3A_43 = arith.addf %add3A_33, %gather3A_42 : vector<16xf32>
    %xor3A_44 = arith.constant 4 : i32
    %xor3A_45 = vector.broadcast %xor3A_44 : i32 to vector<16xi32>
    %xor3A_46 = arith.xori %iota3A, %xor3A_45 : vector<16xi32>
    %lt3A_47 = arith.constant 0 : i32
    %lt3A_48 = vector.broadcast %lt3A_47 : i32 to vector<16xi32>
    %lt3A_49 = arith.cmpi slt, %xor3A_46, %lt3A_48 : vector<16xi32>
    %add3A_50 = arith.constant 16 : i32
    %add3A_51 = vector.broadcast %add3A_50 : i32 to vector<16xi32>
    %add3A_52 = arith.addi %xor3A_46, %add3A_51 : vector<16xi32>
    %select_n3A_53 = arith.select %lt3A_49, %add3A_52, %xor3A_46 : vector<16xi1>, vector<16xi32>
    %broadcast_in_dim3A_54 = vector.shape_cast %select_n3A_53 : vector<16xi32> to vector<16x1xi32>
    %gather3A_55 = vector.shape_cast %broadcast_in_dim3A_54 : vector<16x1xi32> to vector<16xi32>
    %gather3A_56 = tpu.dynamic_gather %add3A_43[%gather3A_55] in [0] : vector<16xf32>, vector<16xi32> -> vector<16xf32>
    %add3A_57 = arith.addf %add3A_43, %gather3A_56 : vector<16xf32>
    %xor3A_58 = arith.constant 2 : i32
    %xor3A_59 = vector.broadcast %xor3A_58 : i32 to vector<16xi32>
    %xor3A_60 = arith.xori %iota3A, %xor3A_59 : vector<16xi32>
    %lt3A_61 = arith.constant 0 : i32
    %lt3A_62 = vector.broadcast %lt3A_61 : i32 to vector<16xi32>
    %lt3A_63 = arith.cmpi slt, %xor3A_60, %lt3A_62 : vector<16xi32>
    %add3A_64 = arith.constant 16 : i32
    %add3A_65 = vector.broadcast %add3A_64 : i32 to vector<16xi32>
    %add3A_66 = arith.addi %xor3A_60, %add3A_65 : vector<16xi32>
    %select_n3A_67 = arith.select %lt3A_63, %add3A_66, %xor3A_60 : vector<16xi1>, vector<16xi32>
    %broadcast_in_dim3A_68 = vector.shape_cast %select_n3A_67 : vector<16xi32> to vector<16x1xi32>
    %gather3A_69 = vector.shape_cast %broadcast_in_dim3A_68 : vector<16x1xi32> to vector<16xi32>
    %gather3A_70 = tpu.dynamic_gather %add3A_57[%gather3A_69] in [0] : vector<16xf32>, vector<16xi32> -> vector<16xf32>
    %add3A_71 = arith.addf %add3A_57, %gather3A_70 : vector<16xf32>
    %xor3A_72 = arith.constant 1 : i32
    %xor3A_73 = vector.broadcast %xor3A_72 : i32 to vector<16xi32>
    %xor3A_74 = arith.xori %iota3A, %xor3A_73 : vector<16xi32>
    %lt3A_75 = arith.constant 0 : i32
    %lt3A_76 = vector.broadcast %lt3A_75 : i32 to vector<16xi32>
    %lt3A_77 = arith.cmpi slt, %xor3A_74, %lt3A_76 : vector<16xi32>
    %add3A_78 = arith.constant 16 : i32
    %add3A_79 = vector.broadcast %add3A_78 : i32 to vector<16xi32>
    %add3A_80 = arith.addi %xor3A_74, %add3A_79 : vector<16xi32>
    %select_n3A_81 = arith.select %lt3A_77, %add3A_80, %xor3A_74 : vector<16xi1>, vector<16xi32>
    %broadcast_in_dim3A_82 = vector.shape_cast %select_n3A_81 : vector<16xi32> to vector<16x1xi32>
    %gather3A_83 = vector.shape_cast %broadcast_in_dim3A_82 : vector<16x1xi32> to vector<16xi32>
    %gather3A_84 = tpu.dynamic_gather %add3A_71[%gather3A_83] in [0] : vector<16xf32>, vector<16xi32> -> vector<16xf32>
    %add3A_85 = arith.addf %add3A_71, %gather3A_84 : vector<16xf32>
    %div3A = arith.constant 1.000000e+00 : f32
    %div3A_86 = vector.broadcast %div3A : f32 to vector<16xf32>
    %div3A_87 = arith.divf %div3A_86, %add3A_85 : vector<16xf32>
    %mul3A_88 = arith.mulf %exp3A, %div3A_87 : vector<16xf32>
    %mul3A_89 = arith.mulf %exp3A_32, %div3A_87 : vector<16xf32>
    %eq3A = arith.constant 0 : i32
    %eq3A_90 = vector.broadcast %eq3A : i32 to vector<16xi32>
    %eq3A_91 = arith.cmpi eq, %iota3A, %eq3A_90 : vector<16xi32>
    tpu.vector_store_idx %arg7[%get3A_19], %mul3A_88 masked %eq3A_91 {add = true} : memref<100000xf32, #tpu.memory_space<vmem>>[vector<16xi32>], vector<16xf32>, vector<16xi1>
    %eq3A_92 = arith.constant 1 : i32
    %eq3A_93 = vector.broadcast %eq3A_92 : i32 to vector<16xi32>
    %eq3A_94 = arith.cmpi eq, %iota3A, %eq3A_93 : vector<16xi32>
    tpu.vector_store_idx %arg7[%get3A_19], %mul3A_88 masked %eq3A_94 {add = true} : memref<100000xf32, #tpu.memory_space<vmem>>[vector<16xi32>], vector<16xf32>, vector<16xi1>
    %eq3A_95 = arith.constant 2 : i32
    %eq3A_96 = vector.broadcast %eq3A_95 : i32 to vector<16xi32>
    %eq3A_97 = arith.cmpi eq, %iota3A, %eq3A_96 : vector<16xi32>
    tpu.vector_store_idx %arg7[%get3A_19], %mul3A_88 masked %eq3A_97 {add = true} : memref<100000xf32, #tpu.memory_space<vmem>>[vector<16xi32>], vector<16xf32>, vector<16xi1>
    %eq3A_98 = arith.constant 3 : i32
    %eq3A_99 = vector.broadcast %eq3A_98 : i32 to vector<16xi32>
    %eq3A_100 = arith.cmpi eq, %iota3A, %eq3A_99 : vector<16xi32>
    tpu.vector_store_idx %arg7[%get3A_19], %mul3A_88 masked %eq3A_100 {add = true} : memref<100000xf32, #tpu.memory_space<vmem>>[vector<16xi32>], vector<16xf32>, vector<16xi1>
    %eq3A_101 = arith.constant 4 : i32
    %eq3A_102 = vector.broadcast %eq3A_101 : i32 to vector<16xi32>
    %eq3A_103 = arith.cmpi eq, %iota3A, %eq3A_102 : vector<16xi32>
    tpu.vector_store_idx %arg7[%get3A_19], %mul3A_88 masked %eq3A_103 {add = true} : memref<100000xf32, #tpu.memory_space<vmem>>[vector<16xi32>], vector<16xf32>, vector<16xi1>
    %eq3A_104 = arith.constant 5 : i32
    %eq3A_105 = vector.broadcast %eq3A_104 : i32 to vector<16xi32>
    %eq3A_106 = arith.cmpi eq, %iota3A, %eq3A_105 : vector<16xi32>
    tpu.vector_store_idx %arg7[%get3A_19], %mul3A_88 masked %eq3A_106 {add = true} : memref<100000xf32, #tpu.memory_space<vmem>>[vector<16xi32>], vector<16xf32>, vector<16xi1>
    %eq3A_107 = arith.constant 6 : i32
    %eq3A_108 = vector.broadcast %eq3A_107 : i32 to vector<16xi32>
    %eq3A_109 = arith.cmpi eq, %iota3A, %eq3A_108 : vector<16xi32>
    tpu.vector_store_idx %arg7[%get3A_19], %mul3A_88 masked %eq3A_109 {add = true} : memref<100000xf32, #tpu.memory_space<vmem>>[vector<16xi32>], vector<16xf32>, vector<16xi1>
    %eq3A_110 = arith.constant 7 : i32
    %eq3A_111 = vector.broadcast %eq3A_110 : i32 to vector<16xi32>
    %eq3A_112 = arith.cmpi eq, %iota3A, %eq3A_111 : vector<16xi32>
    tpu.vector_store_idx %arg7[%get3A_19], %mul3A_88 masked %eq3A_112 {add = true} : memref<100000xf32, #tpu.memory_space<vmem>>[vector<16xi32>], vector<16xf32>, vector<16xi1>
    %eq3A_113 = arith.constant 8 : i32
    %eq3A_114 = vector.broadcast %eq3A_113 : i32 to vector<16xi32>
    %eq3A_115 = arith.cmpi eq, %iota3A, %eq3A_114 : vector<16xi32>
    tpu.vector_store_idx %arg7[%get3A_19], %mul3A_88 masked %eq3A_115 {add = true} : memref<100000xf32, #tpu.memory_space<vmem>>[vector<16xi32>], vector<16xf32>, vector<16xi1>
    %eq3A_116 = arith.constant 9 : i32
    %eq3A_117 = vector.broadcast %eq3A_116 : i32 to vector<16xi32>
    %eq3A_118 = arith.cmpi eq, %iota3A, %eq3A_117 : vector<16xi32>
    tpu.vector_store_idx %arg7[%get3A_19], %mul3A_88 masked %eq3A_118 {add = true} : memref<100000xf32, #tpu.memory_space<vmem>>[vector<16xi32>], vector<16xf32>, vector<16xi1>
    %eq3A_119 = arith.constant 10 : i32
    %eq3A_120 = vector.broadcast %eq3A_119 : i32 to vector<16xi32>
    %eq3A_121 = arith.cmpi eq, %iota3A, %eq3A_120 : vector<16xi32>
    tpu.vector_store_idx %arg7[%get3A_19], %mul3A_88 masked %eq3A_121 {add = true} : memref<100000xf32, #tpu.memory_space<vmem>>[vector<16xi32>], vector<16xf32>, vector<16xi1>
    %eq3A_122 = arith.constant 11 : i32
    %eq3A_123 = vector.broadcast %eq3A_122 : i32 to vector<16xi32>
    %eq3A_124 = arith.cmpi eq, %iota3A, %eq3A_123 : vector<16xi32>
    tpu.vector_store_idx %arg7[%get3A_19], %mul3A_88 masked %eq3A_124 {add = true} : memref<100000xf32, #tpu.memory_space<vmem>>[vector<16xi32>], vector<16xf32>, vector<16xi1>
    %eq3A_125 = arith.constant 12 : i32
    %eq3A_126 = vector.broadcast %eq3A_125 : i32 to vector<16xi32>
    %eq3A_127 = arith.cmpi eq, %iota3A, %eq3A_126 : vector<16xi32>
    tpu.vector_store_idx %arg7[%get3A_19], %mul3A_88 masked %eq3A_127 {add = true} : memref<100000xf32, #tpu.memory_space<vmem>>[vector<16xi32>], vector<16xf32>, vector<16xi1>
    %eq3A_128 = arith.constant 13 : i32
    %eq3A_129 = vector.broadcast %eq3A_128 : i32 to vector<16xi32>
    %eq3A_130 = arith.cmpi eq, %iota3A, %eq3A_129 : vector<16xi32>
    tpu.vector_store_idx %arg7[%get3A_19], %mul3A_88 masked %eq3A_130 {add = true} : memref<100000xf32, #tpu.memory_space<vmem>>[vector<16xi32>], vector<16xf32>, vector<16xi1>
    %eq3A_131 = arith.constant 14 : i32
    %eq3A_132 = vector.broadcast %eq3A_131 : i32 to vector<16xi32>
    %eq3A_133 = arith.cmpi eq, %iota3A, %eq3A_132 : vector<16xi32>
    tpu.vector_store_idx %arg7[%get3A_19], %mul3A_88 masked %eq3A_133 {add = true} : memref<100000xf32, #tpu.memory_space<vmem>>[vector<16xi32>], vector<16xf32>, vector<16xi1>
    %eq3A_134 = arith.constant 15 : i32
    %eq3A_135 = vector.broadcast %eq3A_134 : i32 to vector<16xi32>
    %eq3A_136 = arith.cmpi eq, %iota3A, %eq3A_135 : vector<16xi32>
    tpu.vector_store_idx %arg7[%get3A_19], %mul3A_88 masked %eq3A_136 {add = true} : memref<100000xf32, #tpu.memory_space<vmem>>[vector<16xi32>], vector<16xf32>, vector<16xi1>
    %eq3A_137 = arith.constant 0 : i32
    %eq3A_138 = vector.broadcast %eq3A_137 : i32 to vector<16xi32>
    %eq3A_139 = arith.cmpi eq, %iota3A, %eq3A_138 : vector<16xi32>
    tpu.vector_store_idx %arg7[%get3A_21], %mul3A_89 masked %eq3A_139 {add = true} : memref<100000xf32, #tpu.memory_space<vmem>>[vector<16xi32>], vector<16xf32>, vector<16xi1>
    %eq3A_140 = arith.constant 1 : i32
    %eq3A_141 = vector.broadcast %eq3A_140 : i32 to vector<16xi32>
    %eq3A_142 = arith.cmpi eq, %iota3A, %eq3A_141 : vector<16xi32>
    tpu.vector_store_idx %arg7[%get3A_21], %mul3A_89 masked %eq3A_142 {add = true} : memref<100000xf32, #tpu.memory_space<vmem>>[vector<16xi32>], vector<16xf32>, vector<16xi1>
    %eq3A_143 = arith.constant 2 : i32
    %eq3A_144 = vector.broadcast %eq3A_143 : i32 to vector<16xi32>
    %eq3A_145 = arith.cmpi eq, %iota3A, %eq3A_144 : vector<16xi32>
    tpu.vector_store_idx %arg7[%get3A_21], %mul3A_89 masked %eq3A_145 {add = true} : memref<100000xf32, #tpu.memory_space<vmem>>[vector<16xi32>], vector<16xf32>, vector<16xi1>
    %eq3A_146 = arith.constant 3 : i32
    %eq3A_147 = vector.broadcast %eq3A_146 : i32 to vector<16xi32>
    %eq3A_148 = arith.cmpi eq, %iota3A, %eq3A_147 : vector<16xi32>
    tpu.vector_store_idx %arg7[%get3A_21], %mul3A_89 masked %eq3A_148 {add = true} : memref<100000xf32, #tpu.memory_space<vmem>>[vector<16xi32>], vector<16xf32>, vector<16xi1>
    %eq3A_149 = arith.constant 4 : i32
    %eq3A_150 = vector.broadcast %eq3A_149 : i32 to vector<16xi32>
    %eq3A_151 = arith.cmpi eq, %iota3A, %eq3A_150 : vector<16xi32>
    tpu.vector_store_idx %arg7[%get3A_21], %mul3A_89 masked %eq3A_151 {add = true} : memref<100000xf32, #tpu.memory_space<vmem>>[vector<16xi32>], vector<16xf32>, vector<16xi1>
    %eq3A_152 = arith.constant 5 : i32
    %eq3A_153 = vector.broadcast %eq3A_152 : i32 to vector<16xi32>
    %eq3A_154 = arith.cmpi eq, %iota3A, %eq3A_153 : vector<16xi32>
    tpu.vector_store_idx %arg7[%get3A_21], %mul3A_89 masked %eq3A_154 {add = true} : memref<100000xf32, #tpu.memory_space<vmem>>[vector<16xi32>], vector<16xf32>, vector<16xi1>
    %eq3A_155 = arith.constant 6 : i32
    %eq3A_156 = vector.broadcast %eq3A_155 : i32 to vector<16xi32>
    %eq3A_157 = arith.cmpi eq, %iota3A, %eq3A_156 : vector<16xi32>
    tpu.vector_store_idx %arg7[%get3A_21], %mul3A_89 masked %eq3A_157 {add = true} : memref<100000xf32, #tpu.memory_space<vmem>>[vector<16xi32>], vector<16xf32>, vector<16xi1>
    %eq3A_158 = arith.constant 7 : i32
    %eq3A_159 = vector.broadcast %eq3A_158 : i32 to vector<16xi32>
    %eq3A_160 = arith.cmpi eq, %iota3A, %eq3A_159 : vector<16xi32>
    tpu.vector_store_idx %arg7[%get3A_21], %mul3A_89 masked %eq3A_160 {add = true} : memref<100000xf32, #tpu.memory_space<vmem>>[vector<16xi32>], vector<16xf32>, vector<16xi1>
    %eq3A_161 = arith.constant 8 : i32
    %eq3A_162 = vector.broadcast %eq3A_161 : i32 to vector<16xi32>
    %eq3A_163 = arith.cmpi eq, %iota3A, %eq3A_162 : vector<16xi32>
    tpu.vector_store_idx %arg7[%get3A_21], %mul3A_89 masked %eq3A_163 {add = true} : memref<100000xf32, #tpu.memory_space<vmem>>[vector<16xi32>], vector<16xf32>, vector<16xi1>
    %eq3A_164 = arith.constant 9 : i32
    %eq3A_165 = vector.broadcast %eq3A_164 : i32 to vector<16xi32>
    %eq3A_166 = arith.cmpi eq, %iota3A, %eq3A_165 : vector<16xi32>
    tpu.vector_store_idx %arg7[%get3A_21], %mul3A_89 masked %eq3A_166 {add = true} : memref<100000xf32, #tpu.memory_space<vmem>>[vector<16xi32>], vector<16xf32>, vector<16xi1>
    %eq3A_167 = arith.constant 10 : i32
    %eq3A_168 = vector.broadcast %eq3A_167 : i32 to vector<16xi32>
    %eq3A_169 = arith.cmpi eq, %iota3A, %eq3A_168 : vector<16xi32>
    tpu.vector_store_idx %arg7[%get3A_21], %mul3A_89 masked %eq3A_169 {add = true} : memref<100000xf32, #tpu.memory_space<vmem>>[vector<16xi32>], vector<16xf32>, vector<16xi1>
    %eq3A_170 = arith.constant 11 : i32
    %eq3A_171 = vector.broadcast %eq3A_170 : i32 to vector<16xi32>
    %eq3A_172 = arith.cmpi eq, %iota3A, %eq3A_171 : vector<16xi32>
    tpu.vector_store_idx %arg7[%get3A_21], %mul3A_89 masked %eq3A_172 {add = true} : memref<100000xf32, #tpu.memory_space<vmem>>[vector<16xi32>], vector<16xf32>, vector<16xi1>
    %eq3A_173 = arith.constant 12 : i32
    %eq3A_174 = vector.broadcast %eq3A_173 : i32 to vector<16xi32>
    %eq3A_175 = arith.cmpi eq, %iota3A, %eq3A_174 : vector<16xi32>
    tpu.vector_store_idx %arg7[%get3A_21], %mul3A_89 masked %eq3A_175 {add = true} : memref<100000xf32, #tpu.memory_space<vmem>>[vector<16xi32>], vector<16xf32>, vector<16xi1>
    %eq3A_176 = arith.constant 13 : i32
    %eq3A_177 = vector.broadcast %eq3A_176 : i32 to vector<16xi32>
    %eq3A_178 = arith.cmpi eq, %iota3A, %eq3A_177 : vector<16xi32>
    tpu.vector_store_idx %arg7[%get3A_21], %mul3A_89 masked %eq3A_178 {add = true} : memref<100000xf32, #tpu.memory_space<vmem>>[vector<16xi32>], vector<16xf32>, vector<16xi1>
    %eq3A_179 = arith.constant 14 : i32
    %eq3A_180 = vector.broadcast %eq3A_179 : i32 to vector<16xi32>
    %eq3A_181 = arith.cmpi eq, %iota3A, %eq3A_180 : vector<16xi32>
    tpu.vector_store_idx %arg7[%get3A_21], %mul3A_89 masked %eq3A_181 {add = true} : memref<100000xf32, #tpu.memory_space<vmem>>[vector<16xi32>], vector<16xf32>, vector<16xi1>
    %eq3A_182 = arith.constant 15 : i32
    %eq3A_183 = vector.broadcast %eq3A_182 : i32 to vector<16xi32>
    %eq3A_184 = arith.cmpi eq, %iota3A, %eq3A_183 : vector<16xi32>
    tpu.vector_store_idx %arg7[%get3A_21], %mul3A_89 masked %eq3A_184 {add = true} : memref<100000xf32, #tpu.memory_space<vmem>>[vector<16xi32>], vector<16xf32>, vector<16xi1>
    %add3A_185 = arith.constant 0 : i32
    %add3A_186 = arith.addi %mul3A_2, %add3A_185 : i32
    "tpu.region"() ({
      %run_scoped3A = tpu.sem_alloc : memref<!tpu.dma_semaphore, #tpu.memory_space<semaphore_mem>>
      %dma_start3A_1419 = arith.constant 0 : i32
      %dma_start3A_1420 = tpu.memref_slice %arg4[%add3A_186, %dma_start3A_1419] : memref<256x100000xf32, #tpu.memory_space<hbm>> -> memref<1x100000xf32, #tpu.memory_space<hbm>>
      %dma_start3A_1421 = tpu.memref_squeeze %dma_start3A_1420 : memref<1x100000xf32, #tpu.memory_space<hbm>> -> memref<100000xf32, #tpu.memory_space<hbm>>
      %dma_start3A_1422 = arith.constant 0 : i32
      %dma_start3A_1423 = tpu.memref_slice %arg4[%add3A_186, %dma_start3A_1422] : memref<256x100000xf32, #tpu.memory_space<hbm>> -> memref<1x100000xf32, #tpu.memory_space<hbm>>
      %dma_start3A_1424 = tpu.memref_squeeze %dma_start3A_1423 : memref<1x100000xf32, #tpu.memory_space<hbm>> -> memref<100000xf32, #tpu.memory_space<hbm>>
      tpu.enqueue_dma source(%arg7 : memref<100000xf32, #tpu.memory_space<vmem>>) target(%dma_start3A_1424 : memref<100000xf32, #tpu.memory_space<hbm>>) target_semaphore(%run_scoped3A : memref<!tpu.dma_semaphore, #tpu.memory_space<semaphore_mem>>)
      %dma_wait3A_1425 = arith.constant 0 : i32
      %dma_wait3A_1426 = tpu.memref_slice %arg4[%add3A_186, %dma_wait3A_1425] : memref<256x100000xf32, #tpu.memory_space<hbm>> -> memref<1x100000xf32, #tpu.memory_space<hbm>>
      %dma_wait3A_1427 = tpu.memref_squeeze %dma_wait3A_1426 : memref<1x100000xf32, #tpu.memory_space<hbm>> -> memref<100000xf32, #tpu.memory_space<hbm>>
      %dma_wait3A_1428 = arith.constant 0 : i32
      %dma_wait3A_1429 = tpu.memref_slice %arg4[%add3A_186, %dma_wait3A_1428] : memref<256x100000xf32, #tpu.memory_space<hbm>> -> memref<1x100000xf32, #tpu.memory_space<hbm>>
      %dma_wait3A_1430 = tpu.memref_squeeze %dma_wait3A_1429 : memref<1x100000xf32, #tpu.memory_space<hbm>> -> memref<100000xf32, #tpu.memory_space<hbm>>
      tpu.wait_dma2 semaphore(%run_scoped3A : memref<!tpu.dma_semaphore, #tpu.memory_space<semaphore_mem>>) src(%arg7 : memref<100000xf32, #tpu.memory_space<vmem>>) dst(%dma_wait3A_1430 : memref<100000xf32, #tpu.memory_space<hbm>>)
      tpu.yield
    }) : () -> ()
    tpu.vector_store_idx %arg7[%get3A_19], %broadcast_in_dim3A_10 : memref<100000xf32, #tpu.memory_space<vmem>>[vector<16xi32>], vector<16xf32>,
    tpu.vector_store_idx %arg7[%get3A_21], %broadcast_in_dim3A_10 : memref<100000xf32, #tpu.memory_space<vmem>>[vector<16xi32>], vector<16xf32>,
    %get3A_187 = arith.constant 32 : index
    %get3A_188 = tpu.vector_load %arg5[%get3A_187] {strides = array<i32>} : memref<256xi32, #tpu.memory_space<vmem>>, vector<16xi32>,
    %get3A_189 = arith.constant 48 : index
    %get3A_190 = tpu.vector_load %arg5[%get3A_189] {strides = array<i32>} : memref<256xi32, #tpu.memory_space<vmem>>, vector<16xi32>,
    %get3A_191 = arith.constant 32 : index
    %get3A_192 = tpu.vector_load %arg6[%get3A_191] {strides = array<i32>} : memref<256xf32, #tpu.memory_space<vmem>>, vector<16xf32>,
    %get3A_193 = arith.constant 48 : index
    %get3A_194 = tpu.vector_load %arg6[%get3A_193] {strides = array<i32>} : memref<256xf32, #tpu.memory_space<vmem>>, vector<16xf32>,
    %mul3A_195 = arith.constant -1.000000e-01 : f32
    %mul3A_196 = vector.broadcast %mul3A_195 : f32 to vector<16xf32>
    %mul3A_197 = arith.mulf %get3A_192, %mul3A_196 : vector<16xf32>
    %exp3A_198 = math.exp %mul3A_197 : vector<16xf32>
    %mul3A_199 = arith.constant -1.000000e-01 : f32
    %mul3A_200 = vector.broadcast %mul3A_199 : f32 to vector<16xf32>
    %mul3A_201 = arith.mulf %get3A_194, %mul3A_200 : vector<16xf32>
    %exp3A_202 = math.exp %mul3A_201 : vector<16xf32>
    %add3A_203 = arith.addf %exp3A_198, %exp3A_202 : vector<16xf32>
    %xor3A_204 = arith.constant 8 : i32
    %xor3A_205 = vector.broadcast %xor3A_204 : i32 to vector<16xi32>
    %xor3A_206 = arith.xori %iota3A, %xor3A_205 : vector<16xi32>
    %lt3A_207 = arith.constant 0 : i32
    %lt3A_208 = vector.broadcast %lt3A_207 : i32 to vector<16xi32>
    %lt3A_209 = arith.cmpi slt, %xor3A_206, %lt3A_208 : vector<16xi32>
    %add3A_210 = arith.constant 16 : i32
    %add3A_211 = vector.broadcast %add3A_210 : i32 to vector<16xi32>
    %add3A_212 = arith.addi %xor3A_206, %add3A_211 : vector<16xi32>
    %select_n3A_213 = arith.select %lt3A_209, %add3A_212, %xor3A_206 : vector<16xi1>, vector<16xi32>
    %broadcast_in_dim3A_214 = vector.shape_cast %select_n3A_213 : vector<16xi32> to vector<16x1xi32>
    %gather3A_215 = vector.shape_cast %broadcast_in_dim3A_214 : vector<16x1xi32> to vector<16xi32>
    %gather3A_216 = tpu.dynamic_gather %add3A_203[%gather3A_215] in [0] : vector<16xf32>, vector<16xi32> -> vector<16xf32>
    %add3A_217 = arith.addf %add3A_203, %gather3A_216 : vector<16xf32>
    %xor3A_218 = arith.constant 4 : i32
    %xor3A_219 = vector.broadcast %xor3A_218 : i32 to vector<16xi32>
    %xor3A_220 = arith.xori %iota3A, %xor3A_219 : vector<16xi32>
    %lt3A_221 = arith.constant 0 : i32
    %lt3A_222 = vector.broadcast %lt3A_221 : i32 to vector<16xi32>
    %lt3A_223 = arith.cmpi slt, %xor3A_220, %lt3A_222 : vector<16xi32>
    %add3A_224 = arith.constant 16 : i32
    %add3A_225 = vector.broadcast %add3A_224 : i32 to vector<16xi32>
    %add3A_226 = arith.addi %xor3A_220, %add3A_225 : vector<16xi32>
    %select_n3A_227 = arith.select %lt3A_223, %add3A_226, %xor3A_220 : vector<16xi1>, vector<16xi32>
    %broadcast_in_dim3A_228 = vector.shape_cast %select_n3A_227 : vector<16xi32> to vector<16x1xi32>
    %gather3A_229 = vector.shape_cast %broadcast_in_dim3A_228 : vector<16x1xi32> to vector<16xi32>
    %gather3A_230 = tpu.dynamic_gather %add3A_217[%gather3A_229] in [0] : vector<16xf32>, vector<16xi32> -> vector<16xf32>
    %add3A_231 = arith.addf %add3A_217, %gather3A_230 : vector<16xf32>
    %xor3A_232 = arith.constant 2 : i32
    %xor3A_233 = vector.broadcast %xor3A_232 : i32 to vector<16xi32>
    %xor3A_234 = arith.xori %iota3A, %xor3A_233 : vector<16xi32>
    %lt3A_235 = arith.constant 0 : i32
    %lt3A_236 = vector.broadcast %lt3A_235 : i32 to vector<16xi32>
    %lt3A_237 = arith.cmpi slt, %xor3A_234, %lt3A_236 : vector<16xi32>
    %add3A_238 = arith.constant 16 : i32
    %add3A_239 = vector.broadcast %add3A_238 : i32 to vector<16xi32>
    %add3A_240 = arith.addi %xor3A_234, %add3A_239 : vector<16xi32>
    %select_n3A_241 = arith.select %lt3A_237, %add3A_240, %xor3A_234 : vector<16xi1>, vector<16xi32>
    %broadcast_in_dim3A_242 = vector.shape_cast %select_n3A_241 : vector<16xi32> to vector<16x1xi32>
    %gather3A_243 = vector.shape_cast %broadcast_in_dim3A_242 : vector<16x1xi32> to vector<16xi32>
    %gather3A_244 = tpu.dynamic_gather %add3A_231[%gather3A_243] in [0] : vector<16xf32>, vector<16xi32> -> vector<16xf32>
    %add3A_245 = arith.addf %add3A_231, %gather3A_244 : vector<16xf32>
    %xor3A_246 = arith.constant 1 : i32
    %xor3A_247 = vector.broadcast %xor3A_246 : i32 to vector<16xi32>
    %xor3A_248 = arith.xori %iota3A, %xor3A_247 : vector<16xi32>
    %lt3A_249 = arith.constant 0 : i32
    %lt3A_250 = vector.broadcast %lt3A_249 : i32 to vector<16xi32>
    %lt3A_251 = arith.cmpi slt, %xor3A_248, %lt3A_250 : vector<16xi32>
    %add3A_252 = arith.constant 16 : i32
    %add3A_253 = vector.broadcast %add3A_252 : i32 to vector<16xi32>
    %add3A_254 = arith.addi %xor3A_248, %add3A_253 : vector<16xi32>
    %select_n3A_255 = arith.select %lt3A_251, %add3A_254, %xor3A_248 : vector<16xi1>, vector<16xi32>
    %broadcast_in_dim3A_256 = vector.shape_cast %select_n3A_255 : vector<16xi32> to vector<16x1xi32>
    %gather3A_257 = vector.shape_cast %broadcast_in_dim3A_256 : vector<16x1xi32> to vector<16xi32>
    %gather3A_258 = tpu.dynamic_gather %add3A_245[%gather3A_257] in [0] : vector<16xf32>, vector<16xi32> -> vector<16xf32>
    %add3A_259 = arith.addf %add3A_245, %gather3A_258 : vector<16xf32>
    %div3A_260 = arith.constant 1.000000e+00 : f32
    %div3A_261 = vector.broadcast %div3A_260 : f32 to vector<16xf32>
    %div3A_262 = arith.divf %div3A_261, %add3A_259 : vector<16xf32>
    %mul3A_263 = arith.mulf %exp3A_198, %div3A_262 : vector<16xf32>
    %mul3A_264 = arith.mulf %exp3A_202, %div3A_262 : vector<16xf32>
    %eq3A_265 = arith.constant 0 : i32
    %eq3A_266 = vector.broadcast %eq3A_265 : i32 to vector<16xi32>
    %eq3A_267 = arith.cmpi eq, %iota3A, %eq3A_266 : vector<16xi32>
    tpu.vector_store_idx %arg7[%get3A_188], %mul3A_263 masked %eq3A_267 {add = true} : memref<100000xf32, #tpu.memory_space<vmem>>[vector<16xi32>], vector<16xf32>, vector<16xi1>
    %eq3A_268 = arith.constant 1 : i32
    %eq3A_269 = vector.broadcast %eq3A_268 : i32 to vector<16xi32>
    %eq3A_270 = arith.cmpi eq, %iota3A, %eq3A_269 : vector<16xi32>
    tpu.vector_store_idx %arg7[%get3A_188], %mul3A_263 masked %eq3A_270 {add = true} : memref<100000xf32, #tpu.memory_space<vmem>>[vector<16xi32>], vector<16xf32>, vector<16xi1>
    %eq3A_271 = arith.constant 2 : i32
    %eq3A_272 = vector.broadcast %eq3A_271 : i32 to vector<16xi32>
    %eq3A_273 = arith.cmpi eq, %iota3A, %eq3A_272 : vector<16xi32>
    tpu.vector_store_idx %arg7[%get3A_188], %mul3A_263 masked %eq3A_273 {add = true} : memref<100000xf32, #tpu.memory_space<vmem>>[vector<16xi32>], vector<16xf32>, vector<16xi1>
    %eq3A_274 = arith.constant 3 : i32
    %eq3A_275 = vector.broadcast %eq3A_274 : i32 to vector<16xi32>
    %eq3A_276 = arith.cmpi eq, %iota3A, %eq3A_275 : vector<16xi32>
    tpu.vector_store_idx %arg7[%get3A_188], %mul3A_263 masked %eq3A_276 {add = true} : memref<100000xf32, #tpu.memory_space<vmem>>[vector<16xi32>], vector<16xf32>, vector<16xi1>
    %eq3A_277 = arith.constant 4 : i32
    %eq3A_278 = vector.broadcast %eq3A_277 : i32 to vector<16xi32>
    %eq3A_279 = arith.cmpi eq, %iota3A, %eq3A_278 : vector<16xi32>
    tpu.vector_store_idx %arg7[%get3A_188], %mul3A_263 masked %eq3A_279 {add = true} : memref<100000xf32, #tpu.memory_space<vmem>>[vector<16xi32>], vector<16xf32>, vector<16xi1>
    %eq3A_280 = arith.constant 5 : i32
    %eq3A_281 = vector.broadcast %eq3A_280 : i32 to vector<16xi32>
    %eq3A_282 = arith.cmpi eq, %iota3A, %eq3A_281 : vector<16xi32>
    tpu.vector_store_idx %arg7[%get3A_188], %mul3A_263 masked %eq3A_282 {add = true} : memref<100000xf32, #tpu.memory_space<vmem>>[vector<16xi32>], vector<16xf32>, vector<16xi1>
    %eq3A_283 = arith.constant 6 : i32
    %eq3A_284 = vector.broadcast %eq3A_283 : i32 to vector<16xi32>
    %eq3A_285 = arith.cmpi eq, %iota3A, %eq3A_284 : vector<16xi32>
    tpu.vector_store_idx %arg7[%get3A_188], %mul3A_263 masked %eq3A_285 {add = true} : memref<100000xf32, #tpu.memory_space<vmem>>[vector<16xi32>], vector<16xf32>, vector<16xi1>
    %eq3A_286 = arith.constant 7 : i32
    %eq3A_287 = vector.broadcast %eq3A_286 : i32 to vector<16xi32>
    %eq3A_288 = arith.cmpi eq, %iota3A, %eq3A_287 : vector<16xi32>
    tpu.vector_store_idx %arg7[%get3A_188], %mul3A_263 masked %eq3A_288 {add = true} : memref<100000xf32, #tpu.memory_space<vmem>>[vector<16xi32>], vector<16xf32>, vector<16xi1>
    %eq3A_289 = arith.constant 8 : i32
    %eq3A_290 = vector.broadcast %eq3A_289 : i32 to vector<16xi32>
    %eq3A_291 = arith.cmpi eq, %iota3A, %eq3A_290 : vector<16xi32>
    tpu.vector_store_idx %arg7[%get3A_188], %mul3A_263 masked %eq3A_291 {add = true} : memref<100000xf32, #tpu.memory_space<vmem>>[vector<16xi32>], vector<16xf32>, vector<16xi1>
    %eq3A_292 = arith.constant 9 : i32
    %eq3A_293 = vector.broadcast %eq3A_292 : i32 to vector<16xi32>
    %eq3A_294 = arith.cmpi eq, %iota3A, %eq3A_293 : vector<16xi32>
    tpu.vector_store_idx %arg7[%get3A_188], %mul3A_263 masked %eq3A_294 {add = true} : memref<100000xf32, #tpu.memory_space<vmem>>[vector<16xi32>], vector<16xf32>, vector<16xi1>
    %eq3A_295 = arith.constant 10 : i32
    %eq3A_296 = vector.broadcast %eq3A_295 : i32 to vector<16xi32>
    %eq3A_297 = arith.cmpi eq, %iota3A, %eq3A_296 : vector<16xi32>
    tpu.vector_store_idx %arg7[%get3A_188], %mul3A_263 masked %eq3A_297 {add = true} : memref<100000xf32, #tpu.memory_space<vmem>>[vector<16xi32>], vector<16xf32>, vector<16xi1>
    %eq3A_298 = arith.constant 11 : i32
    %eq3A_299 = vector.broadcast %eq3A_298 : i32 to vector<16xi32>
    %eq3A_300 = arith.cmpi eq, %iota3A, %eq3A_299 : vector<16xi32>
    tpu.vector_store_idx %arg7[%get3A_188], %mul3A_263 masked %eq3A_300 {add = true} : memref<100000xf32, #tpu.memory_space<vmem>>[vector<16xi32>], vector<16xf32>, vector<16xi1>
    %eq3A_301 = arith.constant 12 : i32
    %eq3A_302 = vector.broadcast %eq3A_301 : i32 to vector<16xi32>
    %eq3A_303 = arith.cmpi eq, %iota3A, %eq3A_302 : vector<16xi32>
    tpu.vector_store_idx %arg7[%get3A_188], %mul3A_263 masked %eq3A_303 {add = true} : memref<100000xf32, #tpu.memory_space<vmem>>[vector<16xi32>], vector<16xf32>, vector<16xi1>
    %eq3A_304 = arith.constant 13 : i32
    %eq3A_305 = vector.broadcast %eq3A_304 : i32 to vector<16xi32>
    %eq3A_306 = arith.cmpi eq, %iota3A, %eq3A_305 : vector<16xi32>
    tpu.vector_store_idx %arg7[%get3A_188], %mul3A_263 masked %eq3A_306 {add = true} : memref<100000xf32, #tpu.memory_space<vmem>>[vector<16xi32>], vector<16xf32>, vector<16xi1>
    %eq3A_307 = arith.constant 14 : i32
    %eq3A_308 = vector.broadcast %eq3A_307 : i32 to vector<16xi32>
    %eq3A_309 = arith.cmpi eq, %iota3A, %eq3A_308 : vector<16xi32>
    tpu.vector_store_idx %arg7[%get3A_188], %mul3A_263 masked %eq3A_309 {add = true} : memref<100000xf32, #tpu.memory_space<vmem>>[vector<16xi32>], vector<16xf32>, vector<16xi1>
    %eq3A_310 = arith.constant 15 : i32
    %eq3A_311 = vector.broadcast %eq3A_310 : i32 to vector<16xi32>
    %eq3A_312 = arith.cmpi eq, %iota3A, %eq3A_311 : vector<16xi32>
    tpu.vector_store_idx %arg7[%get3A_188], %mul3A_263 masked %eq3A_312 {add = true} : memref<100000xf32, #tpu.memory_space<vmem>>[vector<16xi32>], vector<16xf32>, vector<16xi1>
    %eq3A_313 = arith.constant 0 : i32
    %eq3A_314 = vector.broadcast %eq3A_313 : i32 to vector<16xi32>
    %eq3A_315 = arith.cmpi eq, %iota3A, %eq3A_314 : vector<16xi32>
    tpu.vector_store_idx %arg7[%get3A_190], %mul3A_264 masked %eq3A_315 {add = true} : memref<100000xf32, #tpu.memory_space<vmem>>[vector<16xi32>], vector<16xf32>, vector<16xi1>
    %eq3A_316 = arith.constant 1 : i32
    %eq3A_317 = vector.broadcast %eq3A_316 : i32 to vector<16xi32>
    %eq3A_318 = arith.cmpi eq, %iota3A, %eq3A_317 : vector<16xi32>
    tpu.vector_store_idx %arg7[%get3A_190], %mul3A_264 masked %eq3A_318 {add = true} : memref<100000xf32, #tpu.memory_space<vmem>>[vector<16xi32>], vector<16xf32>, vector<16xi1>
    %eq3A_319 = arith.constant 2 : i32
    %eq3A_320 = vector.broadcast %eq3A_319 : i32 to vector<16xi32>
    %eq3A_321 = arith.cmpi eq, %iota3A, %eq3A_320 : vector<16xi32>
    tpu.vector_store_idx %arg7[%get3A_190], %mul3A_264 masked %eq3A_321 {add = true} : memref<100000xf32, #tpu.memory_space<vmem>>[vector<16xi32>], vector<16xf32>, vector<16xi1>
    %eq3A_322 = arith.constant 3 : i32
    %eq3A_323 = vector.broadcast %eq3A_322 : i32 to vector<16xi32>
    %eq3A_324 = arith.cmpi eq, %iota3A, %eq3A_323 : vector<16xi32>
    tpu.vector_store_idx %arg7[%get3A_190], %mul3A_264 masked %eq3A_324 {add = true} : memref<100000xf32, #tpu.memory_space<vmem>>[vector<16xi32>], vector<16xf32>, vector<16xi1>
    %eq3A_325 = arith.constant 4 : i32
    %eq3A_326 = vector.broadcast %eq3A_325 : i32 to vector<16xi32>
    %eq3A_327 = arith.cmpi eq, %iota3A, %eq3A_326 : vector<16xi32>
    tpu.vector_store_idx %arg7[%get3A_190], %mul3A_264 masked %eq3A_327 {add = true} : memref<100000xf32, #tpu.memory_space<vmem>>[vector<16xi32>], vector<16xf32>, vector<16xi1>
    %eq3A_328 = arith.constant 5 : i32
    %eq3A_329 = vector.broadcast %eq3A_328 : i32 to vector<16xi32>
    %eq3A_330 = arith.cmpi eq, %iota3A, %eq3A_329 : vector<16xi32>
    tpu.vector_store_idx %arg7[%get3A_190], %mul3A_264 masked %eq3A_330 {add = true} : memref<100000xf32, #tpu.memory_space<vmem>>[vector<16xi32>], vector<16xf32>, vector<16xi1>
    %eq3A_331 = arith.constant 6 : i32
    %eq3A_332 = vector.broadcast %eq3A_331 : i32 to vector<16xi32>
    %eq3A_333 = arith.cmpi eq, %iota3A, %eq3A_332 : vector<16xi32>
    tpu.vector_store_idx %arg7[%get3A_190], %mul3A_264 masked %eq3A_333 {add = true} : memref<100000xf32, #tpu.memory_space<vmem>>[vector<16xi32>], vector<16xf32>, vector<16xi1>
    %eq3A_334 = arith.constant 7 : i32
    %eq3A_335 = vector.broadcast %eq3A_334 : i32 to vector<16xi32>
    %eq3A_336 = arith.cmpi eq, %iota3A, %eq3A_335 : vector<16xi32>
    tpu.vector_store_idx %arg7[%get3A_190], %mul3A_264 masked %eq3A_336 {add = true} : memref<100000xf32, #tpu.memory_space<vmem>>[vector<16xi32>], vector<16xf32>, vector<16xi1>
    %eq3A_337 = arith.constant 8 : i32
    %eq3A_338 = vector.broadcast %eq3A_337 : i32 to vector<16xi32>
    %eq3A_339 = arith.cmpi eq, %iota3A, %eq3A_338 : vector<16xi32>
    tpu.vector_store_idx %arg7[%get3A_190], %mul3A_264 masked %eq3A_339 {add = true} : memref<100000xf32, #tpu.memory_space<vmem>>[vector<16xi32>], vector<16xf32>, vector<16xi1>
    %eq3A_340 = arith.constant 9 : i32
    %eq3A_341 = vector.broadcast %eq3A_340 : i32 to vector<16xi32>
    %eq3A_342 = arith.cmpi eq, %iota3A, %eq3A_341 : vector<16xi32>
    tpu.vector_store_idx %arg7[%get3A_190], %mul3A_264 masked %eq3A_342 {add = true} : memref<100000xf32, #tpu.memory_space<vmem>>[vector<16xi32>], vector<16xf32>, vector<16xi1>
    %eq3A_343 = arith.constant 10 : i32
    %eq3A_344 = vector.broadcast %eq3A_343 : i32 to vector<16xi32>
    %eq3A_345 = arith.cmpi eq, %iota3A, %eq3A_344 : vector<16xi32>
    tpu.vector_store_idx %arg7[%get3A_190], %mul3A_264 masked %eq3A_345 {add = true} : memref<100000xf32, #tpu.memory_space<vmem>>[vector<16xi32>], vector<16xf32>, vector<16xi1>
    %eq3A_346 = arith.constant 11 : i32
    %eq3A_347 = vector.broadcast %eq3A_346 : i32 to vector<16xi32>
    %eq3A_348 = arith.cmpi eq, %iota3A, %eq3A_347 : vector<16xi32>
    tpu.vector_store_idx %arg7[%get3A_190], %mul3A_264 masked %eq3A_348 {add = true} : memref<100000xf32, #tpu.memory_space<vmem>>[vector<16xi32>], vector<16xf32>, vector<16xi1>
    %eq3A_349 = arith.constant 12 : i32
    %eq3A_350 = vector.broadcast %eq3A_349 : i32 to vector<16xi32>
    %eq3A_351 = arith.cmpi eq, %iota3A, %eq3A_350 : vector<16xi32>
    tpu.vector_store_idx %arg7[%get3A_190], %mul3A_264 masked %eq3A_351 {add = true} : memref<100000xf32, #tpu.memory_space<vmem>>[vector<16xi32>], vector<16xf32>, vector<16xi1>
    %eq3A_352 = arith.constant 13 : i32
    %eq3A_353 = vector.broadcast %eq3A_352 : i32 to vector<16xi32>
    %eq3A_354 = arith.cmpi eq, %iota3A, %eq3A_353 : vector<16xi32>
    tpu.vector_store_idx %arg7[%get3A_190], %mul3A_264 masked %eq3A_354 {add = true} : memref<100000xf32, #tpu.memory_space<vmem>>[vector<16xi32>], vector<16xf32>, vector<16xi1>
    %eq3A_355 = arith.constant 14 : i32
    %eq3A_356 = vector.broadcast %eq3A_355 : i32 to vector<16xi32>
    %eq3A_357 = arith.cmpi eq, %iota3A, %eq3A_356 : vector<16xi32>
    tpu.vector_store_idx %arg7[%get3A_190], %mul3A_264 masked %eq3A_357 {add = true} : memref<100000xf32, #tpu.memory_space<vmem>>[vector<16xi32>], vector<16xf32>, vector<16xi1>
    %eq3A_358 = arith.constant 15 : i32
    %eq3A_359 = vector.broadcast %eq3A_358 : i32 to vector<16xi32>
    %eq3A_360 = arith.cmpi eq, %iota3A, %eq3A_359 : vector<16xi32>
    tpu.vector_store_idx %arg7[%get3A_190], %mul3A_264 masked %eq3A_360 {add = true} : memref<100000xf32, #tpu.memory_space<vmem>>[vector<16xi32>], vector<16xf32>, vector<16xi1>
    %add3A_361 = arith.constant 1 : i32
    %add3A_362 = arith.addi %mul3A_2, %add3A_361 : i32
    "tpu.region"() ({
      %run_scoped3A = tpu.sem_alloc : memref<!tpu.dma_semaphore, #tpu.memory_space<semaphore_mem>>
      %dma_start3A_1419 = arith.constant 0 : i32
      %dma_start3A_1420 = tpu.memref_slice %arg4[%add3A_362, %dma_start3A_1419] : memref<256x100000xf32, #tpu.memory_space<hbm>> -> memref<1x100000xf32, #tpu.memory_space<hbm>>
      %dma_start3A_1421 = tpu.memref_squeeze %dma_start3A_1420 : memref<1x100000xf32, #tpu.memory_space<hbm>> -> memref<100000xf32, #tpu.memory_space<hbm>>
      %dma_start3A_1422 = arith.constant 0 : i32
      %dma_start3A_1423 = tpu.memref_slice %arg4[%add3A_362, %dma_start3A_1422] : memref<256x100000xf32, #tpu.memory_space<hbm>> -> memref<1x100000xf32, #tpu.memory_space<hbm>>
      %dma_start3A_1424 = tpu.memref_squeeze %dma_start3A_1423 : memref<1x100000xf32, #tpu.memory_space<hbm>> -> memref<100000xf32, #tpu.memory_space<hbm>>
      tpu.enqueue_dma source(%arg7 : memref<100000xf32, #tpu.memory_space<vmem>>) target(%dma_start3A_1424 : memref<100000xf32, #tpu.memory_space<hbm>>) target_semaphore(%run_scoped3A : memref<!tpu.dma_semaphore, #tpu.memory_space<semaphore_mem>>)
      %dma_wait3A_1425 = arith.constant 0 : i32
      %dma_wait3A_1426 = tpu.memref_slice %arg4[%add3A_362, %dma_wait3A_1425] : memref<256x100000xf32, #tpu.memory_space<hbm>> -> memref<1x100000xf32, #tpu.memory_space<hbm>>
      %dma_wait3A_1427 = tpu.memref_squeeze %dma_wait3A_1426 : memref<1x100000xf32, #tpu.memory_space<hbm>> -> memref<100000xf32, #tpu.memory_space<hbm>>
      %dma_wait3A_1428 = arith.constant 0 : i32
      %dma_wait3A_1429 = tpu.memref_slice %arg4[%add3A_362, %dma_wait3A_1428] : memref<256x100000xf32, #tpu.memory_space<hbm>> -> memref<1x100000xf32, #tpu.memory_space<hbm>>
      %dma_wait3A_1430 = tpu.memref_squeeze %dma_wait3A_1429 : memref<1x100000xf32, #tpu.memory_space<hbm>> -> memref<100000xf32, #tpu.memory_space<hbm>>
      tpu.wait_dma2 semaphore(%run_scoped3A : memref<!tpu.dma_semaphore, #tpu.memory_space<semaphore_mem>>) src(%arg7 : memref<100000xf32, #tpu.memory_space<vmem>>) dst(%dma_wait3A_1430 : memref<100000xf32, #tpu.memory_space<hbm>>)
      tpu.yield
    }) : () -> ()
    tpu.vector_store_idx %arg7[%get3A_188], %broadcast_in_dim3A_10 : memref<100000xf32, #tpu.memory_space<vmem>>[vector<16xi32>], vector<16xf32>,
    tpu.vector_store_idx %arg7[%get3A_190], %broadcast_in_dim3A_10 : memref<100000xf32, #tpu.memory_space<vmem>>[vector<16xi32>], vector<16xf32>,
    %get3A_363 = arith.constant 64 : index
    %get3A_364 = tpu.vector_load %arg5[%get3A_363] {strides = array<i32>} : memref<256xi32, #tpu.memory_space<vmem>>, vector<16xi32>,
    %get3A_365 = arith.constant 80 : index
    %get3A_366 = tpu.vector_load %arg5[%get3A_365] {strides = array<i32>} : memref<256xi32, #tpu.memory_space<vmem>>, vector<16xi32>,
    %get3A_367 = arith.constant 64 : index
    %get3A_368 = tpu.vector_load %arg6[%get3A_367] {strides = array<i32>} : memref<256xf32, #tpu.memory_space<vmem>>, vector<16xf32>,
    %get3A_369 = arith.constant 80 : index
    %get3A_370 = tpu.vector_load %arg6[%get3A_369] {strides = array<i32>} : memref<256xf32, #tpu.memory_space<vmem>>, vector<16xf32>,
    %mul3A_371 = arith.constant -1.000000e-01 : f32
    %mul3A_372 = vector.broadcast %mul3A_371 : f32 to vector<16xf32>
    %mul3A_373 = arith.mulf %get3A_368, %mul3A_372 : vector<16xf32>
    %exp3A_374 = math.exp %mul3A_373 : vector<16xf32>
    %mul3A_375 = arith.constant -1.000000e-01 : f32
    %mul3A_376 = vector.broadcast %mul3A_375 : f32 to vector<16xf32>
    %mul3A_377 = arith.mulf %get3A_370, %mul3A_376 : vector<16xf32>
    %exp3A_378 = math.exp %mul3A_377 : vector<16xf32>
    %add3A_379 = arith.addf %exp3A_374, %exp3A_378 : vector<16xf32>
    %xor3A_380 = arith.constant 8 : i32
    %xor3A_381 = vector.broadcast %xor3A_380 : i32 to vector<16xi32>
    %xor3A_382 = arith.xori %iota3A, %xor3A_381 : vector<16xi32>
    %lt3A_383 = arith.constant 0 : i32
    %lt3A_384 = vector.broadcast %lt3A_383 : i32 to vector<16xi32>
    %lt3A_385 = arith.cmpi slt, %xor3A_382, %lt3A_384 : vector<16xi32>
    %add3A_386 = arith.constant 16 : i32
    %add3A_387 = vector.broadcast %add3A_386 : i32 to vector<16xi32>
    %add3A_388 = arith.addi %xor3A_382, %add3A_387 : vector<16xi32>
    %select_n3A_389 = arith.select %lt3A_385, %add3A_388, %xor3A_382 : vector<16xi1>, vector<16xi32>
    %broadcast_in_dim3A_390 = vector.shape_cast %select_n3A_389 : vector<16xi32> to vector<16x1xi32>
    %gather3A_391 = vector.shape_cast %broadcast_in_dim3A_390 : vector<16x1xi32> to vector<16xi32>
    %gather3A_392 = tpu.dynamic_gather %add3A_379[%gather3A_391] in [0] : vector<16xf32>, vector<16xi32> -> vector<16xf32>
    %add3A_393 = arith.addf %add3A_379, %gather3A_392 : vector<16xf32>
    %xor3A_394 = arith.constant 4 : i32
    %xor3A_395 = vector.broadcast %xor3A_394 : i32 to vector<16xi32>
    %xor3A_396 = arith.xori %iota3A, %xor3A_395 : vector<16xi32>
    %lt3A_397 = arith.constant 0 : i32
    %lt3A_398 = vector.broadcast %lt3A_397 : i32 to vector<16xi32>
    %lt3A_399 = arith.cmpi slt, %xor3A_396, %lt3A_398 : vector<16xi32>
    %add3A_400 = arith.constant 16 : i32
    %add3A_401 = vector.broadcast %add3A_400 : i32 to vector<16xi32>
    %add3A_402 = arith.addi %xor3A_396, %add3A_401 : vector<16xi32>
    %select_n3A_403 = arith.select %lt3A_399, %add3A_402, %xor3A_396 : vector<16xi1>, vector<16xi32>
    %broadcast_in_dim3A_404 = vector.shape_cast %select_n3A_403 : vector<16xi32> to vector<16x1xi32>
    %gather3A_405 = vector.shape_cast %broadcast_in_dim3A_404 : vector<16x1xi32> to vector<16xi32>
    %gather3A_406 = tpu.dynamic_gather %add3A_393[%gather3A_405] in [0] : vector<16xf32>, vector<16xi32> -> vector<16xf32>
    %add3A_407 = arith.addf %add3A_393, %gather3A_406 : vector<16xf32>
    %xor3A_408 = arith.constant 2 : i32
    %xor3A_409 = vector.broadcast %xor3A_408 : i32 to vector<16xi32>
    %xor3A_410 = arith.xori %iota3A, %xor3A_409 : vector<16xi32>
    %lt3A_411 = arith.constant 0 : i32
    %lt3A_412 = vector.broadcast %lt3A_411 : i32 to vector<16xi32>
    %lt3A_413 = arith.cmpi slt, %xor3A_410, %lt3A_412 : vector<16xi32>
    %add3A_414 = arith.constant 16 : i32
    %add3A_415 = vector.broadcast %add3A_414 : i32 to vector<16xi32>
    %add3A_416 = arith.addi %xor3A_410, %add3A_415 : vector<16xi32>
    %select_n3A_417 = arith.select %lt3A_413, %add3A_416, %xor3A_410 : vector<16xi1>, vector<16xi32>
    %broadcast_in_dim3A_418 = vector.shape_cast %select_n3A_417 : vector<16xi32> to vector<16x1xi32>
    %gather3A_419 = vector.shape_cast %broadcast_in_dim3A_418 : vector<16x1xi32> to vector<16xi32>
    %gather3A_420 = tpu.dynamic_gather %add3A_407[%gather3A_419] in [0] : vector<16xf32>, vector<16xi32> -> vector<16xf32>
    %add3A_421 = arith.addf %add3A_407, %gather3A_420 : vector<16xf32>
    %xor3A_422 = arith.constant 1 : i32
    %xor3A_423 = vector.broadcast %xor3A_422 : i32 to vector<16xi32>
    %xor3A_424 = arith.xori %iota3A, %xor3A_423 : vector<16xi32>
    %lt3A_425 = arith.constant 0 : i32
    %lt3A_426 = vector.broadcast %lt3A_425 : i32 to vector<16xi32>
    %lt3A_427 = arith.cmpi slt, %xor3A_424, %lt3A_426 : vector<16xi32>
    %add3A_428 = arith.constant 16 : i32
    %add3A_429 = vector.broadcast %add3A_428 : i32 to vector<16xi32>
    %add3A_430 = arith.addi %xor3A_424, %add3A_429 : vector<16xi32>
    %select_n3A_431 = arith.select %lt3A_427, %add3A_430, %xor3A_424 : vector<16xi1>, vector<16xi32>
    %broadcast_in_dim3A_432 = vector.shape_cast %select_n3A_431 : vector<16xi32> to vector<16x1xi32>
    %gather3A_433 = vector.shape_cast %broadcast_in_dim3A_432 : vector<16x1xi32> to vector<16xi32>
    %gather3A_434 = tpu.dynamic_gather %add3A_421[%gather3A_433] in [0] : vector<16xf32>, vector<16xi32> -> vector<16xf32>
    %add3A_435 = arith.addf %add3A_421, %gather3A_434 : vector<16xf32>
    %div3A_436 = arith.constant 1.000000e+00 : f32
    %div3A_437 = vector.broadcast %div3A_436 : f32 to vector<16xf32>
    %div3A_438 = arith.divf %div3A_437, %add3A_435 : vector<16xf32>
    %mul3A_439 = arith.mulf %exp3A_374, %div3A_438 : vector<16xf32>
    %mul3A_440 = arith.mulf %exp3A_378, %div3A_438 : vector<16xf32>
    %eq3A_441 = arith.constant 0 : i32
    %eq3A_442 = vector.broadcast %eq3A_441 : i32 to vector<16xi32>
    %eq3A_443 = arith.cmpi eq, %iota3A, %eq3A_442 : vector<16xi32>
    tpu.vector_store_idx %arg7[%get3A_364], %mul3A_439 masked %eq3A_443 {add = true} : memref<100000xf32, #tpu.memory_space<vmem>>[vector<16xi32>], vector<16xf32>, vector<16xi1>
    %eq3A_444 = arith.constant 1 : i32
    %eq3A_445 = vector.broadcast %eq3A_444 : i32 to vector<16xi32>
    %eq3A_446 = arith.cmpi eq, %iota3A, %eq3A_445 : vector<16xi32>
    tpu.vector_store_idx %arg7[%get3A_364], %mul3A_439 masked %eq3A_446 {add = true} : memref<100000xf32, #tpu.memory_space<vmem>>[vector<16xi32>], vector<16xf32>, vector<16xi1>
    %eq3A_447 = arith.constant 2 : i32
    %eq3A_448 = vector.broadcast %eq3A_447 : i32 to vector<16xi32>
    %eq3A_449 = arith.cmpi eq, %iota3A, %eq3A_448 : vector<16xi32>
    tpu.vector_store_idx %arg7[%get3A_364], %mul3A_439 masked %eq3A_449 {add = true} : memref<100000xf32, #tpu.memory_space<vmem>>[vector<16xi32>], vector<16xf32>, vector<16xi1>
    %eq3A_450 = arith.constant 3 : i32
    %eq3A_451 = vector.broadcast %eq3A_450 : i32 to vector<16xi32>
    %eq3A_452 = arith.cmpi eq, %iota3A, %eq3A_451 : vector<16xi32>
    tpu.vector_store_idx %arg7[%get3A_364], %mul3A_439 masked %eq3A_452 {add = true} : memref<100000xf32, #tpu.memory_space<vmem>>[vector<16xi32>], vector<16xf32>, vector<16xi1>
    %eq3A_453 = arith.constant 4 : i32
    %eq3A_454 = vector.broadcast %eq3A_453 : i32 to vector<16xi32>
    %eq3A_455 = arith.cmpi eq, %iota3A, %eq3A_454 : vector<16xi32>
    tpu.vector_store_idx %arg7[%get3A_364], %mul3A_439 masked %eq3A_455 {add = true} : memref<100000xf32, #tpu.memory_space<vmem>>[vector<16xi32>], vector<16xf32>, vector<16xi1>
    %eq3A_456 = arith.constant 5 : i32
    %eq3A_457 = vector.broadcast %eq3A_456 : i32 to vector<16xi32>
    %eq3A_458 = arith.cmpi eq, %iota3A, %eq3A_457 : vector<16xi32>
    tpu.vector_store_idx %arg7[%get3A_364], %mul3A_439 masked %eq3A_458 {add = true} : memref<100000xf32, #tpu.memory_space<vmem>>[vector<16xi32>], vector<16xf32>, vector<16xi1>
    %eq3A_459 = arith.constant 6 : i32
    %eq3A_460 = vector.broadcast %eq3A_459 : i32 to vector<16xi32>
    %eq3A_461 = arith.cmpi eq, %iota3A, %eq3A_460 : vector<16xi32>
    tpu.vector_store_idx %arg7[%get3A_364], %mul3A_439 masked %eq3A_461 {add = true} : memref<100000xf32, #tpu.memory_space<vmem>>[vector<16xi32>], vector<16xf32>, vector<16xi1>
    %eq3A_462 = arith.constant 7 : i32
    %eq3A_463 = vector.broadcast %eq3A_462 : i32 to vector<16xi32>
    %eq3A_464 = arith.cmpi eq, %iota3A, %eq3A_463 : vector<16xi32>
    tpu.vector_store_idx %arg7[%get3A_364], %mul3A_439 masked %eq3A_464 {add = true} : memref<100000xf32, #tpu.memory_space<vmem>>[vector<16xi32>], vector<16xf32>, vector<16xi1>
    %eq3A_465 = arith.constant 8 : i32
    %eq3A_466 = vector.broadcast %eq3A_465 : i32 to vector<16xi32>
    %eq3A_467 = arith.cmpi eq, %iota3A, %eq3A_466 : vector<16xi32>
    tpu.vector_store_idx %arg7[%get3A_364], %mul3A_439 masked %eq3A_467 {add = true} : memref<100000xf32, #tpu.memory_space<vmem>>[vector<16xi32>], vector<16xf32>, vector<16xi1>
    %eq3A_468 = arith.constant 9 : i32
    %eq3A_469 = vector.broadcast %eq3A_468 : i32 to vector<16xi32>
    %eq3A_470 = arith.cmpi eq, %iota3A, %eq3A_469 : vector<16xi32>
    tpu.vector_store_idx %arg7[%get3A_364], %mul3A_439 masked %eq3A_470 {add = true} : memref<100000xf32, #tpu.memory_space<vmem>>[vector<16xi32>], vector<16xf32>, vector<16xi1>
    %eq3A_471 = arith.constant 10 : i32
    %eq3A_472 = vector.broadcast %eq3A_471 : i32 to vector<16xi32>
    %eq3A_473 = arith.cmpi eq, %iota3A, %eq3A_472 : vector<16xi32>
    tpu.vector_store_idx %arg7[%get3A_364], %mul3A_439 masked %eq3A_473 {add = true} : memref<100000xf32, #tpu.memory_space<vmem>>[vector<16xi32>], vector<16xf32>, vector<16xi1>
    %eq3A_474 = arith.constant 11 : i32
    %eq3A_475 = vector.broadcast %eq3A_474 : i32 to vector<16xi32>
    %eq3A_476 = arith.cmpi eq, %iota3A, %eq3A_475 : vector<16xi32>
    tpu.vector_store_idx %arg7[%get3A_364], %mul3A_439 masked %eq3A_476 {add = true} : memref<100000xf32, #tpu.memory_space<vmem>>[vector<16xi32>], vector<16xf32>, vector<16xi1>
    %eq3A_477 = arith.constant 12 : i32
    %eq3A_478 = vector.broadcast %eq3A_477 : i32 to vector<16xi32>
    %eq3A_479 = arith.cmpi eq, %iota3A, %eq3A_478 : vector<16xi32>
    tpu.vector_store_idx %arg7[%get3A_364], %mul3A_439 masked %eq3A_479 {add = true} : memref<100000xf32, #tpu.memory_space<vmem>>[vector<16xi32>], vector<16xf32>, vector<16xi1>
    %eq3A_480 = arith.constant 13 : i32
    %eq3A_481 = vector.broadcast %eq3A_480 : i32 to vector<16xi32>
    %eq3A_482 = arith.cmpi eq, %iota3A, %eq3A_481 : vector<16xi32>
    tpu.vector_store_idx %arg7[%get3A_364], %mul3A_439 masked %eq3A_482 {add = true} : memref<100000xf32, #tpu.memory_space<vmem>>[vector<16xi32>], vector<16xf32>, vector<16xi1>
    %eq3A_483 = arith.constant 14 : i32
    %eq3A_484 = vector.broadcast %eq3A_483 : i32 to vector<16xi32>
    %eq3A_485 = arith.cmpi eq, %iota3A, %eq3A_484 : vector<16xi32>
    tpu.vector_store_idx %arg7[%get3A_364], %mul3A_439 masked %eq3A_485 {add = true} : memref<100000xf32, #tpu.memory_space<vmem>>[vector<16xi32>], vector<16xf32>, vector<16xi1>
    %eq3A_486 = arith.constant 15 : i32
    %eq3A_487 = vector.broadcast %eq3A_486 : i32 to vector<16xi32>
    %eq3A_488 = arith.cmpi eq, %iota3A, %eq3A_487 : vector<16xi32>
    tpu.vector_store_idx %arg7[%get3A_364], %mul3A_439 masked %eq3A_488 {add = true} : memref<100000xf32, #tpu.memory_space<vmem>>[vector<16xi32>], vector<16xf32>, vector<16xi1>
    %eq3A_489 = arith.constant 0 : i32
    %eq3A_490 = vector.broadcast %eq3A_489 : i32 to vector<16xi32>
    %eq3A_491 = arith.cmpi eq, %iota3A, %eq3A_490 : vector<16xi32>
    tpu.vector_store_idx %arg7[%get3A_366], %mul3A_440 masked %eq3A_491 {add = true} : memref<100000xf32, #tpu.memory_space<vmem>>[vector<16xi32>], vector<16xf32>, vector<16xi1>
    %eq3A_492 = arith.constant 1 : i32
    %eq3A_493 = vector.broadcast %eq3A_492 : i32 to vector<16xi32>
    %eq3A_494 = arith.cmpi eq, %iota3A, %eq3A_493 : vector<16xi32>
    tpu.vector_store_idx %arg7[%get3A_366], %mul3A_440 masked %eq3A_494 {add = true} : memref<100000xf32, #tpu.memory_space<vmem>>[vector<16xi32>], vector<16xf32>, vector<16xi1>
    %eq3A_495 = arith.constant 2 : i32
    %eq3A_496 = vector.broadcast %eq3A_495 : i32 to vector<16xi32>
    %eq3A_497 = arith.cmpi eq, %iota3A, %eq3A_496 : vector<16xi32>
    tpu.vector_store_idx %arg7[%get3A_366], %mul3A_440 masked %eq3A_497 {add = true} : memref<100000xf32, #tpu.memory_space<vmem>>[vector<16xi32>], vector<16xf32>, vector<16xi1>
    %eq3A_498 = arith.constant 3 : i32
    %eq3A_499 = vector.broadcast %eq3A_498 : i32 to vector<16xi32>
    %eq3A_500 = arith.cmpi eq, %iota3A, %eq3A_499 : vector<16xi32>
    tpu.vector_store_idx %arg7[%get3A_366], %mul3A_440 masked %eq3A_500 {add = true} : memref<100000xf32, #tpu.memory_space<vmem>>[vector<16xi32>], vector<16xf32>, vector<16xi1>
    %eq3A_501 = arith.constant 4 : i32
    %eq3A_502 = vector.broadcast %eq3A_501 : i32 to vector<16xi32>
    %eq3A_503 = arith.cmpi eq, %iota3A, %eq3A_502 : vector<16xi32>
    tpu.vector_store_idx %arg7[%get3A_366], %mul3A_440 masked %eq3A_503 {add = true} : memref<100000xf32, #tpu.memory_space<vmem>>[vector<16xi32>], vector<16xf32>, vector<16xi1>
    %eq3A_504 = arith.constant 5 : i32
    %eq3A_505 = vector.broadcast %eq3A_504 : i32 to vector<16xi32>
    %eq3A_506 = arith.cmpi eq, %iota3A, %eq3A_505 : vector<16xi32>
    tpu.vector_store_idx %arg7[%get3A_366], %mul3A_440 masked %eq3A_506 {add = true} : memref<100000xf32, #tpu.memory_space<vmem>>[vector<16xi32>], vector<16xf32>, vector<16xi1>
    %eq3A_507 = arith.constant 6 : i32
    %eq3A_508 = vector.broadcast %eq3A_507 : i32 to vector<16xi32>
    %eq3A_509 = arith.cmpi eq, %iota3A, %eq3A_508 : vector<16xi32>
    tpu.vector_store_idx %arg7[%get3A_366], %mul3A_440 masked %eq3A_509 {add = true} : memref<100000xf32, #tpu.memory_space<vmem>>[vector<16xi32>], vector<16xf32>, vector<16xi1>
    %eq3A_510 = arith.constant 7 : i32
    %eq3A_511 = vector.broadcast %eq3A_510 : i32 to vector<16xi32>
    %eq3A_512 = arith.cmpi eq, %iota3A, %eq3A_511 : vector<16xi32>
    tpu.vector_store_idx %arg7[%get3A_366], %mul3A_440 masked %eq3A_512 {add = true} : memref<100000xf32, #tpu.memory_space<vmem>>[vector<16xi32>], vector<16xf32>, vector<16xi1>
    %eq3A_513 = arith.constant 8 : i32
    %eq3A_514 = vector.broadcast %eq3A_513 : i32 to vector<16xi32>
    %eq3A_515 = arith.cmpi eq, %iota3A, %eq3A_514 : vector<16xi32>
    tpu.vector_store_idx %arg7[%get3A_366], %mul3A_440 masked %eq3A_515 {add = true} : memref<100000xf32, #tpu.memory_space<vmem>>[vector<16xi32>], vector<16xf32>, vector<16xi1>
    %eq3A_516 = arith.constant 9 : i32
    %eq3A_517 = vector.broadcast %eq3A_516 : i32 to vector<16xi32>
    %eq3A_518 = arith.cmpi eq, %iota3A, %eq3A_517 : vector<16xi32>
    tpu.vector_store_idx %arg7[%get3A_366], %mul3A_440 masked %eq3A_518 {add = true} : memref<100000xf32, #tpu.memory_space<vmem>>[vector<16xi32>], vector<16xf32>, vector<16xi1>
    %eq3A_519 = arith.constant 10 : i32
    %eq3A_520 = vector.broadcast %eq3A_519 : i32 to vector<16xi32>
    %eq3A_521 = arith.cmpi eq, %iota3A, %eq3A_520 : vector<16xi32>
    tpu.vector_store_idx %arg7[%get3A_366], %mul3A_440 masked %eq3A_521 {add = true} : memref<100000xf32, #tpu.memory_space<vmem>>[vector<16xi32>], vector<16xf32>, vector<16xi1>
    %eq3A_522 = arith.constant 11 : i32
    %eq3A_523 = vector.broadcast %eq3A_522 : i32 to vector<16xi32>
    %eq3A_524 = arith.cmpi eq, %iota3A, %eq3A_523 : vector<16xi32>
    tpu.vector_store_idx %arg7[%get3A_366], %mul3A_440 masked %eq3A_524 {add = true} : memref<100000xf32, #tpu.memory_space<vmem>>[vector<16xi32>], vector<16xf32>, vector<16xi1>
    %eq3A_525 = arith.constant 12 : i32
    %eq3A_526 = vector.broadcast %eq3A_525 : i32 to vector<16xi32>
    %eq3A_527 = arith.cmpi eq, %iota3A, %eq3A_526 : vector<16xi32>
    tpu.vector_store_idx %arg7[%get3A_366], %mul3A_440 masked %eq3A_527 {add = true} : memref<100000xf32, #tpu.memory_space<vmem>>[vector<16xi32>], vector<16xf32>, vector<16xi1>
    %eq3A_528 = arith.constant 13 : i32
    %eq3A_529 = vector.broadcast %eq3A_528 : i32 to vector<16xi32>
    %eq3A_530 = arith.cmpi eq, %iota3A, %eq3A_529 : vector<16xi32>
    tpu.vector_store_idx %arg7[%get3A_366], %mul3A_440 masked %eq3A_530 {add = true} : memref<100000xf32, #tpu.memory_space<vmem>>[vector<16xi32>], vector<16xf32>, vector<16xi1>
    %eq3A_531 = arith.constant 14 : i32
    %eq3A_532 = vector.broadcast %eq3A_531 : i32 to vector<16xi32>
    %eq3A_533 = arith.cmpi eq, %iota3A, %eq3A_532 : vector<16xi32>
    tpu.vector_store_idx %arg7[%get3A_366], %mul3A_440 masked %eq3A_533 {add = true} : memref<100000xf32, #tpu.memory_space<vmem>>[vector<16xi32>], vector<16xf32>, vector<16xi1>
    %eq3A_534 = arith.constant 15 : i32
    %eq3A_535 = vector.broadcast %eq3A_534 : i32 to vector<16xi32>
    %eq3A_536 = arith.cmpi eq, %iota3A, %eq3A_535 : vector<16xi32>
    tpu.vector_store_idx %arg7[%get3A_366], %mul3A_440 masked %eq3A_536 {add = true} : memref<100000xf32, #tpu.memory_space<vmem>>[vector<16xi32>], vector<16xf32>, vector<16xi1>
    %add3A_537 = arith.constant 2 : i32
    %add3A_538 = arith.addi %mul3A_2, %add3A_537 : i32
    "tpu.region"() ({
      %run_scoped3A = tpu.sem_alloc : memref<!tpu.dma_semaphore, #tpu.memory_space<semaphore_mem>>
      %dma_start3A_1419 = arith.constant 0 : i32
      %dma_start3A_1420 = tpu.memref_slice %arg4[%add3A_538, %dma_start3A_1419] : memref<256x100000xf32, #tpu.memory_space<hbm>> -> memref<1x100000xf32, #tpu.memory_space<hbm>>
      %dma_start3A_1421 = tpu.memref_squeeze %dma_start3A_1420 : memref<1x100000xf32, #tpu.memory_space<hbm>> -> memref<100000xf32, #tpu.memory_space<hbm>>
      %dma_start3A_1422 = arith.constant 0 : i32
      %dma_start3A_1423 = tpu.memref_slice %arg4[%add3A_538, %dma_start3A_1422] : memref<256x100000xf32, #tpu.memory_space<hbm>> -> memref<1x100000xf32, #tpu.memory_space<hbm>>
      %dma_start3A_1424 = tpu.memref_squeeze %dma_start3A_1423 : memref<1x100000xf32, #tpu.memory_space<hbm>> -> memref<100000xf32, #tpu.memory_space<hbm>>
      tpu.enqueue_dma source(%arg7 : memref<100000xf32, #tpu.memory_space<vmem>>) target(%dma_start3A_1424 : memref<100000xf32, #tpu.memory_space<hbm>>) target_semaphore(%run_scoped3A : memref<!tpu.dma_semaphore, #tpu.memory_space<semaphore_mem>>)
      %dma_wait3A_1425 = arith.constant 0 : i32
      %dma_wait3A_1426 = tpu.memref_slice %arg4[%add3A_538, %dma_wait3A_1425] : memref<256x100000xf32, #tpu.memory_space<hbm>> -> memref<1x100000xf32, #tpu.memory_space<hbm>>
      %dma_wait3A_1427 = tpu.memref_squeeze %dma_wait3A_1426 : memref<1x100000xf32, #tpu.memory_space<hbm>> -> memref<100000xf32, #tpu.memory_space<hbm>>
      %dma_wait3A_1428 = arith.constant 0 : i32
      %dma_wait3A_1429 = tpu.memref_slice %arg4[%add3A_538, %dma_wait3A_1428] : memref<256x100000xf32, #tpu.memory_space<hbm>> -> memref<1x100000xf32, #tpu.memory_space<hbm>>
      %dma_wait3A_1430 = tpu.memref_squeeze %dma_wait3A_1429 : memref<1x100000xf32, #tpu.memory_space<hbm>> -> memref<100000xf32, #tpu.memory_space<hbm>>
      tpu.wait_dma2 semaphore(%run_scoped3A : memref<!tpu.dma_semaphore, #tpu.memory_space<semaphore_mem>>) src(%arg7 : memref<100000xf32, #tpu.memory_space<vmem>>) dst(%dma_wait3A_1430 : memref<100000xf32, #tpu.memory_space<hbm>>)
      tpu.yield
    }) : () -> ()
    tpu.vector_store_idx %arg7[%get3A_364], %broadcast_in_dim3A_10 : memref<100000xf32, #tpu.memory_space<vmem>>[vector<16xi32>], vector<16xf32>,
    tpu.vector_store_idx %arg7[%get3A_366], %broadcast_in_dim3A_10 : memref<100000xf32, #tpu.memory_space<vmem>>[vector<16xi32>], vector<16xf32>,
    %get3A_539 = arith.constant 96 : index
    %get3A_540 = tpu.vector_load %arg5[%get3A_539] {strides = array<i32>} : memref<256xi32, #tpu.memory_space<vmem>>, vector<16xi32>,
    %get3A_541 = arith.constant 112 : index
    %get3A_542 = tpu.vector_load %arg5[%get3A_541] {strides = array<i32>} : memref<256xi32, #tpu.memory_space<vmem>>, vector<16xi32>,
    %get3A_543 = arith.constant 96 : index
    %get3A_544 = tpu.vector_load %arg6[%get3A_543] {strides = array<i32>} : memref<256xf32, #tpu.memory_space<vmem>>, vector<16xf32>,
    %get3A_545 = arith.constant 112 : index
    %get3A_546 = tpu.vector_load %arg6[%get3A_545] {strides = array<i32>} : memref<256xf32, #tpu.memory_space<vmem>>, vector<16xf32>,
    %mul3A_547 = arith.constant -1.000000e-01 : f32
    %mul3A_548 = vector.broadcast %mul3A_547 : f32 to vector<16xf32>
    %mul3A_549 = arith.mulf %get3A_544, %mul3A_548 : vector<16xf32>
    %exp3A_550 = math.exp %mul3A_549 : vector<16xf32>
    %mul3A_551 = arith.constant -1.000000e-01 : f32
    %mul3A_552 = vector.broadcast %mul3A_551 : f32 to vector<16xf32>
    %mul3A_553 = arith.mulf %get3A_546, %mul3A_552 : vector<16xf32>
    %exp3A_554 = math.exp %mul3A_553 : vector<16xf32>
    %add3A_555 = arith.addf %exp3A_550, %exp3A_554 : vector<16xf32>
    %xor3A_556 = arith.constant 8 : i32
    %xor3A_557 = vector.broadcast %xor3A_556 : i32 to vector<16xi32>
    %xor3A_558 = arith.xori %iota3A, %xor3A_557 : vector<16xi32>
    %lt3A_559 = arith.constant 0 : i32
    %lt3A_560 = vector.broadcast %lt3A_559 : i32 to vector<16xi32>
    %lt3A_561 = arith.cmpi slt, %xor3A_558, %lt3A_560 : vector<16xi32>
    %add3A_562 = arith.constant 16 : i32
    %add3A_563 = vector.broadcast %add3A_562 : i32 to vector<16xi32>
    %add3A_564 = arith.addi %xor3A_558, %add3A_563 : vector<16xi32>
    %select_n3A_565 = arith.select %lt3A_561, %add3A_564, %xor3A_558 : vector<16xi1>, vector<16xi32>
    %broadcast_in_dim3A_566 = vector.shape_cast %select_n3A_565 : vector<16xi32> to vector<16x1xi32>
    %gather3A_567 = vector.shape_cast %broadcast_in_dim3A_566 : vector<16x1xi32> to vector<16xi32>
    %gather3A_568 = tpu.dynamic_gather %add3A_555[%gather3A_567] in [0] : vector<16xf32>, vector<16xi32> -> vector<16xf32>
    %add3A_569 = arith.addf %add3A_555, %gather3A_568 : vector<16xf32>
    %xor3A_570 = arith.constant 4 : i32
    %xor3A_571 = vector.broadcast %xor3A_570 : i32 to vector<16xi32>
    %xor3A_572 = arith.xori %iota3A, %xor3A_571 : vector<16xi32>
    %lt3A_573 = arith.constant 0 : i32
    %lt3A_574 = vector.broadcast %lt3A_573 : i32 to vector<16xi32>
    %lt3A_575 = arith.cmpi slt, %xor3A_572, %lt3A_574 : vector<16xi32>
    %add3A_576 = arith.constant 16 : i32
    %add3A_577 = vector.broadcast %add3A_576 : i32 to vector<16xi32>
    %add3A_578 = arith.addi %xor3A_572, %add3A_577 : vector<16xi32>
    %select_n3A_579 = arith.select %lt3A_575, %add3A_578, %xor3A_572 : vector<16xi1>, vector<16xi32>
    %broadcast_in_dim3A_580 = vector.shape_cast %select_n3A_579 : vector<16xi32> to vector<16x1xi32>
    %gather3A_581 = vector.shape_cast %broadcast_in_dim3A_580 : vector<16x1xi32> to vector<16xi32>
    %gather3A_582 = tpu.dynamic_gather %add3A_569[%gather3A_581] in [0] : vector<16xf32>, vector<16xi32> -> vector<16xf32>
    %add3A_583 = arith.addf %add3A_569, %gather3A_582 : vector<16xf32>
    %xor3A_584 = arith.constant 2 : i32
    %xor3A_585 = vector.broadcast %xor3A_584 : i32 to vector<16xi32>
    %xor3A_586 = arith.xori %iota3A, %xor3A_585 : vector<16xi32>
    %lt3A_587 = arith.constant 0 : i32
    %lt3A_588 = vector.broadcast %lt3A_587 : i32 to vector<16xi32>
    %lt3A_589 = arith.cmpi slt, %xor3A_586, %lt3A_588 : vector<16xi32>
    %add3A_590 = arith.constant 16 : i32
    %add3A_591 = vector.broadcast %add3A_590 : i32 to vector<16xi32>
    %add3A_592 = arith.addi %xor3A_586, %add3A_591 : vector<16xi32>
    %select_n3A_593 = arith.select %lt3A_589, %add3A_592, %xor3A_586 : vector<16xi1>, vector<16xi32>
    %broadcast_in_dim3A_594 = vector.shape_cast %select_n3A_593 : vector<16xi32> to vector<16x1xi32>
    %gather3A_595 = vector.shape_cast %broadcast_in_dim3A_594 : vector<16x1xi32> to vector<16xi32>
    %gather3A_596 = tpu.dynamic_gather %add3A_583[%gather3A_595] in [0] : vector<16xf32>, vector<16xi32> -> vector<16xf32>
    %add3A_597 = arith.addf %add3A_583, %gather3A_596 : vector<16xf32>
    %xor3A_598 = arith.constant 1 : i32
    %xor3A_599 = vector.broadcast %xor3A_598 : i32 to vector<16xi32>
    %xor3A_600 = arith.xori %iota3A, %xor3A_599 : vector<16xi32>
    %lt3A_601 = arith.constant 0 : i32
    %lt3A_602 = vector.broadcast %lt3A_601 : i32 to vector<16xi32>
    %lt3A_603 = arith.cmpi slt, %xor3A_600, %lt3A_602 : vector<16xi32>
    %add3A_604 = arith.constant 16 : i32
    %add3A_605 = vector.broadcast %add3A_604 : i32 to vector<16xi32>
    %add3A_606 = arith.addi %xor3A_600, %add3A_605 : vector<16xi32>
    %select_n3A_607 = arith.select %lt3A_603, %add3A_606, %xor3A_600 : vector<16xi1>, vector<16xi32>
    %broadcast_in_dim3A_608 = vector.shape_cast %select_n3A_607 : vector<16xi32> to vector<16x1xi32>
    %gather3A_609 = vector.shape_cast %broadcast_in_dim3A_608 : vector<16x1xi32> to vector<16xi32>
    %gather3A_610 = tpu.dynamic_gather %add3A_597[%gather3A_609] in [0] : vector<16xf32>, vector<16xi32> -> vector<16xf32>
    %add3A_611 = arith.addf %add3A_597, %gather3A_610 : vector<16xf32>
    %div3A_612 = arith.constant 1.000000e+00 : f32
    %div3A_613 = vector.broadcast %div3A_612 : f32 to vector<16xf32>
    %div3A_614 = arith.divf %div3A_613, %add3A_611 : vector<16xf32>
    %mul3A_615 = arith.mulf %exp3A_550, %div3A_614 : vector<16xf32>
    %mul3A_616 = arith.mulf %exp3A_554, %div3A_614 : vector<16xf32>
    %eq3A_617 = arith.constant 0 : i32
    %eq3A_618 = vector.broadcast %eq3A_617 : i32 to vector<16xi32>
    %eq3A_619 = arith.cmpi eq, %iota3A, %eq3A_618 : vector<16xi32>
    tpu.vector_store_idx %arg7[%get3A_540], %mul3A_615 masked %eq3A_619 {add = true} : memref<100000xf32, #tpu.memory_space<vmem>>[vector<16xi32>], vector<16xf32>, vector<16xi1>
    %eq3A_620 = arith.constant 1 : i32
    %eq3A_621 = vector.broadcast %eq3A_620 : i32 to vector<16xi32>
    %eq3A_622 = arith.cmpi eq, %iota3A, %eq3A_621 : vector<16xi32>
    tpu.vector_store_idx %arg7[%get3A_540], %mul3A_615 masked %eq3A_622 {add = true} : memref<100000xf32, #tpu.memory_space<vmem>>[vector<16xi32>], vector<16xf32>, vector<16xi1>
    %eq3A_623 = arith.constant 2 : i32
    %eq3A_624 = vector.broadcast %eq3A_623 : i32 to vector<16xi32>
    %eq3A_625 = arith.cmpi eq, %iota3A, %eq3A_624 : vector<16xi32>
    tpu.vector_store_idx %arg7[%get3A_540], %mul3A_615 masked %eq3A_625 {add = true} : memref<100000xf32, #tpu.memory_space<vmem>>[vector<16xi32>], vector<16xf32>, vector<16xi1>
    %eq3A_626 = arith.constant 3 : i32
    %eq3A_627 = vector.broadcast %eq3A_626 : i32 to vector<16xi32>
    %eq3A_628 = arith.cmpi eq, %iota3A, %eq3A_627 : vector<16xi32>
    tpu.vector_store_idx %arg7[%get3A_540], %mul3A_615 masked %eq3A_628 {add = true} : memref<100000xf32, #tpu.memory_space<vmem>>[vector<16xi32>], vector<16xf32>, vector<16xi1>
    %eq3A_629 = arith.constant 4 : i32
    %eq3A_630 = vector.broadcast %eq3A_629 : i32 to vector<16xi32>
    %eq3A_631 = arith.cmpi eq, %iota3A, %eq3A_630 : vector<16xi32>
    tpu.vector_store_idx %arg7[%get3A_540], %mul3A_615 masked %eq3A_631 {add = true} : memref<100000xf32, #tpu.memory_space<vmem>>[vector<16xi32>], vector<16xf32>, vector<16xi1>
    %eq3A_632 = arith.constant 5 : i32
    %eq3A_633 = vector.broadcast %eq3A_632 : i32 to vector<16xi32>
    %eq3A_634 = arith.cmpi eq, %iota3A, %eq3A_633 : vector<16xi32>
    tpu.vector_store_idx %arg7[%get3A_540], %mul3A_615 masked %eq3A_634 {add = true} : memref<100000xf32, #tpu.memory_space<vmem>>[vector<16xi32>], vector<16xf32>, vector<16xi1>
    %eq3A_635 = arith.constant 6 : i32
    %eq3A_636 = vector.broadcast %eq3A_635 : i32 to vector<16xi32>
    %eq3A_637 = arith.cmpi eq, %iota3A, %eq3A_636 : vector<16xi32>
    tpu.vector_store_idx %arg7[%get3A_540], %mul3A_615 masked %eq3A_637 {add = true} : memref<100000xf32, #tpu.memory_space<vmem>>[vector<16xi32>], vector<16xf32>, vector<16xi1>
    %eq3A_638 = arith.constant 7 : i32
    %eq3A_639 = vector.broadcast %eq3A_638 : i32 to vector<16xi32>
    %eq3A_640 = arith.cmpi eq, %iota3A, %eq3A_639 : vector<16xi32>
    tpu.vector_store_idx %arg7[%get3A_540], %mul3A_615 masked %eq3A_640 {add = true} : memref<100000xf32, #tpu.memory_space<vmem>>[vector<16xi32>], vector<16xf32>, vector<16xi1>
    %eq3A_641 = arith.constant 8 : i32
    %eq3A_642 = vector.broadcast %eq3A_641 : i32 to vector<16xi32>
    %eq3A_643 = arith.cmpi eq, %iota3A, %eq3A_642 : vector<16xi32>
    tpu.vector_store_idx %arg7[%get3A_540], %mul3A_615 masked %eq3A_643 {add = true} : memref<100000xf32, #tpu.memory_space<vmem>>[vector<16xi32>], vector<16xf32>, vector<16xi1>
    %eq3A_644 = arith.constant 9 : i32
    %eq3A_645 = vector.broadcast %eq3A_644 : i32 to vector<16xi32>
    %eq3A_646 = arith.cmpi eq, %iota3A, %eq3A_645 : vector<16xi32>
    tpu.vector_store_idx %arg7[%get3A_540], %mul3A_615 masked %eq3A_646 {add = true} : memref<100000xf32, #tpu.memory_space<vmem>>[vector<16xi32>], vector<16xf32>, vector<16xi1>
    %eq3A_647 = arith.constant 10 : i32
    %eq3A_648 = vector.broadcast %eq3A_647 : i32 to vector<16xi32>
    %eq3A_649 = arith.cmpi eq, %iota3A, %eq3A_648 : vector<16xi32>
    tpu.vector_store_idx %arg7[%get3A_540], %mul3A_615 masked %eq3A_649 {add = true} : memref<100000xf32, #tpu.memory_space<vmem>>[vector<16xi32>], vector<16xf32>, vector<16xi1>
    %eq3A_650 = arith.constant 11 : i32
    %eq3A_651 = vector.broadcast %eq3A_650 : i32 to vector<16xi32>
    %eq3A_652 = arith.cmpi eq, %iota3A, %eq3A_651 : vector<16xi32>
    tpu.vector_store_idx %arg7[%get3A_540], %mul3A_615 masked %eq3A_652 {add = true} : memref<100000xf32, #tpu.memory_space<vmem>>[vector<16xi32>], vector<16xf32>, vector<16xi1>
    %eq3A_653 = arith.constant 12 : i32
    %eq3A_654 = vector.broadcast %eq3A_653 : i32 to vector<16xi32>
    %eq3A_655 = arith.cmpi eq, %iota3A, %eq3A_654 : vector<16xi32>
    tpu.vector_store_idx %arg7[%get3A_540], %mul3A_615 masked %eq3A_655 {add = true} : memref<100000xf32, #tpu.memory_space<vmem>>[vector<16xi32>], vector<16xf32>, vector<16xi1>
    %eq3A_656 = arith.constant 13 : i32
    %eq3A_657 = vector.broadcast %eq3A_656 : i32 to vector<16xi32>
    %eq3A_658 = arith.cmpi eq, %iota3A, %eq3A_657 : vector<16xi32>
    tpu.vector_store_idx %arg7[%get3A_540], %mul3A_615 masked %eq3A_658 {add = true} : memref<100000xf32, #tpu.memory_space<vmem>>[vector<16xi32>], vector<16xf32>, vector<16xi1>
    %eq3A_659 = arith.constant 14 : i32
    %eq3A_660 = vector.broadcast %eq3A_659 : i32 to vector<16xi32>
    %eq3A_661 = arith.cmpi eq, %iota3A, %eq3A_660 : vector<16xi32>
    tpu.vector_store_idx %arg7[%get3A_540], %mul3A_615 masked %eq3A_661 {add = true} : memref<100000xf32, #tpu.memory_space<vmem>>[vector<16xi32>], vector<16xf32>, vector<16xi1>
    %eq3A_662 = arith.constant 15 : i32
    %eq3A_663 = vector.broadcast %eq3A_662 : i32 to vector<16xi32>
    %eq3A_664 = arith.cmpi eq, %iota3A, %eq3A_663 : vector<16xi32>
    tpu.vector_store_idx %arg7[%get3A_540], %mul3A_615 masked %eq3A_664 {add = true} : memref<100000xf32, #tpu.memory_space<vmem>>[vector<16xi32>], vector<16xf32>, vector<16xi1>
    %eq3A_665 = arith.constant 0 : i32
    %eq3A_666 = vector.broadcast %eq3A_665 : i32 to vector<16xi32>
    %eq3A_667 = arith.cmpi eq, %iota3A, %eq3A_666 : vector<16xi32>
    tpu.vector_store_idx %arg7[%get3A_542], %mul3A_616 masked %eq3A_667 {add = true} : memref<100000xf32, #tpu.memory_space<vmem>>[vector<16xi32>], vector<16xf32>, vector<16xi1>
    %eq3A_668 = arith.constant 1 : i32
    %eq3A_669 = vector.broadcast %eq3A_668 : i32 to vector<16xi32>
    %eq3A_670 = arith.cmpi eq, %iota3A, %eq3A_669 : vector<16xi32>
    tpu.vector_store_idx %arg7[%get3A_542], %mul3A_616 masked %eq3A_670 {add = true} : memref<100000xf32, #tpu.memory_space<vmem>>[vector<16xi32>], vector<16xf32>, vector<16xi1>
    %eq3A_671 = arith.constant 2 : i32
    %eq3A_672 = vector.broadcast %eq3A_671 : i32 to vector<16xi32>
    %eq3A_673 = arith.cmpi eq, %iota3A, %eq3A_672 : vector<16xi32>
    tpu.vector_store_idx %arg7[%get3A_542], %mul3A_616 masked %eq3A_673 {add = true} : memref<100000xf32, #tpu.memory_space<vmem>>[vector<16xi32>], vector<16xf32>, vector<16xi1>
    %eq3A_674 = arith.constant 3 : i32
    %eq3A_675 = vector.broadcast %eq3A_674 : i32 to vector<16xi32>
    %eq3A_676 = arith.cmpi eq, %iota3A, %eq3A_675 : vector<16xi32>
    tpu.vector_store_idx %arg7[%get3A_542], %mul3A_616 masked %eq3A_676 {add = true} : memref<100000xf32, #tpu.memory_space<vmem>>[vector<16xi32>], vector<16xf32>, vector<16xi1>
    %eq3A_677 = arith.constant 4 : i32
    %eq3A_678 = vector.broadcast %eq3A_677 : i32 to vector<16xi32>
    %eq3A_679 = arith.cmpi eq, %iota3A, %eq3A_678 : vector<16xi32>
    tpu.vector_store_idx %arg7[%get3A_542], %mul3A_616 masked %eq3A_679 {add = true} : memref<100000xf32, #tpu.memory_space<vmem>>[vector<16xi32>], vector<16xf32>, vector<16xi1>
    %eq3A_680 = arith.constant 5 : i32
    %eq3A_681 = vector.broadcast %eq3A_680 : i32 to vector<16xi32>
    %eq3A_682 = arith.cmpi eq, %iota3A, %eq3A_681 : vector<16xi32>
    tpu.vector_store_idx %arg7[%get3A_542], %mul3A_616 masked %eq3A_682 {add = true} : memref<100000xf32, #tpu.memory_space<vmem>>[vector<16xi32>], vector<16xf32>, vector<16xi1>
    %eq3A_683 = arith.constant 6 : i32
    %eq3A_684 = vector.broadcast %eq3A_683 : i32 to vector<16xi32>
    %eq3A_685 = arith.cmpi eq, %iota3A, %eq3A_684 : vector<16xi32>
    tpu.vector_store_idx %arg7[%get3A_542], %mul3A_616 masked %eq3A_685 {add = true} : memref<100000xf32, #tpu.memory_space<vmem>>[vector<16xi32>], vector<16xf32>, vector<16xi1>
    %eq3A_686 = arith.constant 7 : i32
    %eq3A_687 = vector.broadcast %eq3A_686 : i32 to vector<16xi32>
    %eq3A_688 = arith.cmpi eq, %iota3A, %eq3A_687 : vector<16xi32>
    tpu.vector_store_idx %arg7[%get3A_542], %mul3A_616 masked %eq3A_688 {add = true} : memref<100000xf32, #tpu.memory_space<vmem>>[vector<16xi32>], vector<16xf32>, vector<16xi1>
    %eq3A_689 = arith.constant 8 : i32
    %eq3A_690 = vector.broadcast %eq3A_689 : i32 to vector<16xi32>
    %eq3A_691 = arith.cmpi eq, %iota3A, %eq3A_690 : vector<16xi32>
    tpu.vector_store_idx %arg7[%get3A_542], %mul3A_616 masked %eq3A_691 {add = true} : memref<100000xf32, #tpu.memory_space<vmem>>[vector<16xi32>], vector<16xf32>, vector<16xi1>
    %eq3A_692 = arith.constant 9 : i32
    %eq3A_693 = vector.broadcast %eq3A_692 : i32 to vector<16xi32>
    %eq3A_694 = arith.cmpi eq, %iota3A, %eq3A_693 : vector<16xi32>
    tpu.vector_store_idx %arg7[%get3A_542], %mul3A_616 masked %eq3A_694 {add = true} : memref<100000xf32, #tpu.memory_space<vmem>>[vector<16xi32>], vector<16xf32>, vector<16xi1>
    %eq3A_695 = arith.constant 10 : i32
    %eq3A_696 = vector.broadcast %eq3A_695 : i32 to vector<16xi32>
    %eq3A_697 = arith.cmpi eq, %iota3A, %eq3A_696 : vector<16xi32>
    tpu.vector_store_idx %arg7[%get3A_542], %mul3A_616 masked %eq3A_697 {add = true} : memref<100000xf32, #tpu.memory_space<vmem>>[vector<16xi32>], vector<16xf32>, vector<16xi1>
    %eq3A_698 = arith.constant 11 : i32
    %eq3A_699 = vector.broadcast %eq3A_698 : i32 to vector<16xi32>
    %eq3A_700 = arith.cmpi eq, %iota3A, %eq3A_699 : vector<16xi32>
    tpu.vector_store_idx %arg7[%get3A_542], %mul3A_616 masked %eq3A_700 {add = true} : memref<100000xf32, #tpu.memory_space<vmem>>[vector<16xi32>], vector<16xf32>, vector<16xi1>
    %eq3A_701 = arith.constant 12 : i32
    %eq3A_702 = vector.broadcast %eq3A_701 : i32 to vector<16xi32>
    %eq3A_703 = arith.cmpi eq, %iota3A, %eq3A_702 : vector<16xi32>
    tpu.vector_store_idx %arg7[%get3A_542], %mul3A_616 masked %eq3A_703 {add = true} : memref<100000xf32, #tpu.memory_space<vmem>>[vector<16xi32>], vector<16xf32>, vector<16xi1>
    %eq3A_704 = arith.constant 13 : i32
    %eq3A_705 = vector.broadcast %eq3A_704 : i32 to vector<16xi32>
    %eq3A_706 = arith.cmpi eq, %iota3A, %eq3A_705 : vector<16xi32>
    tpu.vector_store_idx %arg7[%get3A_542], %mul3A_616 masked %eq3A_706 {add = true} : memref<100000xf32, #tpu.memory_space<vmem>>[vector<16xi32>], vector<16xf32>, vector<16xi1>
    %eq3A_707 = arith.constant 14 : i32
    %eq3A_708 = vector.broadcast %eq3A_707 : i32 to vector<16xi32>
    %eq3A_709 = arith.cmpi eq, %iota3A, %eq3A_708 : vector<16xi32>
    tpu.vector_store_idx %arg7[%get3A_542], %mul3A_616 masked %eq3A_709 {add = true} : memref<100000xf32, #tpu.memory_space<vmem>>[vector<16xi32>], vector<16xf32>, vector<16xi1>
    %eq3A_710 = arith.constant 15 : i32
    %eq3A_711 = vector.broadcast %eq3A_710 : i32 to vector<16xi32>
    %eq3A_712 = arith.cmpi eq, %iota3A, %eq3A_711 : vector<16xi32>
    tpu.vector_store_idx %arg7[%get3A_542], %mul3A_616 masked %eq3A_712 {add = true} : memref<100000xf32, #tpu.memory_space<vmem>>[vector<16xi32>], vector<16xf32>, vector<16xi1>
    %add3A_713 = arith.constant 3 : i32
    %add3A_714 = arith.addi %mul3A_2, %add3A_713 : i32
    "tpu.region"() ({
      %run_scoped3A = tpu.sem_alloc : memref<!tpu.dma_semaphore, #tpu.memory_space<semaphore_mem>>
      %dma_start3A_1419 = arith.constant 0 : i32
      %dma_start3A_1420 = tpu.memref_slice %arg4[%add3A_714, %dma_start3A_1419] : memref<256x100000xf32, #tpu.memory_space<hbm>> -> memref<1x100000xf32, #tpu.memory_space<hbm>>
      %dma_start3A_1421 = tpu.memref_squeeze %dma_start3A_1420 : memref<1x100000xf32, #tpu.memory_space<hbm>> -> memref<100000xf32, #tpu.memory_space<hbm>>
      %dma_start3A_1422 = arith.constant 0 : i32
      %dma_start3A_1423 = tpu.memref_slice %arg4[%add3A_714, %dma_start3A_1422] : memref<256x100000xf32, #tpu.memory_space<hbm>> -> memref<1x100000xf32, #tpu.memory_space<hbm>>
      %dma_start3A_1424 = tpu.memref_squeeze %dma_start3A_1423 : memref<1x100000xf32, #tpu.memory_space<hbm>> -> memref<100000xf32, #tpu.memory_space<hbm>>
      tpu.enqueue_dma source(%arg7 : memref<100000xf32, #tpu.memory_space<vmem>>) target(%dma_start3A_1424 : memref<100000xf32, #tpu.memory_space<hbm>>) target_semaphore(%run_scoped3A : memref<!tpu.dma_semaphore, #tpu.memory_space<semaphore_mem>>)
      %dma_wait3A_1425 = arith.constant 0 : i32
      %dma_wait3A_1426 = tpu.memref_slice %arg4[%add3A_714, %dma_wait3A_1425] : memref<256x100000xf32, #tpu.memory_space<hbm>> -> memref<1x100000xf32, #tpu.memory_space<hbm>>
      %dma_wait3A_1427 = tpu.memref_squeeze %dma_wait3A_1426 : memref<1x100000xf32, #tpu.memory_space<hbm>> -> memref<100000xf32, #tpu.memory_space<hbm>>
      %dma_wait3A_1428 = arith.constant 0 : i32
      %dma_wait3A_1429 = tpu.memref_slice %arg4[%add3A_714, %dma_wait3A_1428] : memref<256x100000xf32, #tpu.memory_space<hbm>> -> memref<1x100000xf32, #tpu.memory_space<hbm>>
      %dma_wait3A_1430 = tpu.memref_squeeze %dma_wait3A_1429 : memref<1x100000xf32, #tpu.memory_space<hbm>> -> memref<100000xf32, #tpu.memory_space<hbm>>
      tpu.wait_dma2 semaphore(%run_scoped3A : memref<!tpu.dma_semaphore, #tpu.memory_space<semaphore_mem>>) src(%arg7 : memref<100000xf32, #tpu.memory_space<vmem>>) dst(%dma_wait3A_1430 : memref<100000xf32, #tpu.memory_space<hbm>>)
      tpu.yield
    }) : () -> ()
    tpu.vector_store_idx %arg7[%get3A_540], %broadcast_in_dim3A_10 : memref<100000xf32, #tpu.memory_space<vmem>>[vector<16xi32>], vector<16xf32>,
    tpu.vector_store_idx %arg7[%get3A_542], %broadcast_in_dim3A_10 : memref<100000xf32, #tpu.memory_space<vmem>>[vector<16xi32>], vector<16xf32>,
    %get3A_715 = arith.constant 128 : index
    %get3A_716 = tpu.vector_load %arg5[%get3A_715] {strides = array<i32>} : memref<256xi32, #tpu.memory_space<vmem>>, vector<16xi32>,
    %get3A_717 = arith.constant 144 : index
    %get3A_718 = tpu.vector_load %arg5[%get3A_717] {strides = array<i32>} : memref<256xi32, #tpu.memory_space<vmem>>, vector<16xi32>,
    %get3A_719 = arith.constant 128 : index
    %get3A_720 = tpu.vector_load %arg6[%get3A_719] {strides = array<i32>} : memref<256xf32, #tpu.memory_space<vmem>>, vector<16xf32>,
    %get3A_721 = arith.constant 144 : index
    %get3A_722 = tpu.vector_load %arg6[%get3A_721] {strides = array<i32>} : memref<256xf32, #tpu.memory_space<vmem>>, vector<16xf32>,
    %mul3A_723 = arith.constant -1.000000e-01 : f32
    %mul3A_724 = vector.broadcast %mul3A_723 : f32 to vector<16xf32>
    %mul3A_725 = arith.mulf %get3A_720, %mul3A_724 : vector<16xf32>
    %exp3A_726 = math.exp %mul3A_725 : vector<16xf32>
    %mul3A_727 = arith.constant -1.000000e-01 : f32
    %mul3A_728 = vector.broadcast %mul3A_727 : f32 to vector<16xf32>
    %mul3A_729 = arith.mulf %get3A_722, %mul3A_728 : vector<16xf32>
    %exp3A_730 = math.exp %mul3A_729 : vector<16xf32>
    %add3A_731 = arith.addf %exp3A_726, %exp3A_730 : vector<16xf32>
    %xor3A_732 = arith.constant 8 : i32
    %xor3A_733 = vector.broadcast %xor3A_732 : i32 to vector<16xi32>
    %xor3A_734 = arith.xori %iota3A, %xor3A_733 : vector<16xi32>
    %lt3A_735 = arith.constant 0 : i32
    %lt3A_736 = vector.broadcast %lt3A_735 : i32 to vector<16xi32>
    %lt3A_737 = arith.cmpi slt, %xor3A_734, %lt3A_736 : vector<16xi32>
    %add3A_738 = arith.constant 16 : i32
    %add3A_739 = vector.broadcast %add3A_738 : i32 to vector<16xi32>
    %add3A_740 = arith.addi %xor3A_734, %add3A_739 : vector<16xi32>
    %select_n3A_741 = arith.select %lt3A_737, %add3A_740, %xor3A_734 : vector<16xi1>, vector<16xi32>
    %broadcast_in_dim3A_742 = vector.shape_cast %select_n3A_741 : vector<16xi32> to vector<16x1xi32>
    %gather3A_743 = vector.shape_cast %broadcast_in_dim3A_742 : vector<16x1xi32> to vector<16xi32>
    %gather3A_744 = tpu.dynamic_gather %add3A_731[%gather3A_743] in [0] : vector<16xf32>, vector<16xi32> -> vector<16xf32>
    %add3A_745 = arith.addf %add3A_731, %gather3A_744 : vector<16xf32>
    %xor3A_746 = arith.constant 4 : i32
    %xor3A_747 = vector.broadcast %xor3A_746 : i32 to vector<16xi32>
    %xor3A_748 = arith.xori %iota3A, %xor3A_747 : vector<16xi32>
    %lt3A_749 = arith.constant 0 : i32
    %lt3A_750 = vector.broadcast %lt3A_749 : i32 to vector<16xi32>
    %lt3A_751 = arith.cmpi slt, %xor3A_748, %lt3A_750 : vector<16xi32>
    %add3A_752 = arith.constant 16 : i32
    %add3A_753 = vector.broadcast %add3A_752 : i32 to vector<16xi32>
    %add3A_754 = arith.addi %xor3A_748, %add3A_753 : vector<16xi32>
    %select_n3A_755 = arith.select %lt3A_751, %add3A_754, %xor3A_748 : vector<16xi1>, vector<16xi32>
    %broadcast_in_dim3A_756 = vector.shape_cast %select_n3A_755 : vector<16xi32> to vector<16x1xi32>
    %gather3A_757 = vector.shape_cast %broadcast_in_dim3A_756 : vector<16x1xi32> to vector<16xi32>
    %gather3A_758 = tpu.dynamic_gather %add3A_745[%gather3A_757] in [0] : vector<16xf32>, vector<16xi32> -> vector<16xf32>
    %add3A_759 = arith.addf %add3A_745, %gather3A_758 : vector<16xf32>
    %xor3A_760 = arith.constant 2 : i32
    %xor3A_761 = vector.broadcast %xor3A_760 : i32 to vector<16xi32>
    %xor3A_762 = arith.xori %iota3A, %xor3A_761 : vector<16xi32>
    %lt3A_763 = arith.constant 0 : i32
    %lt3A_764 = vector.broadcast %lt3A_763 : i32 to vector<16xi32>
    %lt3A_765 = arith.cmpi slt, %xor3A_762, %lt3A_764 : vector<16xi32>
    %add3A_766 = arith.constant 16 : i32
    %add3A_767 = vector.broadcast %add3A_766 : i32 to vector<16xi32>
    %add3A_768 = arith.addi %xor3A_762, %add3A_767 : vector<16xi32>
    %select_n3A_769 = arith.select %lt3A_765, %add3A_768, %xor3A_762 : vector<16xi1>, vector<16xi32>
    %broadcast_in_dim3A_770 = vector.shape_cast %select_n3A_769 : vector<16xi32> to vector<16x1xi32>
    %gather3A_771 = vector.shape_cast %broadcast_in_dim3A_770 : vector<16x1xi32> to vector<16xi32>
    %gather3A_772 = tpu.dynamic_gather %add3A_759[%gather3A_771] in [0] : vector<16xf32>, vector<16xi32> -> vector<16xf32>
    %add3A_773 = arith.addf %add3A_759, %gather3A_772 : vector<16xf32>
    %xor3A_774 = arith.constant 1 : i32
    %xor3A_775 = vector.broadcast %xor3A_774 : i32 to vector<16xi32>
    %xor3A_776 = arith.xori %iota3A, %xor3A_775 : vector<16xi32>
    %lt3A_777 = arith.constant 0 : i32
    %lt3A_778 = vector.broadcast %lt3A_777 : i32 to vector<16xi32>
    %lt3A_779 = arith.cmpi slt, %xor3A_776, %lt3A_778 : vector<16xi32>
    %add3A_780 = arith.constant 16 : i32
    %add3A_781 = vector.broadcast %add3A_780 : i32 to vector<16xi32>
    %add3A_782 = arith.addi %xor3A_776, %add3A_781 : vector<16xi32>
    %select_n3A_783 = arith.select %lt3A_779, %add3A_782, %xor3A_776 : vector<16xi1>, vector<16xi32>
    %broadcast_in_dim3A_784 = vector.shape_cast %select_n3A_783 : vector<16xi32> to vector<16x1xi32>
    %gather3A_785 = vector.shape_cast %broadcast_in_dim3A_784 : vector<16x1xi32> to vector<16xi32>
    %gather3A_786 = tpu.dynamic_gather %add3A_773[%gather3A_785] in [0] : vector<16xf32>, vector<16xi32> -> vector<16xf32>
    %add3A_787 = arith.addf %add3A_773, %gather3A_786 : vector<16xf32>
    %div3A_788 = arith.constant 1.000000e+00 : f32
    %div3A_789 = vector.broadcast %div3A_788 : f32 to vector<16xf32>
    %div3A_790 = arith.divf %div3A_789, %add3A_787 : vector<16xf32>
    %mul3A_791 = arith.mulf %exp3A_726, %div3A_790 : vector<16xf32>
    %mul3A_792 = arith.mulf %exp3A_730, %div3A_790 : vector<16xf32>
    %eq3A_793 = arith.constant 0 : i32
    %eq3A_794 = vector.broadcast %eq3A_793 : i32 to vector<16xi32>
    %eq3A_795 = arith.cmpi eq, %iota3A, %eq3A_794 : vector<16xi32>
    tpu.vector_store_idx %arg7[%get3A_716], %mul3A_791 masked %eq3A_795 {add = true} : memref<100000xf32, #tpu.memory_space<vmem>>[vector<16xi32>], vector<16xf32>, vector<16xi1>
    %eq3A_796 = arith.constant 1 : i32
    %eq3A_797 = vector.broadcast %eq3A_796 : i32 to vector<16xi32>
    %eq3A_798 = arith.cmpi eq, %iota3A, %eq3A_797 : vector<16xi32>
    tpu.vector_store_idx %arg7[%get3A_716], %mul3A_791 masked %eq3A_798 {add = true} : memref<100000xf32, #tpu.memory_space<vmem>>[vector<16xi32>], vector<16xf32>, vector<16xi1>
    %eq3A_799 = arith.constant 2 : i32
    %eq3A_800 = vector.broadcast %eq3A_799 : i32 to vector<16xi32>
    %eq3A_801 = arith.cmpi eq, %iota3A, %eq3A_800 : vector<16xi32>
    tpu.vector_store_idx %arg7[%get3A_716], %mul3A_791 masked %eq3A_801 {add = true} : memref<100000xf32, #tpu.memory_space<vmem>>[vector<16xi32>], vector<16xf32>, vector<16xi1>
    %eq3A_802 = arith.constant 3 : i32
    %eq3A_803 = vector.broadcast %eq3A_802 : i32 to vector<16xi32>
    %eq3A_804 = arith.cmpi eq, %iota3A, %eq3A_803 : vector<16xi32>
    tpu.vector_store_idx %arg7[%get3A_716], %mul3A_791 masked %eq3A_804 {add = true} : memref<100000xf32, #tpu.memory_space<vmem>>[vector<16xi32>], vector<16xf32>, vector<16xi1>
    %eq3A_805 = arith.constant 4 : i32
    %eq3A_806 = vector.broadcast %eq3A_805 : i32 to vector<16xi32>
    %eq3A_807 = arith.cmpi eq, %iota3A, %eq3A_806 : vector<16xi32>
    tpu.vector_store_idx %arg7[%get3A_716], %mul3A_791 masked %eq3A_807 {add = true} : memref<100000xf32, #tpu.memory_space<vmem>>[vector<16xi32>], vector<16xf32>, vector<16xi1>
    %eq3A_808 = arith.constant 5 : i32
    %eq3A_809 = vector.broadcast %eq3A_808 : i32 to vector<16xi32>
    %eq3A_810 = arith.cmpi eq, %iota3A, %eq3A_809 : vector<16xi32>
    tpu.vector_store_idx %arg7[%get3A_716], %mul3A_791 masked %eq3A_810 {add = true} : memref<100000xf32, #tpu.memory_space<vmem>>[vector<16xi32>], vector<16xf32>, vector<16xi1>
    %eq3A_811 = arith.constant 6 : i32
    %eq3A_812 = vector.broadcast %eq3A_811 : i32 to vector<16xi32>
    %eq3A_813 = arith.cmpi eq, %iota3A, %eq3A_812 : vector<16xi32>
    tpu.vector_store_idx %arg7[%get3A_716], %mul3A_791 masked %eq3A_813 {add = true} : memref<100000xf32, #tpu.memory_space<vmem>>[vector<16xi32>], vector<16xf32>, vector<16xi1>
    %eq3A_814 = arith.constant 7 : i32
    %eq3A_815 = vector.broadcast %eq3A_814 : i32 to vector<16xi32>
    %eq3A_816 = arith.cmpi eq, %iota3A, %eq3A_815 : vector<16xi32>
    tpu.vector_store_idx %arg7[%get3A_716], %mul3A_791 masked %eq3A_816 {add = true} : memref<100000xf32, #tpu.memory_space<vmem>>[vector<16xi32>], vector<16xf32>, vector<16xi1>
    %eq3A_817 = arith.constant 8 : i32
    %eq3A_818 = vector.broadcast %eq3A_817 : i32 to vector<16xi32>
    %eq3A_819 = arith.cmpi eq, %iota3A, %eq3A_818 : vector<16xi32>
    tpu.vector_store_idx %arg7[%get3A_716], %mul3A_791 masked %eq3A_819 {add = true} : memref<100000xf32, #tpu.memory_space<vmem>>[vector<16xi32>], vector<16xf32>, vector<16xi1>
    %eq3A_820 = arith.constant 9 : i32
    %eq3A_821 = vector.broadcast %eq3A_820 : i32 to vector<16xi32>
    %eq3A_822 = arith.cmpi eq, %iota3A, %eq3A_821 : vector<16xi32>
    tpu.vector_store_idx %arg7[%get3A_716], %mul3A_791 masked %eq3A_822 {add = true} : memref<100000xf32, #tpu.memory_space<vmem>>[vector<16xi32>], vector<16xf32>, vector<16xi1>
    %eq3A_823 = arith.constant 10 : i32
    %eq3A_824 = vector.broadcast %eq3A_823 : i32 to vector<16xi32>
    %eq3A_825 = arith.cmpi eq, %iota3A, %eq3A_824 : vector<16xi32>
    tpu.vector_store_idx %arg7[%get3A_716], %mul3A_791 masked %eq3A_825 {add = true} : memref<100000xf32, #tpu.memory_space<vmem>>[vector<16xi32>], vector<16xf32>, vector<16xi1>
    %eq3A_826 = arith.constant 11 : i32
    %eq3A_827 = vector.broadcast %eq3A_826 : i32 to vector<16xi32>
    %eq3A_828 = arith.cmpi eq, %iota3A, %eq3A_827 : vector<16xi32>
    tpu.vector_store_idx %arg7[%get3A_716], %mul3A_791 masked %eq3A_828 {add = true} : memref<100000xf32, #tpu.memory_space<vmem>>[vector<16xi32>], vector<16xf32>, vector<16xi1>
    %eq3A_829 = arith.constant 12 : i32
    %eq3A_830 = vector.broadcast %eq3A_829 : i32 to vector<16xi32>
    %eq3A_831 = arith.cmpi eq, %iota3A, %eq3A_830 : vector<16xi32>
    tpu.vector_store_idx %arg7[%get3A_716], %mul3A_791 masked %eq3A_831 {add = true} : memref<100000xf32, #tpu.memory_space<vmem>>[vector<16xi32>], vector<16xf32>, vector<16xi1>
    %eq3A_832 = arith.constant 13 : i32
    %eq3A_833 = vector.broadcast %eq3A_832 : i32 to vector<16xi32>
    %eq3A_834 = arith.cmpi eq, %iota3A, %eq3A_833 : vector<16xi32>
    tpu.vector_store_idx %arg7[%get3A_716], %mul3A_791 masked %eq3A_834 {add = true} : memref<100000xf32, #tpu.memory_space<vmem>>[vector<16xi32>], vector<16xf32>, vector<16xi1>
    %eq3A_835 = arith.constant 14 : i32
    %eq3A_836 = vector.broadcast %eq3A_835 : i32 to vector<16xi32>
    %eq3A_837 = arith.cmpi eq, %iota3A, %eq3A_836 : vector<16xi32>
    tpu.vector_store_idx %arg7[%get3A_716], %mul3A_791 masked %eq3A_837 {add = true} : memref<100000xf32, #tpu.memory_space<vmem>>[vector<16xi32>], vector<16xf32>, vector<16xi1>
    %eq3A_838 = arith.constant 15 : i32
    %eq3A_839 = vector.broadcast %eq3A_838 : i32 to vector<16xi32>
    %eq3A_840 = arith.cmpi eq, %iota3A, %eq3A_839 : vector<16xi32>
    tpu.vector_store_idx %arg7[%get3A_716], %mul3A_791 masked %eq3A_840 {add = true} : memref<100000xf32, #tpu.memory_space<vmem>>[vector<16xi32>], vector<16xf32>, vector<16xi1>
    %eq3A_841 = arith.constant 0 : i32
    %eq3A_842 = vector.broadcast %eq3A_841 : i32 to vector<16xi32>
    %eq3A_843 = arith.cmpi eq, %iota3A, %eq3A_842 : vector<16xi32>
    tpu.vector_store_idx %arg7[%get3A_718], %mul3A_792 masked %eq3A_843 {add = true} : memref<100000xf32, #tpu.memory_space<vmem>>[vector<16xi32>], vector<16xf32>, vector<16xi1>
    %eq3A_844 = arith.constant 1 : i32
    %eq3A_845 = vector.broadcast %eq3A_844 : i32 to vector<16xi32>
    %eq3A_846 = arith.cmpi eq, %iota3A, %eq3A_845 : vector<16xi32>
    tpu.vector_store_idx %arg7[%get3A_718], %mul3A_792 masked %eq3A_846 {add = true} : memref<100000xf32, #tpu.memory_space<vmem>>[vector<16xi32>], vector<16xf32>, vector<16xi1>
    %eq3A_847 = arith.constant 2 : i32
    %eq3A_848 = vector.broadcast %eq3A_847 : i32 to vector<16xi32>
    %eq3A_849 = arith.cmpi eq, %iota3A, %eq3A_848 : vector<16xi32>
    tpu.vector_store_idx %arg7[%get3A_718], %mul3A_792 masked %eq3A_849 {add = true} : memref<100000xf32, #tpu.memory_space<vmem>>[vector<16xi32>], vector<16xf32>, vector<16xi1>
    %eq3A_850 = arith.constant 3 : i32
    %eq3A_851 = vector.broadcast %eq3A_850 : i32 to vector<16xi32>
    %eq3A_852 = arith.cmpi eq, %iota3A, %eq3A_851 : vector<16xi32>
    tpu.vector_store_idx %arg7[%get3A_718], %mul3A_792 masked %eq3A_852 {add = true} : memref<100000xf32, #tpu.memory_space<vmem>>[vector<16xi32>], vector<16xf32>, vector<16xi1>
    %eq3A_853 = arith.constant 4 : i32
    %eq3A_854 = vector.broadcast %eq3A_853 : i32 to vector<16xi32>
    %eq3A_855 = arith.cmpi eq, %iota3A, %eq3A_854 : vector<16xi32>
    tpu.vector_store_idx %arg7[%get3A_718], %mul3A_792 masked %eq3A_855 {add = true} : memref<100000xf32, #tpu.memory_space<vmem>>[vector<16xi32>], vector<16xf32>, vector<16xi1>
    %eq3A_856 = arith.constant 5 : i32
    %eq3A_857 = vector.broadcast %eq3A_856 : i32 to vector<16xi32>
    %eq3A_858 = arith.cmpi eq, %iota3A, %eq3A_857 : vector<16xi32>
    tpu.vector_store_idx %arg7[%get3A_718], %mul3A_792 masked %eq3A_858 {add = true} : memref<100000xf32, #tpu.memory_space<vmem>>[vector<16xi32>], vector<16xf32>, vector<16xi1>
    %eq3A_859 = arith.constant 6 : i32
    %eq3A_860 = vector.broadcast %eq3A_859 : i32 to vector<16xi32>
    %eq3A_861 = arith.cmpi eq, %iota3A, %eq3A_860 : vector<16xi32>
    tpu.vector_store_idx %arg7[%get3A_718], %mul3A_792 masked %eq3A_861 {add = true} : memref<100000xf32, #tpu.memory_space<vmem>>[vector<16xi32>], vector<16xf32>, vector<16xi1>
    %eq3A_862 = arith.constant 7 : i32
    %eq3A_863 = vector.broadcast %eq3A_862 : i32 to vector<16xi32>
    %eq3A_864 = arith.cmpi eq, %iota3A, %eq3A_863 : vector<16xi32>
    tpu.vector_store_idx %arg7[%get3A_718], %mul3A_792 masked %eq3A_864 {add = true} : memref<100000xf32, #tpu.memory_space<vmem>>[vector<16xi32>], vector<16xf32>, vector<16xi1>
    %eq3A_865 = arith.constant 8 : i32
    %eq3A_866 = vector.broadcast %eq3A_865 : i32 to vector<16xi32>
    %eq3A_867 = arith.cmpi eq, %iota3A, %eq3A_866 : vector<16xi32>
    tpu.vector_store_idx %arg7[%get3A_718], %mul3A_792 masked %eq3A_867 {add = true} : memref<100000xf32, #tpu.memory_space<vmem>>[vector<16xi32>], vector<16xf32>, vector<16xi1>
    %eq3A_868 = arith.constant 9 : i32
    %eq3A_869 = vector.broadcast %eq3A_868 : i32 to vector<16xi32>
    %eq3A_870 = arith.cmpi eq, %iota3A, %eq3A_869 : vector<16xi32>
    tpu.vector_store_idx %arg7[%get3A_718], %mul3A_792 masked %eq3A_870 {add = true} : memref<100000xf32, #tpu.memory_space<vmem>>[vector<16xi32>], vector<16xf32>, vector<16xi1>
    %eq3A_871 = arith.constant 10 : i32
    %eq3A_872 = vector.broadcast %eq3A_871 : i32 to vector<16xi32>
    %eq3A_873 = arith.cmpi eq, %iota3A, %eq3A_872 : vector<16xi32>
    tpu.vector_store_idx %arg7[%get3A_718], %mul3A_792 masked %eq3A_873 {add = true} : memref<100000xf32, #tpu.memory_space<vmem>>[vector<16xi32>], vector<16xf32>, vector<16xi1>
    %eq3A_874 = arith.constant 11 : i32
    %eq3A_875 = vector.broadcast %eq3A_874 : i32 to vector<16xi32>
    %eq3A_876 = arith.cmpi eq, %iota3A, %eq3A_875 : vector<16xi32>
    tpu.vector_store_idx %arg7[%get3A_718], %mul3A_792 masked %eq3A_876 {add = true} : memref<100000xf32, #tpu.memory_space<vmem>>[vector<16xi32>], vector<16xf32>, vector<16xi1>
    %eq3A_877 = arith.constant 12 : i32
    %eq3A_878 = vector.broadcast %eq3A_877 : i32 to vector<16xi32>
    %eq3A_879 = arith.cmpi eq, %iota3A, %eq3A_878 : vector<16xi32>
    tpu.vector_store_idx %arg7[%get3A_718], %mul3A_792 masked %eq3A_879 {add = true} : memref<100000xf32, #tpu.memory_space<vmem>>[vector<16xi32>], vector<16xf32>, vector<16xi1>
    %eq3A_880 = arith.constant 13 : i32
    %eq3A_881 = vector.broadcast %eq3A_880 : i32 to vector<16xi32>
    %eq3A_882 = arith.cmpi eq, %iota3A, %eq3A_881 : vector<16xi32>
    tpu.vector_store_idx %arg7[%get3A_718], %mul3A_792 masked %eq3A_882 {add = true} : memref<100000xf32, #tpu.memory_space<vmem>>[vector<16xi32>], vector<16xf32>, vector<16xi1>
    %eq3A_883 = arith.constant 14 : i32
    %eq3A_884 = vector.broadcast %eq3A_883 : i32 to vector<16xi32>
    %eq3A_885 = arith.cmpi eq, %iota3A, %eq3A_884 : vector<16xi32>
    tpu.vector_store_idx %arg7[%get3A_718], %mul3A_792 masked %eq3A_885 {add = true} : memref<100000xf32, #tpu.memory_space<vmem>>[vector<16xi32>], vector<16xf32>, vector<16xi1>
    %eq3A_886 = arith.constant 15 : i32
    %eq3A_887 = vector.broadcast %eq3A_886 : i32 to vector<16xi32>
    %eq3A_888 = arith.cmpi eq, %iota3A, %eq3A_887 : vector<16xi32>
    tpu.vector_store_idx %arg7[%get3A_718], %mul3A_792 masked %eq3A_888 {add = true} : memref<100000xf32, #tpu.memory_space<vmem>>[vector<16xi32>], vector<16xf32>, vector<16xi1>
    %add3A_889 = arith.constant 4 : i32
    %add3A_890 = arith.addi %mul3A_2, %add3A_889 : i32
    "tpu.region"() ({
      %run_scoped3A = tpu.sem_alloc : memref<!tpu.dma_semaphore, #tpu.memory_space<semaphore_mem>>
      %dma_start3A_1419 = arith.constant 0 : i32
      %dma_start3A_1420 = tpu.memref_slice %arg4[%add3A_890, %dma_start3A_1419] : memref<256x100000xf32, #tpu.memory_space<hbm>> -> memref<1x100000xf32, #tpu.memory_space<hbm>>
      %dma_start3A_1421 = tpu.memref_squeeze %dma_start3A_1420 : memref<1x100000xf32, #tpu.memory_space<hbm>> -> memref<100000xf32, #tpu.memory_space<hbm>>
      %dma_start3A_1422 = arith.constant 0 : i32
      %dma_start3A_1423 = tpu.memref_slice %arg4[%add3A_890, %dma_start3A_1422] : memref<256x100000xf32, #tpu.memory_space<hbm>> -> memref<1x100000xf32, #tpu.memory_space<hbm>>
      %dma_start3A_1424 = tpu.memref_squeeze %dma_start3A_1423 : memref<1x100000xf32, #tpu.memory_space<hbm>> -> memref<100000xf32, #tpu.memory_space<hbm>>
      tpu.enqueue_dma source(%arg7 : memref<100000xf32, #tpu.memory_space<vmem>>) target(%dma_start3A_1424 : memref<100000xf32, #tpu.memory_space<hbm>>) target_semaphore(%run_scoped3A : memref<!tpu.dma_semaphore, #tpu.memory_space<semaphore_mem>>)
      %dma_wait3A_1425 = arith.constant 0 : i32
      %dma_wait3A_1426 = tpu.memref_slice %arg4[%add3A_890, %dma_wait3A_1425] : memref<256x100000xf32, #tpu.memory_space<hbm>> -> memref<1x100000xf32, #tpu.memory_space<hbm>>
      %dma_wait3A_1427 = tpu.memref_squeeze %dma_wait3A_1426 : memref<1x100000xf32, #tpu.memory_space<hbm>> -> memref<100000xf32, #tpu.memory_space<hbm>>
      %dma_wait3A_1428 = arith.constant 0 : i32
      %dma_wait3A_1429 = tpu.memref_slice %arg4[%add3A_890, %dma_wait3A_1428] : memref<256x100000xf32, #tpu.memory_space<hbm>> -> memref<1x100000xf32, #tpu.memory_space<hbm>>
      %dma_wait3A_1430 = tpu.memref_squeeze %dma_wait3A_1429 : memref<1x100000xf32, #tpu.memory_space<hbm>> -> memref<100000xf32, #tpu.memory_space<hbm>>
      tpu.wait_dma2 semaphore(%run_scoped3A : memref<!tpu.dma_semaphore, #tpu.memory_space<semaphore_mem>>) src(%arg7 : memref<100000xf32, #tpu.memory_space<vmem>>) dst(%dma_wait3A_1430 : memref<100000xf32, #tpu.memory_space<hbm>>)
      tpu.yield
    }) : () -> ()
    tpu.vector_store_idx %arg7[%get3A_716], %broadcast_in_dim3A_10 : memref<100000xf32, #tpu.memory_space<vmem>>[vector<16xi32>], vector<16xf32>,
    tpu.vector_store_idx %arg7[%get3A_718], %broadcast_in_dim3A_10 : memref<100000xf32, #tpu.memory_space<vmem>>[vector<16xi32>], vector<16xf32>,
    %get3A_891 = arith.constant 160 : index
    %get3A_892 = tpu.vector_load %arg5[%get3A_891] {strides = array<i32>} : memref<256xi32, #tpu.memory_space<vmem>>, vector<16xi32>,
    %get3A_893 = arith.constant 176 : index
    %get3A_894 = tpu.vector_load %arg5[%get3A_893] {strides = array<i32>} : memref<256xi32, #tpu.memory_space<vmem>>, vector<16xi32>,
    %get3A_895 = arith.constant 160 : index
    %get3A_896 = tpu.vector_load %arg6[%get3A_895] {strides = array<i32>} : memref<256xf32, #tpu.memory_space<vmem>>, vector<16xf32>,
    %get3A_897 = arith.constant 176 : index
    %get3A_898 = tpu.vector_load %arg6[%get3A_897] {strides = array<i32>} : memref<256xf32, #tpu.memory_space<vmem>>, vector<16xf32>,
    %mul3A_899 = arith.constant -1.000000e-01 : f32
    %mul3A_900 = vector.broadcast %mul3A_899 : f32 to vector<16xf32>
    %mul3A_901 = arith.mulf %get3A_896, %mul3A_900 : vector<16xf32>
    %exp3A_902 = math.exp %mul3A_901 : vector<16xf32>
    %mul3A_903 = arith.constant -1.000000e-01 : f32
    %mul3A_904 = vector.broadcast %mul3A_903 : f32 to vector<16xf32>
    %mul3A_905 = arith.mulf %get3A_898, %mul3A_904 : vector<16xf32>
    %exp3A_906 = math.exp %mul3A_905 : vector<16xf32>
    %add3A_907 = arith.addf %exp3A_902, %exp3A_906 : vector<16xf32>
    %xor3A_908 = arith.constant 8 : i32
    %xor3A_909 = vector.broadcast %xor3A_908 : i32 to vector<16xi32>
    %xor3A_910 = arith.xori %iota3A, %xor3A_909 : vector<16xi32>
    %lt3A_911 = arith.constant 0 : i32
    %lt3A_912 = vector.broadcast %lt3A_911 : i32 to vector<16xi32>
    %lt3A_913 = arith.cmpi slt, %xor3A_910, %lt3A_912 : vector<16xi32>
    %add3A_914 = arith.constant 16 : i32
    %add3A_915 = vector.broadcast %add3A_914 : i32 to vector<16xi32>
    %add3A_916 = arith.addi %xor3A_910, %add3A_915 : vector<16xi32>
    %select_n3A_917 = arith.select %lt3A_913, %add3A_916, %xor3A_910 : vector<16xi1>, vector<16xi32>
    %broadcast_in_dim3A_918 = vector.shape_cast %select_n3A_917 : vector<16xi32> to vector<16x1xi32>
    %gather3A_919 = vector.shape_cast %broadcast_in_dim3A_918 : vector<16x1xi32> to vector<16xi32>
    %gather3A_920 = tpu.dynamic_gather %add3A_907[%gather3A_919] in [0] : vector<16xf32>, vector<16xi32> -> vector<16xf32>
    %add3A_921 = arith.addf %add3A_907, %gather3A_920 : vector<16xf32>
    %xor3A_922 = arith.constant 4 : i32
    %xor3A_923 = vector.broadcast %xor3A_922 : i32 to vector<16xi32>
    %xor3A_924 = arith.xori %iota3A, %xor3A_923 : vector<16xi32>
    %lt3A_925 = arith.constant 0 : i32
    %lt3A_926 = vector.broadcast %lt3A_925 : i32 to vector<16xi32>
    %lt3A_927 = arith.cmpi slt, %xor3A_924, %lt3A_926 : vector<16xi32>
    %add3A_928 = arith.constant 16 : i32
    %add3A_929 = vector.broadcast %add3A_928 : i32 to vector<16xi32>
    %add3A_930 = arith.addi %xor3A_924, %add3A_929 : vector<16xi32>
    %select_n3A_931 = arith.select %lt3A_927, %add3A_930, %xor3A_924 : vector<16xi1>, vector<16xi32>
    %broadcast_in_dim3A_932 = vector.shape_cast %select_n3A_931 : vector<16xi32> to vector<16x1xi32>
    %gather3A_933 = vector.shape_cast %broadcast_in_dim3A_932 : vector<16x1xi32> to vector<16xi32>
    %gather3A_934 = tpu.dynamic_gather %add3A_921[%gather3A_933] in [0] : vector<16xf32>, vector<16xi32> -> vector<16xf32>
    %add3A_935 = arith.addf %add3A_921, %gather3A_934 : vector<16xf32>
    %xor3A_936 = arith.constant 2 : i32
    %xor3A_937 = vector.broadcast %xor3A_936 : i32 to vector<16xi32>
    %xor3A_938 = arith.xori %iota3A, %xor3A_937 : vector<16xi32>
    %lt3A_939 = arith.constant 0 : i32
    %lt3A_940 = vector.broadcast %lt3A_939 : i32 to vector<16xi32>
    %lt3A_941 = arith.cmpi slt, %xor3A_938, %lt3A_940 : vector<16xi32>
    %add3A_942 = arith.constant 16 : i32
    %add3A_943 = vector.broadcast %add3A_942 : i32 to vector<16xi32>
    %add3A_944 = arith.addi %xor3A_938, %add3A_943 : vector<16xi32>
    %select_n3A_945 = arith.select %lt3A_941, %add3A_944, %xor3A_938 : vector<16xi1>, vector<16xi32>
    %broadcast_in_dim3A_946 = vector.shape_cast %select_n3A_945 : vector<16xi32> to vector<16x1xi32>
    %gather3A_947 = vector.shape_cast %broadcast_in_dim3A_946 : vector<16x1xi32> to vector<16xi32>
    %gather3A_948 = tpu.dynamic_gather %add3A_935[%gather3A_947] in [0] : vector<16xf32>, vector<16xi32> -> vector<16xf32>
    %add3A_949 = arith.addf %add3A_935, %gather3A_948 : vector<16xf32>
    %xor3A_950 = arith.constant 1 : i32
    %xor3A_951 = vector.broadcast %xor3A_950 : i32 to vector<16xi32>
    %xor3A_952 = arith.xori %iota3A, %xor3A_951 : vector<16xi32>
    %lt3A_953 = arith.constant 0 : i32
    %lt3A_954 = vector.broadcast %lt3A_953 : i32 to vector<16xi32>
    %lt3A_955 = arith.cmpi slt, %xor3A_952, %lt3A_954 : vector<16xi32>
    %add3A_956 = arith.constant 16 : i32
    %add3A_957 = vector.broadcast %add3A_956 : i32 to vector<16xi32>
    %add3A_958 = arith.addi %xor3A_952, %add3A_957 : vector<16xi32>
    %select_n3A_959 = arith.select %lt3A_955, %add3A_958, %xor3A_952 : vector<16xi1>, vector<16xi32>
    %broadcast_in_dim3A_960 = vector.shape_cast %select_n3A_959 : vector<16xi32> to vector<16x1xi32>
    %gather3A_961 = vector.shape_cast %broadcast_in_dim3A_960 : vector<16x1xi32> to vector<16xi32>
    %gather3A_962 = tpu.dynamic_gather %add3A_949[%gather3A_961] in [0] : vector<16xf32>, vector<16xi32> -> vector<16xf32>
    %add3A_963 = arith.addf %add3A_949, %gather3A_962 : vector<16xf32>
    %div3A_964 = arith.constant 1.000000e+00 : f32
    %div3A_965 = vector.broadcast %div3A_964 : f32 to vector<16xf32>
    %div3A_966 = arith.divf %div3A_965, %add3A_963 : vector<16xf32>
    %mul3A_967 = arith.mulf %exp3A_902, %div3A_966 : vector<16xf32>
    %mul3A_968 = arith.mulf %exp3A_906, %div3A_966 : vector<16xf32>
    %eq3A_969 = arith.constant 0 : i32
    %eq3A_970 = vector.broadcast %eq3A_969 : i32 to vector<16xi32>
    %eq3A_971 = arith.cmpi eq, %iota3A, %eq3A_970 : vector<16xi32>
    tpu.vector_store_idx %arg7[%get3A_892], %mul3A_967 masked %eq3A_971 {add = true} : memref<100000xf32, #tpu.memory_space<vmem>>[vector<16xi32>], vector<16xf32>, vector<16xi1>
    %eq3A_972 = arith.constant 1 : i32
    %eq3A_973 = vector.broadcast %eq3A_972 : i32 to vector<16xi32>
    %eq3A_974 = arith.cmpi eq, %iota3A, %eq3A_973 : vector<16xi32>
    tpu.vector_store_idx %arg7[%get3A_892], %mul3A_967 masked %eq3A_974 {add = true} : memref<100000xf32, #tpu.memory_space<vmem>>[vector<16xi32>], vector<16xf32>, vector<16xi1>
    %eq3A_975 = arith.constant 2 : i32
    %eq3A_976 = vector.broadcast %eq3A_975 : i32 to vector<16xi32>
    %eq3A_977 = arith.cmpi eq, %iota3A, %eq3A_976 : vector<16xi32>
    tpu.vector_store_idx %arg7[%get3A_892], %mul3A_967 masked %eq3A_977 {add = true} : memref<100000xf32, #tpu.memory_space<vmem>>[vector<16xi32>], vector<16xf32>, vector<16xi1>
    %eq3A_978 = arith.constant 3 : i32
    %eq3A_979 = vector.broadcast %eq3A_978 : i32 to vector<16xi32>
    %eq3A_980 = arith.cmpi eq, %iota3A, %eq3A_979 : vector<16xi32>
    tpu.vector_store_idx %arg7[%get3A_892], %mul3A_967 masked %eq3A_980 {add = true} : memref<100000xf32, #tpu.memory_space<vmem>>[vector<16xi32>], vector<16xf32>, vector<16xi1>
    %eq3A_981 = arith.constant 4 : i32
    %eq3A_982 = vector.broadcast %eq3A_981 : i32 to vector<16xi32>
    %eq3A_983 = arith.cmpi eq, %iota3A, %eq3A_982 : vector<16xi32>
    tpu.vector_store_idx %arg7[%get3A_892], %mul3A_967 masked %eq3A_983 {add = true} : memref<100000xf32, #tpu.memory_space<vmem>>[vector<16xi32>], vector<16xf32>, vector<16xi1>
    %eq3A_984 = arith.constant 5 : i32
    %eq3A_985 = vector.broadcast %eq3A_984 : i32 to vector<16xi32>
    %eq3A_986 = arith.cmpi eq, %iota3A, %eq3A_985 : vector<16xi32>
    tpu.vector_store_idx %arg7[%get3A_892], %mul3A_967 masked %eq3A_986 {add = true} : memref<100000xf32, #tpu.memory_space<vmem>>[vector<16xi32>], vector<16xf32>, vector<16xi1>
    %eq3A_987 = arith.constant 6 : i32
    %eq3A_988 = vector.broadcast %eq3A_987 : i32 to vector<16xi32>
    %eq3A_989 = arith.cmpi eq, %iota3A, %eq3A_988 : vector<16xi32>
    tpu.vector_store_idx %arg7[%get3A_892], %mul3A_967 masked %eq3A_989 {add = true} : memref<100000xf32, #tpu.memory_space<vmem>>[vector<16xi32>], vector<16xf32>, vector<16xi1>
    %eq3A_990 = arith.constant 7 : i32
    %eq3A_991 = vector.broadcast %eq3A_990 : i32 to vector<16xi32>
    %eq3A_992 = arith.cmpi eq, %iota3A, %eq3A_991 : vector<16xi32>
    tpu.vector_store_idx %arg7[%get3A_892], %mul3A_967 masked %eq3A_992 {add = true} : memref<100000xf32, #tpu.memory_space<vmem>>[vector<16xi32>], vector<16xf32>, vector<16xi1>
    %eq3A_993 = arith.constant 8 : i32
    %eq3A_994 = vector.broadcast %eq3A_993 : i32 to vector<16xi32>
    %eq3A_995 = arith.cmpi eq, %iota3A, %eq3A_994 : vector<16xi32>
    tpu.vector_store_idx %arg7[%get3A_892], %mul3A_967 masked %eq3A_995 {add = true} : memref<100000xf32, #tpu.memory_space<vmem>>[vector<16xi32>], vector<16xf32>, vector<16xi1>
    %eq3A_996 = arith.constant 9 : i32
    %eq3A_997 = vector.broadcast %eq3A_996 : i32 to vector<16xi32>
    %eq3A_998 = arith.cmpi eq, %iota3A, %eq3A_997 : vector<16xi32>
    tpu.vector_store_idx %arg7[%get3A_892], %mul3A_967 masked %eq3A_998 {add = true} : memref<100000xf32, #tpu.memory_space<vmem>>[vector<16xi32>], vector<16xf32>, vector<16xi1>
    %eq3A_999 = arith.constant 10 : i32
    %eq3A_1000 = vector.broadcast %eq3A_999 : i32 to vector<16xi32>
    %eq3A_1001 = arith.cmpi eq, %iota3A, %eq3A_1000 : vector<16xi32>
    tpu.vector_store_idx %arg7[%get3A_892], %mul3A_967 masked %eq3A_1001 {add = true} : memref<100000xf32, #tpu.memory_space<vmem>>[vector<16xi32>], vector<16xf32>, vector<16xi1>
    %eq3A_1002 = arith.constant 11 : i32
    %eq3A_1003 = vector.broadcast %eq3A_1002 : i32 to vector<16xi32>
    %eq3A_1004 = arith.cmpi eq, %iota3A, %eq3A_1003 : vector<16xi32>
    tpu.vector_store_idx %arg7[%get3A_892], %mul3A_967 masked %eq3A_1004 {add = true} : memref<100000xf32, #tpu.memory_space<vmem>>[vector<16xi32>], vector<16xf32>, vector<16xi1>
    %eq3A_1005 = arith.constant 12 : i32
    %eq3A_1006 = vector.broadcast %eq3A_1005 : i32 to vector<16xi32>
    %eq3A_1007 = arith.cmpi eq, %iota3A, %eq3A_1006 : vector<16xi32>
    tpu.vector_store_idx %arg7[%get3A_892], %mul3A_967 masked %eq3A_1007 {add = true} : memref<100000xf32, #tpu.memory_space<vmem>>[vector<16xi32>], vector<16xf32>, vector<16xi1>
    %eq3A_1008 = arith.constant 13 : i32
    %eq3A_1009 = vector.broadcast %eq3A_1008 : i32 to vector<16xi32>
    %eq3A_1010 = arith.cmpi eq, %iota3A, %eq3A_1009 : vector<16xi32>
    tpu.vector_store_idx %arg7[%get3A_892], %mul3A_967 masked %eq3A_1010 {add = true} : memref<100000xf32, #tpu.memory_space<vmem>>[vector<16xi32>], vector<16xf32>, vector<16xi1>
    %eq3A_1011 = arith.constant 14 : i32
    %eq3A_1012 = vector.broadcast %eq3A_1011 : i32 to vector<16xi32>
    %eq3A_1013 = arith.cmpi eq, %iota3A, %eq3A_1012 : vector<16xi32>
    tpu.vector_store_idx %arg7[%get3A_892], %mul3A_967 masked %eq3A_1013 {add = true} : memref<100000xf32, #tpu.memory_space<vmem>>[vector<16xi32>], vector<16xf32>, vector<16xi1>
    %eq3A_1014 = arith.constant 15 : i32
    %eq3A_1015 = vector.broadcast %eq3A_1014 : i32 to vector<16xi32>
    %eq3A_1016 = arith.cmpi eq, %iota3A, %eq3A_1015 : vector<16xi32>
    tpu.vector_store_idx %arg7[%get3A_892], %mul3A_967 masked %eq3A_1016 {add = true} : memref<100000xf32, #tpu.memory_space<vmem>>[vector<16xi32>], vector<16xf32>, vector<16xi1>
    %eq3A_1017 = arith.constant 0 : i32
    %eq3A_1018 = vector.broadcast %eq3A_1017 : i32 to vector<16xi32>
    %eq3A_1019 = arith.cmpi eq, %iota3A, %eq3A_1018 : vector<16xi32>
    tpu.vector_store_idx %arg7[%get3A_894], %mul3A_968 masked %eq3A_1019 {add = true} : memref<100000xf32, #tpu.memory_space<vmem>>[vector<16xi32>], vector<16xf32>, vector<16xi1>
    %eq3A_1020 = arith.constant 1 : i32
    %eq3A_1021 = vector.broadcast %eq3A_1020 : i32 to vector<16xi32>
    %eq3A_1022 = arith.cmpi eq, %iota3A, %eq3A_1021 : vector<16xi32>
    tpu.vector_store_idx %arg7[%get3A_894], %mul3A_968 masked %eq3A_1022 {add = true} : memref<100000xf32, #tpu.memory_space<vmem>>[vector<16xi32>], vector<16xf32>, vector<16xi1>
    %eq3A_1023 = arith.constant 2 : i32
    %eq3A_1024 = vector.broadcast %eq3A_1023 : i32 to vector<16xi32>
    %eq3A_1025 = arith.cmpi eq, %iota3A, %eq3A_1024 : vector<16xi32>
    tpu.vector_store_idx %arg7[%get3A_894], %mul3A_968 masked %eq3A_1025 {add = true} : memref<100000xf32, #tpu.memory_space<vmem>>[vector<16xi32>], vector<16xf32>, vector<16xi1>
    %eq3A_1026 = arith.constant 3 : i32
    %eq3A_1027 = vector.broadcast %eq3A_1026 : i32 to vector<16xi32>
    %eq3A_1028 = arith.cmpi eq, %iota3A, %eq3A_1027 : vector<16xi32>
    tpu.vector_store_idx %arg7[%get3A_894], %mul3A_968 masked %eq3A_1028 {add = true} : memref<100000xf32, #tpu.memory_space<vmem>>[vector<16xi32>], vector<16xf32>, vector<16xi1>
    %eq3A_1029 = arith.constant 4 : i32
    %eq3A_1030 = vector.broadcast %eq3A_1029 : i32 to vector<16xi32>
    %eq3A_1031 = arith.cmpi eq, %iota3A, %eq3A_1030 : vector<16xi32>
    tpu.vector_store_idx %arg7[%get3A_894], %mul3A_968 masked %eq3A_1031 {add = true} : memref<100000xf32, #tpu.memory_space<vmem>>[vector<16xi32>], vector<16xf32>, vector<16xi1>
    %eq3A_1032 = arith.constant 5 : i32
    %eq3A_1033 = vector.broadcast %eq3A_1032 : i32 to vector<16xi32>
    %eq3A_1034 = arith.cmpi eq, %iota3A, %eq3A_1033 : vector<16xi32>
    tpu.vector_store_idx %arg7[%get3A_894], %mul3A_968 masked %eq3A_1034 {add = true} : memref<100000xf32, #tpu.memory_space<vmem>>[vector<16xi32>], vector<16xf32>, vector<16xi1>
    %eq3A_1035 = arith.constant 6 : i32
    %eq3A_1036 = vector.broadcast %eq3A_1035 : i32 to vector<16xi32>
    %eq3A_1037 = arith.cmpi eq, %iota3A, %eq3A_1036 : vector<16xi32>
    tpu.vector_store_idx %arg7[%get3A_894], %mul3A_968 masked %eq3A_1037 {add = true} : memref<100000xf32, #tpu.memory_space<vmem>>[vector<16xi32>], vector<16xf32>, vector<16xi1>
    %eq3A_1038 = arith.constant 7 : i32
    %eq3A_1039 = vector.broadcast %eq3A_1038 : i32 to vector<16xi32>
    %eq3A_1040 = arith.cmpi eq, %iota3A, %eq3A_1039 : vector<16xi32>
    tpu.vector_store_idx %arg7[%get3A_894], %mul3A_968 masked %eq3A_1040 {add = true} : memref<100000xf32, #tpu.memory_space<vmem>>[vector<16xi32>], vector<16xf32>, vector<16xi1>
    %eq3A_1041 = arith.constant 8 : i32
    %eq3A_1042 = vector.broadcast %eq3A_1041 : i32 to vector<16xi32>
    %eq3A_1043 = arith.cmpi eq, %iota3A, %eq3A_1042 : vector<16xi32>
    tpu.vector_store_idx %arg7[%get3A_894], %mul3A_968 masked %eq3A_1043 {add = true} : memref<100000xf32, #tpu.memory_space<vmem>>[vector<16xi32>], vector<16xf32>, vector<16xi1>
    %eq3A_1044 = arith.constant 9 : i32
    %eq3A_1045 = vector.broadcast %eq3A_1044 : i32 to vector<16xi32>
    %eq3A_1046 = arith.cmpi eq, %iota3A, %eq3A_1045 : vector<16xi32>
    tpu.vector_store_idx %arg7[%get3A_894], %mul3A_968 masked %eq3A_1046 {add = true} : memref<100000xf32, #tpu.memory_space<vmem>>[vector<16xi32>], vector<16xf32>, vector<16xi1>
    %eq3A_1047 = arith.constant 10 : i32
    %eq3A_1048 = vector.broadcast %eq3A_1047 : i32 to vector<16xi32>
    %eq3A_1049 = arith.cmpi eq, %iota3A, %eq3A_1048 : vector<16xi32>
    tpu.vector_store_idx %arg7[%get3A_894], %mul3A_968 masked %eq3A_1049 {add = true} : memref<100000xf32, #tpu.memory_space<vmem>>[vector<16xi32>], vector<16xf32>, vector<16xi1>
    %eq3A_1050 = arith.constant 11 : i32
    %eq3A_1051 = vector.broadcast %eq3A_1050 : i32 to vector<16xi32>
    %eq3A_1052 = arith.cmpi eq, %iota3A, %eq3A_1051 : vector<16xi32>
    tpu.vector_store_idx %arg7[%get3A_894], %mul3A_968 masked %eq3A_1052 {add = true} : memref<100000xf32, #tpu.memory_space<vmem>>[vector<16xi32>], vector<16xf32>, vector<16xi1>
    %eq3A_1053 = arith.constant 12 : i32
    %eq3A_1054 = vector.broadcast %eq3A_1053 : i32 to vector<16xi32>
    %eq3A_1055 = arith.cmpi eq, %iota3A, %eq3A_1054 : vector<16xi32>
    tpu.vector_store_idx %arg7[%get3A_894], %mul3A_968 masked %eq3A_1055 {add = true} : memref<100000xf32, #tpu.memory_space<vmem>>[vector<16xi32>], vector<16xf32>, vector<16xi1>
    %eq3A_1056 = arith.constant 13 : i32
    %eq3A_1057 = vector.broadcast %eq3A_1056 : i32 to vector<16xi32>
    %eq3A_1058 = arith.cmpi eq, %iota3A, %eq3A_1057 : vector<16xi32>
    tpu.vector_store_idx %arg7[%get3A_894], %mul3A_968 masked %eq3A_1058 {add = true} : memref<100000xf32, #tpu.memory_space<vmem>>[vector<16xi32>], vector<16xf32>, vector<16xi1>
    %eq3A_1059 = arith.constant 14 : i32
    %eq3A_1060 = vector.broadcast %eq3A_1059 : i32 to vector<16xi32>
    %eq3A_1061 = arith.cmpi eq, %iota3A, %eq3A_1060 : vector<16xi32>
    tpu.vector_store_idx %arg7[%get3A_894], %mul3A_968 masked %eq3A_1061 {add = true} : memref<100000xf32, #tpu.memory_space<vmem>>[vector<16xi32>], vector<16xf32>, vector<16xi1>
    %eq3A_1062 = arith.constant 15 : i32
    %eq3A_1063 = vector.broadcast %eq3A_1062 : i32 to vector<16xi32>
    %eq3A_1064 = arith.cmpi eq, %iota3A, %eq3A_1063 : vector<16xi32>
    tpu.vector_store_idx %arg7[%get3A_894], %mul3A_968 masked %eq3A_1064 {add = true} : memref<100000xf32, #tpu.memory_space<vmem>>[vector<16xi32>], vector<16xf32>, vector<16xi1>
    %add3A_1065 = arith.constant 5 : i32
    %add3A_1066 = arith.addi %mul3A_2, %add3A_1065 : i32
    "tpu.region"() ({
      %run_scoped3A = tpu.sem_alloc : memref<!tpu.dma_semaphore, #tpu.memory_space<semaphore_mem>>
      %dma_start3A_1419 = arith.constant 0 : i32
      %dma_start3A_1420 = tpu.memref_slice %arg4[%add3A_1066, %dma_start3A_1419] : memref<256x100000xf32, #tpu.memory_space<hbm>> -> memref<1x100000xf32, #tpu.memory_space<hbm>>
      %dma_start3A_1421 = tpu.memref_squeeze %dma_start3A_1420 : memref<1x100000xf32, #tpu.memory_space<hbm>> -> memref<100000xf32, #tpu.memory_space<hbm>>
      %dma_start3A_1422 = arith.constant 0 : i32
      %dma_start3A_1423 = tpu.memref_slice %arg4[%add3A_1066, %dma_start3A_1422] : memref<256x100000xf32, #tpu.memory_space<hbm>> -> memref<1x100000xf32, #tpu.memory_space<hbm>>
      %dma_start3A_1424 = tpu.memref_squeeze %dma_start3A_1423 : memref<1x100000xf32, #tpu.memory_space<hbm>> -> memref<100000xf32, #tpu.memory_space<hbm>>
      tpu.enqueue_dma source(%arg7 : memref<100000xf32, #tpu.memory_space<vmem>>) target(%dma_start3A_1424 : memref<100000xf32, #tpu.memory_space<hbm>>) target_semaphore(%run_scoped3A : memref<!tpu.dma_semaphore, #tpu.memory_space<semaphore_mem>>)
      %dma_wait3A_1425 = arith.constant 0 : i32
      %dma_wait3A_1426 = tpu.memref_slice %arg4[%add3A_1066, %dma_wait3A_1425] : memref<256x100000xf32, #tpu.memory_space<hbm>> -> memref<1x100000xf32, #tpu.memory_space<hbm>>
      %dma_wait3A_1427 = tpu.memref_squeeze %dma_wait3A_1426 : memref<1x100000xf32, #tpu.memory_space<hbm>> -> memref<100000xf32, #tpu.memory_space<hbm>>
      %dma_wait3A_1428 = arith.constant 0 : i32
      %dma_wait3A_1429 = tpu.memref_slice %arg4[%add3A_1066, %dma_wait3A_1428] : memref<256x100000xf32, #tpu.memory_space<hbm>> -> memref<1x100000xf32, #tpu.memory_space<hbm>>
      %dma_wait3A_1430 = tpu.memref_squeeze %dma_wait3A_1429 : memref<1x100000xf32, #tpu.memory_space<hbm>> -> memref<100000xf32, #tpu.memory_space<hbm>>
      tpu.wait_dma2 semaphore(%run_scoped3A : memref<!tpu.dma_semaphore, #tpu.memory_space<semaphore_mem>>) src(%arg7 : memref<100000xf32, #tpu.memory_space<vmem>>) dst(%dma_wait3A_1430 : memref<100000xf32, #tpu.memory_space<hbm>>)
      tpu.yield
    }) : () -> ()
    tpu.vector_store_idx %arg7[%get3A_892], %broadcast_in_dim3A_10 : memref<100000xf32, #tpu.memory_space<vmem>>[vector<16xi32>], vector<16xf32>,
    tpu.vector_store_idx %arg7[%get3A_894], %broadcast_in_dim3A_10 : memref<100000xf32, #tpu.memory_space<vmem>>[vector<16xi32>], vector<16xf32>,
    %get3A_1067 = arith.constant 192 : index
    %get3A_1068 = tpu.vector_load %arg5[%get3A_1067] {strides = array<i32>} : memref<256xi32, #tpu.memory_space<vmem>>, vector<16xi32>,
    %get3A_1069 = arith.constant 208 : index
    %get3A_1070 = tpu.vector_load %arg5[%get3A_1069] {strides = array<i32>} : memref<256xi32, #tpu.memory_space<vmem>>, vector<16xi32>,
    %get3A_1071 = arith.constant 192 : index
    %get3A_1072 = tpu.vector_load %arg6[%get3A_1071] {strides = array<i32>} : memref<256xf32, #tpu.memory_space<vmem>>, vector<16xf32>,
    %get3A_1073 = arith.constant 208 : index
    %get3A_1074 = tpu.vector_load %arg6[%get3A_1073] {strides = array<i32>} : memref<256xf32, #tpu.memory_space<vmem>>, vector<16xf32>,
    %mul3A_1075 = arith.constant -1.000000e-01 : f32
    %mul3A_1076 = vector.broadcast %mul3A_1075 : f32 to vector<16xf32>
    %mul3A_1077 = arith.mulf %get3A_1072, %mul3A_1076 : vector<16xf32>
    %exp3A_1078 = math.exp %mul3A_1077 : vector<16xf32>
    %mul3A_1079 = arith.constant -1.000000e-01 : f32
    %mul3A_1080 = vector.broadcast %mul3A_1079 : f32 to vector<16xf32>
    %mul3A_1081 = arith.mulf %get3A_1074, %mul3A_1080 : vector<16xf32>
    %exp3A_1082 = math.exp %mul3A_1081 : vector<16xf32>
    %add3A_1083 = arith.addf %exp3A_1078, %exp3A_1082 : vector<16xf32>
    %xor3A_1084 = arith.constant 8 : i32
    %xor3A_1085 = vector.broadcast %xor3A_1084 : i32 to vector<16xi32>
    %xor3A_1086 = arith.xori %iota3A, %xor3A_1085 : vector<16xi32>
    %lt3A_1087 = arith.constant 0 : i32
    %lt3A_1088 = vector.broadcast %lt3A_1087 : i32 to vector<16xi32>
    %lt3A_1089 = arith.cmpi slt, %xor3A_1086, %lt3A_1088 : vector<16xi32>
    %add3A_1090 = arith.constant 16 : i32
    %add3A_1091 = vector.broadcast %add3A_1090 : i32 to vector<16xi32>
    %add3A_1092 = arith.addi %xor3A_1086, %add3A_1091 : vector<16xi32>
    %select_n3A_1093 = arith.select %lt3A_1089, %add3A_1092, %xor3A_1086 : vector<16xi1>, vector<16xi32>
    %broadcast_in_dim3A_1094 = vector.shape_cast %select_n3A_1093 : vector<16xi32> to vector<16x1xi32>
    %gather3A_1095 = vector.shape_cast %broadcast_in_dim3A_1094 : vector<16x1xi32> to vector<16xi32>
    %gather3A_1096 = tpu.dynamic_gather %add3A_1083[%gather3A_1095] in [0] : vector<16xf32>, vector<16xi32> -> vector<16xf32>
    %add3A_1097 = arith.addf %add3A_1083, %gather3A_1096 : vector<16xf32>
    %xor3A_1098 = arith.constant 4 : i32
    %xor3A_1099 = vector.broadcast %xor3A_1098 : i32 to vector<16xi32>
    %xor3A_1100 = arith.xori %iota3A, %xor3A_1099 : vector<16xi32>
    %lt3A_1101 = arith.constant 0 : i32
    %lt3A_1102 = vector.broadcast %lt3A_1101 : i32 to vector<16xi32>
    %lt3A_1103 = arith.cmpi slt, %xor3A_1100, %lt3A_1102 : vector<16xi32>
    %add3A_1104 = arith.constant 16 : i32
    %add3A_1105 = vector.broadcast %add3A_1104 : i32 to vector<16xi32>
    %add3A_1106 = arith.addi %xor3A_1100, %add3A_1105 : vector<16xi32>
    %select_n3A_1107 = arith.select %lt3A_1103, %add3A_1106, %xor3A_1100 : vector<16xi1>, vector<16xi32>
    %broadcast_in_dim3A_1108 = vector.shape_cast %select_n3A_1107 : vector<16xi32> to vector<16x1xi32>
    %gather3A_1109 = vector.shape_cast %broadcast_in_dim3A_1108 : vector<16x1xi32> to vector<16xi32>
    %gather3A_1110 = tpu.dynamic_gather %add3A_1097[%gather3A_1109] in [0] : vector<16xf32>, vector<16xi32> -> vector<16xf32>
    %add3A_1111 = arith.addf %add3A_1097, %gather3A_1110 : vector<16xf32>
    %xor3A_1112 = arith.constant 2 : i32
    %xor3A_1113 = vector.broadcast %xor3A_1112 : i32 to vector<16xi32>
    %xor3A_1114 = arith.xori %iota3A, %xor3A_1113 : vector<16xi32>
    %lt3A_1115 = arith.constant 0 : i32
    %lt3A_1116 = vector.broadcast %lt3A_1115 : i32 to vector<16xi32>
    %lt3A_1117 = arith.cmpi slt, %xor3A_1114, %lt3A_1116 : vector<16xi32>
    %add3A_1118 = arith.constant 16 : i32
    %add3A_1119 = vector.broadcast %add3A_1118 : i32 to vector<16xi32>
    %add3A_1120 = arith.addi %xor3A_1114, %add3A_1119 : vector<16xi32>
    %select_n3A_1121 = arith.select %lt3A_1117, %add3A_1120, %xor3A_1114 : vector<16xi1>, vector<16xi32>
    %broadcast_in_dim3A_1122 = vector.shape_cast %select_n3A_1121 : vector<16xi32> to vector<16x1xi32>
    %gather3A_1123 = vector.shape_cast %broadcast_in_dim3A_1122 : vector<16x1xi32> to vector<16xi32>
    %gather3A_1124 = tpu.dynamic_gather %add3A_1111[%gather3A_1123] in [0] : vector<16xf32>, vector<16xi32> -> vector<16xf32>
    %add3A_1125 = arith.addf %add3A_1111, %gather3A_1124 : vector<16xf32>
    %xor3A_1126 = arith.constant 1 : i32
    %xor3A_1127 = vector.broadcast %xor3A_1126 : i32 to vector<16xi32>
    %xor3A_1128 = arith.xori %iota3A, %xor3A_1127 : vector<16xi32>
    %lt3A_1129 = arith.constant 0 : i32
    %lt3A_1130 = vector.broadcast %lt3A_1129 : i32 to vector<16xi32>
    %lt3A_1131 = arith.cmpi slt, %xor3A_1128, %lt3A_1130 : vector<16xi32>
    %add3A_1132 = arith.constant 16 : i32
    %add3A_1133 = vector.broadcast %add3A_1132 : i32 to vector<16xi32>
    %add3A_1134 = arith.addi %xor3A_1128, %add3A_1133 : vector<16xi32>
    %select_n3A_1135 = arith.select %lt3A_1131, %add3A_1134, %xor3A_1128 : vector<16xi1>, vector<16xi32>
    %broadcast_in_dim3A_1136 = vector.shape_cast %select_n3A_1135 : vector<16xi32> to vector<16x1xi32>
    %gather3A_1137 = vector.shape_cast %broadcast_in_dim3A_1136 : vector<16x1xi32> to vector<16xi32>
    %gather3A_1138 = tpu.dynamic_gather %add3A_1125[%gather3A_1137] in [0] : vector<16xf32>, vector<16xi32> -> vector<16xf32>
    %add3A_1139 = arith.addf %add3A_1125, %gather3A_1138 : vector<16xf32>
    %div3A_1140 = arith.constant 1.000000e+00 : f32
    %div3A_1141 = vector.broadcast %div3A_1140 : f32 to vector<16xf32>
    %div3A_1142 = arith.divf %div3A_1141, %add3A_1139 : vector<16xf32>
    %mul3A_1143 = arith.mulf %exp3A_1078, %div3A_1142 : vector<16xf32>
    %mul3A_1144 = arith.mulf %exp3A_1082, %div3A_1142 : vector<16xf32>
    %eq3A_1145 = arith.constant 0 : i32
    %eq3A_1146 = vector.broadcast %eq3A_1145 : i32 to vector<16xi32>
    %eq3A_1147 = arith.cmpi eq, %iota3A, %eq3A_1146 : vector<16xi32>
    tpu.vector_store_idx %arg7[%get3A_1068], %mul3A_1143 masked %eq3A_1147 {add = true} : memref<100000xf32, #tpu.memory_space<vmem>>[vector<16xi32>], vector<16xf32>, vector<16xi1>
    %eq3A_1148 = arith.constant 1 : i32
    %eq3A_1149 = vector.broadcast %eq3A_1148 : i32 to vector<16xi32>
    %eq3A_1150 = arith.cmpi eq, %iota3A, %eq3A_1149 : vector<16xi32>
    tpu.vector_store_idx %arg7[%get3A_1068], %mul3A_1143 masked %eq3A_1150 {add = true} : memref<100000xf32, #tpu.memory_space<vmem>>[vector<16xi32>], vector<16xf32>, vector<16xi1>
    %eq3A_1151 = arith.constant 2 : i32
    %eq3A_1152 = vector.broadcast %eq3A_1151 : i32 to vector<16xi32>
    %eq3A_1153 = arith.cmpi eq, %iota3A, %eq3A_1152 : vector<16xi32>
    tpu.vector_store_idx %arg7[%get3A_1068], %mul3A_1143 masked %eq3A_1153 {add = true} : memref<100000xf32, #tpu.memory_space<vmem>>[vector<16xi32>], vector<16xf32>, vector<16xi1>
    %eq3A_1154 = arith.constant 3 : i32
    %eq3A_1155 = vector.broadcast %eq3A_1154 : i32 to vector<16xi32>
    %eq3A_1156 = arith.cmpi eq, %iota3A, %eq3A_1155 : vector<16xi32>
    tpu.vector_store_idx %arg7[%get3A_1068], %mul3A_1143 masked %eq3A_1156 {add = true} : memref<100000xf32, #tpu.memory_space<vmem>>[vector<16xi32>], vector<16xf32>, vector<16xi1>
    %eq3A_1157 = arith.constant 4 : i32
    %eq3A_1158 = vector.broadcast %eq3A_1157 : i32 to vector<16xi32>
    %eq3A_1159 = arith.cmpi eq, %iota3A, %eq3A_1158 : vector<16xi32>
    tpu.vector_store_idx %arg7[%get3A_1068], %mul3A_1143 masked %eq3A_1159 {add = true} : memref<100000xf32, #tpu.memory_space<vmem>>[vector<16xi32>], vector<16xf32>, vector<16xi1>
    %eq3A_1160 = arith.constant 5 : i32
    %eq3A_1161 = vector.broadcast %eq3A_1160 : i32 to vector<16xi32>
    %eq3A_1162 = arith.cmpi eq, %iota3A, %eq3A_1161 : vector<16xi32>
    tpu.vector_store_idx %arg7[%get3A_1068], %mul3A_1143 masked %eq3A_1162 {add = true} : memref<100000xf32, #tpu.memory_space<vmem>>[vector<16xi32>], vector<16xf32>, vector<16xi1>
    %eq3A_1163 = arith.constant 6 : i32
    %eq3A_1164 = vector.broadcast %eq3A_1163 : i32 to vector<16xi32>
    %eq3A_1165 = arith.cmpi eq, %iota3A, %eq3A_1164 : vector<16xi32>
    tpu.vector_store_idx %arg7[%get3A_1068], %mul3A_1143 masked %eq3A_1165 {add = true} : memref<100000xf32, #tpu.memory_space<vmem>>[vector<16xi32>], vector<16xf32>, vector<16xi1>
    %eq3A_1166 = arith.constant 7 : i32
    %eq3A_1167 = vector.broadcast %eq3A_1166 : i32 to vector<16xi32>
    %eq3A_1168 = arith.cmpi eq, %iota3A, %eq3A_1167 : vector<16xi32>
    tpu.vector_store_idx %arg7[%get3A_1068], %mul3A_1143 masked %eq3A_1168 {add = true} : memref<100000xf32, #tpu.memory_space<vmem>>[vector<16xi32>], vector<16xf32>, vector<16xi1>
    %eq3A_1169 = arith.constant 8 : i32
    %eq3A_1170 = vector.broadcast %eq3A_1169 : i32 to vector<16xi32>
    %eq3A_1171 = arith.cmpi eq, %iota3A, %eq3A_1170 : vector<16xi32>
    tpu.vector_store_idx %arg7[%get3A_1068], %mul3A_1143 masked %eq3A_1171 {add = true} : memref<100000xf32, #tpu.memory_space<vmem>>[vector<16xi32>], vector<16xf32>, vector<16xi1>
    %eq3A_1172 = arith.constant 9 : i32
    %eq3A_1173 = vector.broadcast %eq3A_1172 : i32 to vector<16xi32>
    %eq3A_1174 = arith.cmpi eq, %iota3A, %eq3A_1173 : vector<16xi32>
    tpu.vector_store_idx %arg7[%get3A_1068], %mul3A_1143 masked %eq3A_1174 {add = true} : memref<100000xf32, #tpu.memory_space<vmem>>[vector<16xi32>], vector<16xf32>, vector<16xi1>
    %eq3A_1175 = arith.constant 10 : i32
    %eq3A_1176 = vector.broadcast %eq3A_1175 : i32 to vector<16xi32>
    %eq3A_1177 = arith.cmpi eq, %iota3A, %eq3A_1176 : vector<16xi32>
    tpu.vector_store_idx %arg7[%get3A_1068], %mul3A_1143 masked %eq3A_1177 {add = true} : memref<100000xf32, #tpu.memory_space<vmem>>[vector<16xi32>], vector<16xf32>, vector<16xi1>
    %eq3A_1178 = arith.constant 11 : i32
    %eq3A_1179 = vector.broadcast %eq3A_1178 : i32 to vector<16xi32>
    %eq3A_1180 = arith.cmpi eq, %iota3A, %eq3A_1179 : vector<16xi32>
    tpu.vector_store_idx %arg7[%get3A_1068], %mul3A_1143 masked %eq3A_1180 {add = true} : memref<100000xf32, #tpu.memory_space<vmem>>[vector<16xi32>], vector<16xf32>, vector<16xi1>
    %eq3A_1181 = arith.constant 12 : i32
    %eq3A_1182 = vector.broadcast %eq3A_1181 : i32 to vector<16xi32>
    %eq3A_1183 = arith.cmpi eq, %iota3A, %eq3A_1182 : vector<16xi32>
    tpu.vector_store_idx %arg7[%get3A_1068], %mul3A_1143 masked %eq3A_1183 {add = true} : memref<100000xf32, #tpu.memory_space<vmem>>[vector<16xi32>], vector<16xf32>, vector<16xi1>
    %eq3A_1184 = arith.constant 13 : i32
    %eq3A_1185 = vector.broadcast %eq3A_1184 : i32 to vector<16xi32>
    %eq3A_1186 = arith.cmpi eq, %iota3A, %eq3A_1185 : vector<16xi32>
    tpu.vector_store_idx %arg7[%get3A_1068], %mul3A_1143 masked %eq3A_1186 {add = true} : memref<100000xf32, #tpu.memory_space<vmem>>[vector<16xi32>], vector<16xf32>, vector<16xi1>
    %eq3A_1187 = arith.constant 14 : i32
    %eq3A_1188 = vector.broadcast %eq3A_1187 : i32 to vector<16xi32>
    %eq3A_1189 = arith.cmpi eq, %iota3A, %eq3A_1188 : vector<16xi32>
    tpu.vector_store_idx %arg7[%get3A_1068], %mul3A_1143 masked %eq3A_1189 {add = true} : memref<100000xf32, #tpu.memory_space<vmem>>[vector<16xi32>], vector<16xf32>, vector<16xi1>
    %eq3A_1190 = arith.constant 15 : i32
    %eq3A_1191 = vector.broadcast %eq3A_1190 : i32 to vector<16xi32>
    %eq3A_1192 = arith.cmpi eq, %iota3A, %eq3A_1191 : vector<16xi32>
    tpu.vector_store_idx %arg7[%get3A_1068], %mul3A_1143 masked %eq3A_1192 {add = true} : memref<100000xf32, #tpu.memory_space<vmem>>[vector<16xi32>], vector<16xf32>, vector<16xi1>
    %eq3A_1193 = arith.constant 0 : i32
    %eq3A_1194 = vector.broadcast %eq3A_1193 : i32 to vector<16xi32>
    %eq3A_1195 = arith.cmpi eq, %iota3A, %eq3A_1194 : vector<16xi32>
    tpu.vector_store_idx %arg7[%get3A_1070], %mul3A_1144 masked %eq3A_1195 {add = true} : memref<100000xf32, #tpu.memory_space<vmem>>[vector<16xi32>], vector<16xf32>, vector<16xi1>
    %eq3A_1196 = arith.constant 1 : i32
    %eq3A_1197 = vector.broadcast %eq3A_1196 : i32 to vector<16xi32>
    %eq3A_1198 = arith.cmpi eq, %iota3A, %eq3A_1197 : vector<16xi32>
    tpu.vector_store_idx %arg7[%get3A_1070], %mul3A_1144 masked %eq3A_1198 {add = true} : memref<100000xf32, #tpu.memory_space<vmem>>[vector<16xi32>], vector<16xf32>, vector<16xi1>
    %eq3A_1199 = arith.constant 2 : i32
    %eq3A_1200 = vector.broadcast %eq3A_1199 : i32 to vector<16xi32>
    %eq3A_1201 = arith.cmpi eq, %iota3A, %eq3A_1200 : vector<16xi32>
    tpu.vector_store_idx %arg7[%get3A_1070], %mul3A_1144 masked %eq3A_1201 {add = true} : memref<100000xf32, #tpu.memory_space<vmem>>[vector<16xi32>], vector<16xf32>, vector<16xi1>
    %eq3A_1202 = arith.constant 3 : i32
    %eq3A_1203 = vector.broadcast %eq3A_1202 : i32 to vector<16xi32>
    %eq3A_1204 = arith.cmpi eq, %iota3A, %eq3A_1203 : vector<16xi32>
    tpu.vector_store_idx %arg7[%get3A_1070], %mul3A_1144 masked %eq3A_1204 {add = true} : memref<100000xf32, #tpu.memory_space<vmem>>[vector<16xi32>], vector<16xf32>, vector<16xi1>
    %eq3A_1205 = arith.constant 4 : i32
    %eq3A_1206 = vector.broadcast %eq3A_1205 : i32 to vector<16xi32>
    %eq3A_1207 = arith.cmpi eq, %iota3A, %eq3A_1206 : vector<16xi32>
    tpu.vector_store_idx %arg7[%get3A_1070], %mul3A_1144 masked %eq3A_1207 {add = true} : memref<100000xf32, #tpu.memory_space<vmem>>[vector<16xi32>], vector<16xf32>, vector<16xi1>
    %eq3A_1208 = arith.constant 5 : i32
    %eq3A_1209 = vector.broadcast %eq3A_1208 : i32 to vector<16xi32>
    %eq3A_1210 = arith.cmpi eq, %iota3A, %eq3A_1209 : vector<16xi32>
    tpu.vector_store_idx %arg7[%get3A_1070], %mul3A_1144 masked %eq3A_1210 {add = true} : memref<100000xf32, #tpu.memory_space<vmem>>[vector<16xi32>], vector<16xf32>, vector<16xi1>
    %eq3A_1211 = arith.constant 6 : i32
    %eq3A_1212 = vector.broadcast %eq3A_1211 : i32 to vector<16xi32>
    %eq3A_1213 = arith.cmpi eq, %iota3A, %eq3A_1212 : vector<16xi32>
    tpu.vector_store_idx %arg7[%get3A_1070], %mul3A_1144 masked %eq3A_1213 {add = true} : memref<100000xf32, #tpu.memory_space<vmem>>[vector<16xi32>], vector<16xf32>, vector<16xi1>
    %eq3A_1214 = arith.constant 7 : i32
    %eq3A_1215 = vector.broadcast %eq3A_1214 : i32 to vector<16xi32>
    %eq3A_1216 = arith.cmpi eq, %iota3A, %eq3A_1215 : vector<16xi32>
    tpu.vector_store_idx %arg7[%get3A_1070], %mul3A_1144 masked %eq3A_1216 {add = true} : memref<100000xf32, #tpu.memory_space<vmem>>[vector<16xi32>], vector<16xf32>, vector<16xi1>
    %eq3A_1217 = arith.constant 8 : i32
    %eq3A_1218 = vector.broadcast %eq3A_1217 : i32 to vector<16xi32>
    %eq3A_1219 = arith.cmpi eq, %iota3A, %eq3A_1218 : vector<16xi32>
    tpu.vector_store_idx %arg7[%get3A_1070], %mul3A_1144 masked %eq3A_1219 {add = true} : memref<100000xf32, #tpu.memory_space<vmem>>[vector<16xi32>], vector<16xf32>, vector<16xi1>
    %eq3A_1220 = arith.constant 9 : i32
    %eq3A_1221 = vector.broadcast %eq3A_1220 : i32 to vector<16xi32>
    %eq3A_1222 = arith.cmpi eq, %iota3A, %eq3A_1221 : vector<16xi32>
    tpu.vector_store_idx %arg7[%get3A_1070], %mul3A_1144 masked %eq3A_1222 {add = true} : memref<100000xf32, #tpu.memory_space<vmem>>[vector<16xi32>], vector<16xf32>, vector<16xi1>
    %eq3A_1223 = arith.constant 10 : i32
    %eq3A_1224 = vector.broadcast %eq3A_1223 : i32 to vector<16xi32>
    %eq3A_1225 = arith.cmpi eq, %iota3A, %eq3A_1224 : vector<16xi32>
    tpu.vector_store_idx %arg7[%get3A_1070], %mul3A_1144 masked %eq3A_1225 {add = true} : memref<100000xf32, #tpu.memory_space<vmem>>[vector<16xi32>], vector<16xf32>, vector<16xi1>
    %eq3A_1226 = arith.constant 11 : i32
    %eq3A_1227 = vector.broadcast %eq3A_1226 : i32 to vector<16xi32>
    %eq3A_1228 = arith.cmpi eq, %iota3A, %eq3A_1227 : vector<16xi32>
    tpu.vector_store_idx %arg7[%get3A_1070], %mul3A_1144 masked %eq3A_1228 {add = true} : memref<100000xf32, #tpu.memory_space<vmem>>[vector<16xi32>], vector<16xf32>, vector<16xi1>
    %eq3A_1229 = arith.constant 12 : i32
    %eq3A_1230 = vector.broadcast %eq3A_1229 : i32 to vector<16xi32>
    %eq3A_1231 = arith.cmpi eq, %iota3A, %eq3A_1230 : vector<16xi32>
    tpu.vector_store_idx %arg7[%get3A_1070], %mul3A_1144 masked %eq3A_1231 {add = true} : memref<100000xf32, #tpu.memory_space<vmem>>[vector<16xi32>], vector<16xf32>, vector<16xi1>
    %eq3A_1232 = arith.constant 13 : i32
    %eq3A_1233 = vector.broadcast %eq3A_1232 : i32 to vector<16xi32>
    %eq3A_1234 = arith.cmpi eq, %iota3A, %eq3A_1233 : vector<16xi32>
    tpu.vector_store_idx %arg7[%get3A_1070], %mul3A_1144 masked %eq3A_1234 {add = true} : memref<100000xf32, #tpu.memory_space<vmem>>[vector<16xi32>], vector<16xf32>, vector<16xi1>
    %eq3A_1235 = arith.constant 14 : i32
    %eq3A_1236 = vector.broadcast %eq3A_1235 : i32 to vector<16xi32>
    %eq3A_1237 = arith.cmpi eq, %iota3A, %eq3A_1236 : vector<16xi32>
    tpu.vector_store_idx %arg7[%get3A_1070], %mul3A_1144 masked %eq3A_1237 {add = true} : memref<100000xf32, #tpu.memory_space<vmem>>[vector<16xi32>], vector<16xf32>, vector<16xi1>
    %eq3A_1238 = arith.constant 15 : i32
    %eq3A_1239 = vector.broadcast %eq3A_1238 : i32 to vector<16xi32>
    %eq3A_1240 = arith.cmpi eq, %iota3A, %eq3A_1239 : vector<16xi32>
    tpu.vector_store_idx %arg7[%get3A_1070], %mul3A_1144 masked %eq3A_1240 {add = true} : memref<100000xf32, #tpu.memory_space<vmem>>[vector<16xi32>], vector<16xf32>, vector<16xi1>
    %add3A_1241 = arith.constant 6 : i32
    %add3A_1242 = arith.addi %mul3A_2, %add3A_1241 : i32
    "tpu.region"() ({
      %run_scoped3A = tpu.sem_alloc : memref<!tpu.dma_semaphore, #tpu.memory_space<semaphore_mem>>
      %dma_start3A_1419 = arith.constant 0 : i32
      %dma_start3A_1420 = tpu.memref_slice %arg4[%add3A_1242, %dma_start3A_1419] : memref<256x100000xf32, #tpu.memory_space<hbm>> -> memref<1x100000xf32, #tpu.memory_space<hbm>>
      %dma_start3A_1421 = tpu.memref_squeeze %dma_start3A_1420 : memref<1x100000xf32, #tpu.memory_space<hbm>> -> memref<100000xf32, #tpu.memory_space<hbm>>
      %dma_start3A_1422 = arith.constant 0 : i32
      %dma_start3A_1423 = tpu.memref_slice %arg4[%add3A_1242, %dma_start3A_1422] : memref<256x100000xf32, #tpu.memory_space<hbm>> -> memref<1x100000xf32, #tpu.memory_space<hbm>>
      %dma_start3A_1424 = tpu.memref_squeeze %dma_start3A_1423 : memref<1x100000xf32, #tpu.memory_space<hbm>> -> memref<100000xf32, #tpu.memory_space<hbm>>
      tpu.enqueue_dma source(%arg7 : memref<100000xf32, #tpu.memory_space<vmem>>) target(%dma_start3A_1424 : memref<100000xf32, #tpu.memory_space<hbm>>) target_semaphore(%run_scoped3A : memref<!tpu.dma_semaphore, #tpu.memory_space<semaphore_mem>>)
      %dma_wait3A_1425 = arith.constant 0 : i32
      %dma_wait3A_1426 = tpu.memref_slice %arg4[%add3A_1242, %dma_wait3A_1425] : memref<256x100000xf32, #tpu.memory_space<hbm>> -> memref<1x100000xf32, #tpu.memory_space<hbm>>
      %dma_wait3A_1427 = tpu.memref_squeeze %dma_wait3A_1426 : memref<1x100000xf32, #tpu.memory_space<hbm>> -> memref<100000xf32, #tpu.memory_space<hbm>>
      %dma_wait3A_1428 = arith.constant 0 : i32
      %dma_wait3A_1429 = tpu.memref_slice %arg4[%add3A_1242, %dma_wait3A_1428] : memref<256x100000xf32, #tpu.memory_space<hbm>> -> memref<1x100000xf32, #tpu.memory_space<hbm>>
      %dma_wait3A_1430 = tpu.memref_squeeze %dma_wait3A_1429 : memref<1x100000xf32, #tpu.memory_space<hbm>> -> memref<100000xf32, #tpu.memory_space<hbm>>
      tpu.wait_dma2 semaphore(%run_scoped3A : memref<!tpu.dma_semaphore, #tpu.memory_space<semaphore_mem>>) src(%arg7 : memref<100000xf32, #tpu.memory_space<vmem>>) dst(%dma_wait3A_1430 : memref<100000xf32, #tpu.memory_space<hbm>>)
      tpu.yield
    }) : () -> ()
    tpu.vector_store_idx %arg7[%get3A_1068], %broadcast_in_dim3A_10 : memref<100000xf32, #tpu.memory_space<vmem>>[vector<16xi32>], vector<16xf32>,
    tpu.vector_store_idx %arg7[%get3A_1070], %broadcast_in_dim3A_10 : memref<100000xf32, #tpu.memory_space<vmem>>[vector<16xi32>], vector<16xf32>,
    %get3A_1243 = arith.constant 224 : index
    %get3A_1244 = tpu.vector_load %arg5[%get3A_1243] {strides = array<i32>} : memref<256xi32, #tpu.memory_space<vmem>>, vector<16xi32>,
    %get3A_1245 = arith.constant 240 : index
    %get3A_1246 = tpu.vector_load %arg5[%get3A_1245] {strides = array<i32>} : memref<256xi32, #tpu.memory_space<vmem>>, vector<16xi32>,
    %get3A_1247 = arith.constant 224 : index
    %get3A_1248 = tpu.vector_load %arg6[%get3A_1247] {strides = array<i32>} : memref<256xf32, #tpu.memory_space<vmem>>, vector<16xf32>,
    %get3A_1249 = arith.constant 240 : index
    %get3A_1250 = tpu.vector_load %arg6[%get3A_1249] {strides = array<i32>} : memref<256xf32, #tpu.memory_space<vmem>>, vector<16xf32>,
    %mul3A_1251 = arith.constant -1.000000e-01 : f32
    %mul3A_1252 = vector.broadcast %mul3A_1251 : f32 to vector<16xf32>
    %mul3A_1253 = arith.mulf %get3A_1248, %mul3A_1252 : vector<16xf32>
    %exp3A_1254 = math.exp %mul3A_1253 : vector<16xf32>
    %mul3A_1255 = arith.constant -1.000000e-01 : f32
    %mul3A_1256 = vector.broadcast %mul3A_1255 : f32 to vector<16xf32>
    %mul3A_1257 = arith.mulf %get3A_1250, %mul3A_1256 : vector<16xf32>
    %exp3A_1258 = math.exp %mul3A_1257 : vector<16xf32>
    %add3A_1259 = arith.addf %exp3A_1254, %exp3A_1258 : vector<16xf32>
    %xor3A_1260 = arith.constant 8 : i32
    %xor3A_1261 = vector.broadcast %xor3A_1260 : i32 to vector<16xi32>
    %xor3A_1262 = arith.xori %iota3A, %xor3A_1261 : vector<16xi32>
    %lt3A_1263 = arith.constant 0 : i32
    %lt3A_1264 = vector.broadcast %lt3A_1263 : i32 to vector<16xi32>
    %lt3A_1265 = arith.cmpi slt, %xor3A_1262, %lt3A_1264 : vector<16xi32>
    %add3A_1266 = arith.constant 16 : i32
    %add3A_1267 = vector.broadcast %add3A_1266 : i32 to vector<16xi32>
    %add3A_1268 = arith.addi %xor3A_1262, %add3A_1267 : vector<16xi32>
    %select_n3A_1269 = arith.select %lt3A_1265, %add3A_1268, %xor3A_1262 : vector<16xi1>, vector<16xi32>
    %broadcast_in_dim3A_1270 = vector.shape_cast %select_n3A_1269 : vector<16xi32> to vector<16x1xi32>
    %gather3A_1271 = vector.shape_cast %broadcast_in_dim3A_1270 : vector<16x1xi32> to vector<16xi32>
    %gather3A_1272 = tpu.dynamic_gather %add3A_1259[%gather3A_1271] in [0] : vector<16xf32>, vector<16xi32> -> vector<16xf32>
    %add3A_1273 = arith.addf %add3A_1259, %gather3A_1272 : vector<16xf32>
    %xor3A_1274 = arith.constant 4 : i32
    %xor3A_1275 = vector.broadcast %xor3A_1274 : i32 to vector<16xi32>
    %xor3A_1276 = arith.xori %iota3A, %xor3A_1275 : vector<16xi32>
    %lt3A_1277 = arith.constant 0 : i32
    %lt3A_1278 = vector.broadcast %lt3A_1277 : i32 to vector<16xi32>
    %lt3A_1279 = arith.cmpi slt, %xor3A_1276, %lt3A_1278 : vector<16xi32>
    %add3A_1280 = arith.constant 16 : i32
    %add3A_1281 = vector.broadcast %add3A_1280 : i32 to vector<16xi32>
    %add3A_1282 = arith.addi %xor3A_1276, %add3A_1281 : vector<16xi32>
    %select_n3A_1283 = arith.select %lt3A_1279, %add3A_1282, %xor3A_1276 : vector<16xi1>, vector<16xi32>
    %broadcast_in_dim3A_1284 = vector.shape_cast %select_n3A_1283 : vector<16xi32> to vector<16x1xi32>
    %gather3A_1285 = vector.shape_cast %broadcast_in_dim3A_1284 : vector<16x1xi32> to vector<16xi32>
    %gather3A_1286 = tpu.dynamic_gather %add3A_1273[%gather3A_1285] in [0] : vector<16xf32>, vector<16xi32> -> vector<16xf32>
    %add3A_1287 = arith.addf %add3A_1273, %gather3A_1286 : vector<16xf32>
    %xor3A_1288 = arith.constant 2 : i32
    %xor3A_1289 = vector.broadcast %xor3A_1288 : i32 to vector<16xi32>
    %xor3A_1290 = arith.xori %iota3A, %xor3A_1289 : vector<16xi32>
    %lt3A_1291 = arith.constant 0 : i32
    %lt3A_1292 = vector.broadcast %lt3A_1291 : i32 to vector<16xi32>
    %lt3A_1293 = arith.cmpi slt, %xor3A_1290, %lt3A_1292 : vector<16xi32>
    %add3A_1294 = arith.constant 16 : i32
    %add3A_1295 = vector.broadcast %add3A_1294 : i32 to vector<16xi32>
    %add3A_1296 = arith.addi %xor3A_1290, %add3A_1295 : vector<16xi32>
    %select_n3A_1297 = arith.select %lt3A_1293, %add3A_1296, %xor3A_1290 : vector<16xi1>, vector<16xi32>
    %broadcast_in_dim3A_1298 = vector.shape_cast %select_n3A_1297 : vector<16xi32> to vector<16x1xi32>
    %gather3A_1299 = vector.shape_cast %broadcast_in_dim3A_1298 : vector<16x1xi32> to vector<16xi32>
    %gather3A_1300 = tpu.dynamic_gather %add3A_1287[%gather3A_1299] in [0] : vector<16xf32>, vector<16xi32> -> vector<16xf32>
    %add3A_1301 = arith.addf %add3A_1287, %gather3A_1300 : vector<16xf32>
    %xor3A_1302 = arith.constant 1 : i32
    %xor3A_1303 = vector.broadcast %xor3A_1302 : i32 to vector<16xi32>
    %xor3A_1304 = arith.xori %iota3A, %xor3A_1303 : vector<16xi32>
    %lt3A_1305 = arith.constant 0 : i32
    %lt3A_1306 = vector.broadcast %lt3A_1305 : i32 to vector<16xi32>
    %lt3A_1307 = arith.cmpi slt, %xor3A_1304, %lt3A_1306 : vector<16xi32>
    %add3A_1308 = arith.constant 16 : i32
    %add3A_1309 = vector.broadcast %add3A_1308 : i32 to vector<16xi32>
    %add3A_1310 = arith.addi %xor3A_1304, %add3A_1309 : vector<16xi32>
    %select_n3A_1311 = arith.select %lt3A_1307, %add3A_1310, %xor3A_1304 : vector<16xi1>, vector<16xi32>
    %broadcast_in_dim3A_1312 = vector.shape_cast %select_n3A_1311 : vector<16xi32> to vector<16x1xi32>
    %gather3A_1313 = vector.shape_cast %broadcast_in_dim3A_1312 : vector<16x1xi32> to vector<16xi32>
    %gather3A_1314 = tpu.dynamic_gather %add3A_1301[%gather3A_1313] in [0] : vector<16xf32>, vector<16xi32> -> vector<16xf32>
    %add3A_1315 = arith.addf %add3A_1301, %gather3A_1314 : vector<16xf32>
    %div3A_1316 = arith.constant 1.000000e+00 : f32
    %div3A_1317 = vector.broadcast %div3A_1316 : f32 to vector<16xf32>
    %div3A_1318 = arith.divf %div3A_1317, %add3A_1315 : vector<16xf32>
    %mul3A_1319 = arith.mulf %exp3A_1254, %div3A_1318 : vector<16xf32>
    %mul3A_1320 = arith.mulf %exp3A_1258, %div3A_1318 : vector<16xf32>
    %eq3A_1321 = arith.constant 0 : i32
    %eq3A_1322 = vector.broadcast %eq3A_1321 : i32 to vector<16xi32>
    %eq3A_1323 = arith.cmpi eq, %iota3A, %eq3A_1322 : vector<16xi32>
    tpu.vector_store_idx %arg7[%get3A_1244], %mul3A_1319 masked %eq3A_1323 {add = true} : memref<100000xf32, #tpu.memory_space<vmem>>[vector<16xi32>], vector<16xf32>, vector<16xi1>
    %eq3A_1324 = arith.constant 1 : i32
    %eq3A_1325 = vector.broadcast %eq3A_1324 : i32 to vector<16xi32>
    %eq3A_1326 = arith.cmpi eq, %iota3A, %eq3A_1325 : vector<16xi32>
    tpu.vector_store_idx %arg7[%get3A_1244], %mul3A_1319 masked %eq3A_1326 {add = true} : memref<100000xf32, #tpu.memory_space<vmem>>[vector<16xi32>], vector<16xf32>, vector<16xi1>
    %eq3A_1327 = arith.constant 2 : i32
    %eq3A_1328 = vector.broadcast %eq3A_1327 : i32 to vector<16xi32>
    %eq3A_1329 = arith.cmpi eq, %iota3A, %eq3A_1328 : vector<16xi32>
    tpu.vector_store_idx %arg7[%get3A_1244], %mul3A_1319 masked %eq3A_1329 {add = true} : memref<100000xf32, #tpu.memory_space<vmem>>[vector<16xi32>], vector<16xf32>, vector<16xi1>
    %eq3A_1330 = arith.constant 3 : i32
    %eq3A_1331 = vector.broadcast %eq3A_1330 : i32 to vector<16xi32>
    %eq3A_1332 = arith.cmpi eq, %iota3A, %eq3A_1331 : vector<16xi32>
    tpu.vector_store_idx %arg7[%get3A_1244], %mul3A_1319 masked %eq3A_1332 {add = true} : memref<100000xf32, #tpu.memory_space<vmem>>[vector<16xi32>], vector<16xf32>, vector<16xi1>
    %eq3A_1333 = arith.constant 4 : i32
    %eq3A_1334 = vector.broadcast %eq3A_1333 : i32 to vector<16xi32>
    %eq3A_1335 = arith.cmpi eq, %iota3A, %eq3A_1334 : vector<16xi32>
    tpu.vector_store_idx %arg7[%get3A_1244], %mul3A_1319 masked %eq3A_1335 {add = true} : memref<100000xf32, #tpu.memory_space<vmem>>[vector<16xi32>], vector<16xf32>, vector<16xi1>
    %eq3A_1336 = arith.constant 5 : i32
    %eq3A_1337 = vector.broadcast %eq3A_1336 : i32 to vector<16xi32>
    %eq3A_1338 = arith.cmpi eq, %iota3A, %eq3A_1337 : vector<16xi32>
    tpu.vector_store_idx %arg7[%get3A_1244], %mul3A_1319 masked %eq3A_1338 {add = true} : memref<100000xf32, #tpu.memory_space<vmem>>[vector<16xi32>], vector<16xf32>, vector<16xi1>
    %eq3A_1339 = arith.constant 6 : i32
    %eq3A_1340 = vector.broadcast %eq3A_1339 : i32 to vector<16xi32>
    %eq3A_1341 = arith.cmpi eq, %iota3A, %eq3A_1340 : vector<16xi32>
    tpu.vector_store_idx %arg7[%get3A_1244], %mul3A_1319 masked %eq3A_1341 {add = true} : memref<100000xf32, #tpu.memory_space<vmem>>[vector<16xi32>], vector<16xf32>, vector<16xi1>
    %eq3A_1342 = arith.constant 7 : i32
    %eq3A_1343 = vector.broadcast %eq3A_1342 : i32 to vector<16xi32>
    %eq3A_1344 = arith.cmpi eq, %iota3A, %eq3A_1343 : vector<16xi32>
    tpu.vector_store_idx %arg7[%get3A_1244], %mul3A_1319 masked %eq3A_1344 {add = true} : memref<100000xf32, #tpu.memory_space<vmem>>[vector<16xi32>], vector<16xf32>, vector<16xi1>
    %eq3A_1345 = arith.constant 8 : i32
    %eq3A_1346 = vector.broadcast %eq3A_1345 : i32 to vector<16xi32>
    %eq3A_1347 = arith.cmpi eq, %iota3A, %eq3A_1346 : vector<16xi32>
    tpu.vector_store_idx %arg7[%get3A_1244], %mul3A_1319 masked %eq3A_1347 {add = true} : memref<100000xf32, #tpu.memory_space<vmem>>[vector<16xi32>], vector<16xf32>, vector<16xi1>
    %eq3A_1348 = arith.constant 9 : i32
    %eq3A_1349 = vector.broadcast %eq3A_1348 : i32 to vector<16xi32>
    %eq3A_1350 = arith.cmpi eq, %iota3A, %eq3A_1349 : vector<16xi32>
    tpu.vector_store_idx %arg7[%get3A_1244], %mul3A_1319 masked %eq3A_1350 {add = true} : memref<100000xf32, #tpu.memory_space<vmem>>[vector<16xi32>], vector<16xf32>, vector<16xi1>
    %eq3A_1351 = arith.constant 10 : i32
    %eq3A_1352 = vector.broadcast %eq3A_1351 : i32 to vector<16xi32>
    %eq3A_1353 = arith.cmpi eq, %iota3A, %eq3A_1352 : vector<16xi32>
    tpu.vector_store_idx %arg7[%get3A_1244], %mul3A_1319 masked %eq3A_1353 {add = true} : memref<100000xf32, #tpu.memory_space<vmem>>[vector<16xi32>], vector<16xf32>, vector<16xi1>
    %eq3A_1354 = arith.constant 11 : i32
    %eq3A_1355 = vector.broadcast %eq3A_1354 : i32 to vector<16xi32>
    %eq3A_1356 = arith.cmpi eq, %iota3A, %eq3A_1355 : vector<16xi32>
    tpu.vector_store_idx %arg7[%get3A_1244], %mul3A_1319 masked %eq3A_1356 {add = true} : memref<100000xf32, #tpu.memory_space<vmem>>[vector<16xi32>], vector<16xf32>, vector<16xi1>
    %eq3A_1357 = arith.constant 12 : i32
    %eq3A_1358 = vector.broadcast %eq3A_1357 : i32 to vector<16xi32>
    %eq3A_1359 = arith.cmpi eq, %iota3A, %eq3A_1358 : vector<16xi32>
    tpu.vector_store_idx %arg7[%get3A_1244], %mul3A_1319 masked %eq3A_1359 {add = true} : memref<100000xf32, #tpu.memory_space<vmem>>[vector<16xi32>], vector<16xf32>, vector<16xi1>
    %eq3A_1360 = arith.constant 13 : i32
    %eq3A_1361 = vector.broadcast %eq3A_1360 : i32 to vector<16xi32>
    %eq3A_1362 = arith.cmpi eq, %iota3A, %eq3A_1361 : vector<16xi32>
    tpu.vector_store_idx %arg7[%get3A_1244], %mul3A_1319 masked %eq3A_1362 {add = true} : memref<100000xf32, #tpu.memory_space<vmem>>[vector<16xi32>], vector<16xf32>, vector<16xi1>
    %eq3A_1363 = arith.constant 14 : i32
    %eq3A_1364 = vector.broadcast %eq3A_1363 : i32 to vector<16xi32>
    %eq3A_1365 = arith.cmpi eq, %iota3A, %eq3A_1364 : vector<16xi32>
    tpu.vector_store_idx %arg7[%get3A_1244], %mul3A_1319 masked %eq3A_1365 {add = true} : memref<100000xf32, #tpu.memory_space<vmem>>[vector<16xi32>], vector<16xf32>, vector<16xi1>
    %eq3A_1366 = arith.constant 15 : i32
    %eq3A_1367 = vector.broadcast %eq3A_1366 : i32 to vector<16xi32>
    %eq3A_1368 = arith.cmpi eq, %iota3A, %eq3A_1367 : vector<16xi32>
    tpu.vector_store_idx %arg7[%get3A_1244], %mul3A_1319 masked %eq3A_1368 {add = true} : memref<100000xf32, #tpu.memory_space<vmem>>[vector<16xi32>], vector<16xf32>, vector<16xi1>
    %eq3A_1369 = arith.constant 0 : i32
    %eq3A_1370 = vector.broadcast %eq3A_1369 : i32 to vector<16xi32>
    %eq3A_1371 = arith.cmpi eq, %iota3A, %eq3A_1370 : vector<16xi32>
    tpu.vector_store_idx %arg7[%get3A_1246], %mul3A_1320 masked %eq3A_1371 {add = true} : memref<100000xf32, #tpu.memory_space<vmem>>[vector<16xi32>], vector<16xf32>, vector<16xi1>
    %eq3A_1372 = arith.constant 1 : i32
    %eq3A_1373 = vector.broadcast %eq3A_1372 : i32 to vector<16xi32>
    %eq3A_1374 = arith.cmpi eq, %iota3A, %eq3A_1373 : vector<16xi32>
    tpu.vector_store_idx %arg7[%get3A_1246], %mul3A_1320 masked %eq3A_1374 {add = true} : memref<100000xf32, #tpu.memory_space<vmem>>[vector<16xi32>], vector<16xf32>, vector<16xi1>
    %eq3A_1375 = arith.constant 2 : i32
    %eq3A_1376 = vector.broadcast %eq3A_1375 : i32 to vector<16xi32>
    %eq3A_1377 = arith.cmpi eq, %iota3A, %eq3A_1376 : vector<16xi32>
    tpu.vector_store_idx %arg7[%get3A_1246], %mul3A_1320 masked %eq3A_1377 {add = true} : memref<100000xf32, #tpu.memory_space<vmem>>[vector<16xi32>], vector<16xf32>, vector<16xi1>
    %eq3A_1378 = arith.constant 3 : i32
    %eq3A_1379 = vector.broadcast %eq3A_1378 : i32 to vector<16xi32>
    %eq3A_1380 = arith.cmpi eq, %iota3A, %eq3A_1379 : vector<16xi32>
    tpu.vector_store_idx %arg7[%get3A_1246], %mul3A_1320 masked %eq3A_1380 {add = true} : memref<100000xf32, #tpu.memory_space<vmem>>[vector<16xi32>], vector<16xf32>, vector<16xi1>
    %eq3A_1381 = arith.constant 4 : i32
    %eq3A_1382 = vector.broadcast %eq3A_1381 : i32 to vector<16xi32>
    %eq3A_1383 = arith.cmpi eq, %iota3A, %eq3A_1382 : vector<16xi32>
    tpu.vector_store_idx %arg7[%get3A_1246], %mul3A_1320 masked %eq3A_1383 {add = true} : memref<100000xf32, #tpu.memory_space<vmem>>[vector<16xi32>], vector<16xf32>, vector<16xi1>
    %eq3A_1384 = arith.constant 5 : i32
    %eq3A_1385 = vector.broadcast %eq3A_1384 : i32 to vector<16xi32>
    %eq3A_1386 = arith.cmpi eq, %iota3A, %eq3A_1385 : vector<16xi32>
    tpu.vector_store_idx %arg7[%get3A_1246], %mul3A_1320 masked %eq3A_1386 {add = true} : memref<100000xf32, #tpu.memory_space<vmem>>[vector<16xi32>], vector<16xf32>, vector<16xi1>
    %eq3A_1387 = arith.constant 6 : i32
    %eq3A_1388 = vector.broadcast %eq3A_1387 : i32 to vector<16xi32>
    %eq3A_1389 = arith.cmpi eq, %iota3A, %eq3A_1388 : vector<16xi32>
    tpu.vector_store_idx %arg7[%get3A_1246], %mul3A_1320 masked %eq3A_1389 {add = true} : memref<100000xf32, #tpu.memory_space<vmem>>[vector<16xi32>], vector<16xf32>, vector<16xi1>
    %eq3A_1390 = arith.constant 7 : i32
    %eq3A_1391 = vector.broadcast %eq3A_1390 : i32 to vector<16xi32>
    %eq3A_1392 = arith.cmpi eq, %iota3A, %eq3A_1391 : vector<16xi32>
    tpu.vector_store_idx %arg7[%get3A_1246], %mul3A_1320 masked %eq3A_1392 {add = true} : memref<100000xf32, #tpu.memory_space<vmem>>[vector<16xi32>], vector<16xf32>, vector<16xi1>
    %eq3A_1393 = arith.constant 8 : i32
    %eq3A_1394 = vector.broadcast %eq3A_1393 : i32 to vector<16xi32>
    %eq3A_1395 = arith.cmpi eq, %iota3A, %eq3A_1394 : vector<16xi32>
    tpu.vector_store_idx %arg7[%get3A_1246], %mul3A_1320 masked %eq3A_1395 {add = true} : memref<100000xf32, #tpu.memory_space<vmem>>[vector<16xi32>], vector<16xf32>, vector<16xi1>
    %eq3A_1396 = arith.constant 9 : i32
    %eq3A_1397 = vector.broadcast %eq3A_1396 : i32 to vector<16xi32>
    %eq3A_1398 = arith.cmpi eq, %iota3A, %eq3A_1397 : vector<16xi32>
    tpu.vector_store_idx %arg7[%get3A_1246], %mul3A_1320 masked %eq3A_1398 {add = true} : memref<100000xf32, #tpu.memory_space<vmem>>[vector<16xi32>], vector<16xf32>, vector<16xi1>
    %eq3A_1399 = arith.constant 10 : i32
    %eq3A_1400 = vector.broadcast %eq3A_1399 : i32 to vector<16xi32>
    %eq3A_1401 = arith.cmpi eq, %iota3A, %eq3A_1400 : vector<16xi32>
    tpu.vector_store_idx %arg7[%get3A_1246], %mul3A_1320 masked %eq3A_1401 {add = true} : memref<100000xf32, #tpu.memory_space<vmem>>[vector<16xi32>], vector<16xf32>, vector<16xi1>
    %eq3A_1402 = arith.constant 11 : i32
    %eq3A_1403 = vector.broadcast %eq3A_1402 : i32 to vector<16xi32>
    %eq3A_1404 = arith.cmpi eq, %iota3A, %eq3A_1403 : vector<16xi32>
    tpu.vector_store_idx %arg7[%get3A_1246], %mul3A_1320 masked %eq3A_1404 {add = true} : memref<100000xf32, #tpu.memory_space<vmem>>[vector<16xi32>], vector<16xf32>, vector<16xi1>
    %eq3A_1405 = arith.constant 12 : i32
    %eq3A_1406 = vector.broadcast %eq3A_1405 : i32 to vector<16xi32>
    %eq3A_1407 = arith.cmpi eq, %iota3A, %eq3A_1406 : vector<16xi32>
    tpu.vector_store_idx %arg7[%get3A_1246], %mul3A_1320 masked %eq3A_1407 {add = true} : memref<100000xf32, #tpu.memory_space<vmem>>[vector<16xi32>], vector<16xf32>, vector<16xi1>
    %eq3A_1408 = arith.constant 13 : i32
    %eq3A_1409 = vector.broadcast %eq3A_1408 : i32 to vector<16xi32>
    %eq3A_1410 = arith.cmpi eq, %iota3A, %eq3A_1409 : vector<16xi32>
    tpu.vector_store_idx %arg7[%get3A_1246], %mul3A_1320 masked %eq3A_1410 {add = true} : memref<100000xf32, #tpu.memory_space<vmem>>[vector<16xi32>], vector<16xf32>, vector<16xi1>
    %eq3A_1411 = arith.constant 14 : i32
    %eq3A_1412 = vector.broadcast %eq3A_1411 : i32 to vector<16xi32>
    %eq3A_1413 = arith.cmpi eq, %iota3A, %eq3A_1412 : vector<16xi32>
    tpu.vector_store_idx %arg7[%get3A_1246], %mul3A_1320 masked %eq3A_1413 {add = true} : memref<100000xf32, #tpu.memory_space<vmem>>[vector<16xi32>], vector<16xf32>, vector<16xi1>
    %eq3A_1414 = arith.constant 15 : i32
    %eq3A_1415 = vector.broadcast %eq3A_1414 : i32 to vector<16xi32>
    %eq3A_1416 = arith.cmpi eq, %iota3A, %eq3A_1415 : vector<16xi32>
    tpu.vector_store_idx %arg7[%get3A_1246], %mul3A_1320 masked %eq3A_1416 {add = true} : memref<100000xf32, #tpu.memory_space<vmem>>[vector<16xi32>], vector<16xf32>, vector<16xi1>
    %add3A_1417 = arith.constant 7 : i32
    %add3A_1418 = arith.addi %mul3A_2, %add3A_1417 : i32
    "tpu.region"() ({
      %run_scoped3A = tpu.sem_alloc : memref<!tpu.dma_semaphore, #tpu.memory_space<semaphore_mem>>
      %dma_start3A_1419 = arith.constant 0 : i32
      %dma_start3A_1420 = tpu.memref_slice %arg4[%add3A_1418, %dma_start3A_1419] : memref<256x100000xf32, #tpu.memory_space<hbm>> -> memref<1x100000xf32, #tpu.memory_space<hbm>>
      %dma_start3A_1421 = tpu.memref_squeeze %dma_start3A_1420 : memref<1x100000xf32, #tpu.memory_space<hbm>> -> memref<100000xf32, #tpu.memory_space<hbm>>
      %dma_start3A_1422 = arith.constant 0 : i32
      %dma_start3A_1423 = tpu.memref_slice %arg4[%add3A_1418, %dma_start3A_1422] : memref<256x100000xf32, #tpu.memory_space<hbm>> -> memref<1x100000xf32, #tpu.memory_space<hbm>>
      %dma_start3A_1424 = tpu.memref_squeeze %dma_start3A_1423 : memref<1x100000xf32, #tpu.memory_space<hbm>> -> memref<100000xf32, #tpu.memory_space<hbm>>
      tpu.enqueue_dma source(%arg7 : memref<100000xf32, #tpu.memory_space<vmem>>) target(%dma_start3A_1424 : memref<100000xf32, #tpu.memory_space<hbm>>) target_semaphore(%run_scoped3A : memref<!tpu.dma_semaphore, #tpu.memory_space<semaphore_mem>>)
      %dma_wait3A_1425 = arith.constant 0 : i32
      %dma_wait3A_1426 = tpu.memref_slice %arg4[%add3A_1418, %dma_wait3A_1425] : memref<256x100000xf32, #tpu.memory_space<hbm>> -> memref<1x100000xf32, #tpu.memory_space<hbm>>
      %dma_wait3A_1427 = tpu.memref_squeeze %dma_wait3A_1426 : memref<1x100000xf32, #tpu.memory_space<hbm>> -> memref<100000xf32, #tpu.memory_space<hbm>>
      %dma_wait3A_1428 = arith.constant 0 : i32
      %dma_wait3A_1429 = tpu.memref_slice %arg4[%add3A_1418, %dma_wait3A_1428] : memref<256x100000xf32, #tpu.memory_space<hbm>> -> memref<1x100000xf32, #tpu.memory_space<hbm>>
      %dma_wait3A_1430 = tpu.memref_squeeze %dma_wait3A_1429 : memref<1x100000xf32, #tpu.memory_space<hbm>> -> memref<100000xf32, #tpu.memory_space<hbm>>
      tpu.wait_dma2 semaphore(%run_scoped3A : memref<!tpu.dma_semaphore, #tpu.memory_space<semaphore_mem>>) src(%arg7 : memref<100000xf32, #tpu.memory_space<vmem>>) dst(%dma_wait3A_1430 : memref<100000xf32, #tpu.memory_space<hbm>>)
      tpu.yield
    }) : () -> ()
    tpu.vector_store_idx %arg7[%get3A_1244], %broadcast_in_dim3A_10 : memref<100000xf32, #tpu.memory_space<vmem>>[vector<16xi32>], vector<16xf32>,
    tpu.vector_store_idx %arg7[%get3A_1246], %broadcast_in_dim3A_10 : memref<100000xf32, #tpu.memory_space<vmem>>[vector<16xi32>], vector<16xf32>,
    return
  }
}

</mosaic_0001>

<sc_bundles>
// kernel: kernel.3.cloned.1.call-start
scs
__scs_entry_jumppad:
0x0: {  	(pc) =	sbr.rel $0x88, $3  }
0x1: {  	(tag) =	ssettag $0x0;
	lr =	simm.s32 $0x1  }
0x2: {  	[smem:$0x3F9F] =	sst lr;
	_ =	strace $0xD0000000  }
0x3: {  	_ = 	snop  }
0x4: {  	_ = 	snop  }
0x5: {  	_ = 	snop  }
0x6: {  	_ = 	snop  }
0x7: {  	_ = 	snop  }
__scs_overlays_trampoline_lowered:
0x8: {  	[smem:$0x3FAE] =	sst s0  }
0x9: {  	[smem:$0x3FAF] =	sst s1  }
0xa: {  	[smem:$0x3FB0] =	sst s2  }
0xb: {  	[smem:$0x3FB1] =	sst s3  }
0xc: {  	[smem:$0x3FB2] =	sst s4  }
0xd: {  	[smem:$0x3FB3] =	sst s5  }
0xe: {  	[smem:$0x3FB4] =	sst s6  }
0xf: {  	[smem:$0x3FB5] =	sst s7  }
0x10: {  	[smem:$0x3FB6] =	sst s8  }
0x11: {  	[smem:$0x3FB7] =	sst s9;
	s0 =	simm.s32 @!p0 $0x0  }
0x12: {  	s1 =	sld [smem:$0x3F9D];
	s0 =	simm.s32 @p0 $0x1  }
0x13: {  	[smem:$0x3FB8] =	sst s0;
	s0 =	simm.s32 @!p1 $0x0  }
0x14: {  	s2 =	sld [smem:$0x3F9C];
	s0 =	simm.s32 @p1 $0x1  }
0x15: {  	[smem:$0x3FB9] =	sst s0;
	s0 =	simm.s32 @!p2 $0x0  }
0x16: {  	s3 =	sld [smem:$0x3FDB];
	s0 =	simm.s32 @p2 $0x1  }
0x17: {  	s4 =	simm.s32 $0x1BF5;
	[smem:$0x3FBB] =	sst s0  }
0x18: {  	s0 =	sld [smem:$0x3F9E];
	_ =	swait.ge [sflag:s4], $0x0  }
0x19: {  	s7 =	sld [smem:$0x3F9F]  }
0x1a: {  	s8 =	sadd.s32 $0xFFFFE003, lr  }
0x1b: {  	s9 =	sadd.s32 $0xFFFFFEF7, lr;
	s5 =	simm.s32 $0xFFFFFFFF;
	p2 =	slt.u32 s8, $0xFFFFF086  }
0x1c: {  	p1 =	slt.u32 s9, $0xF7A;
	s5 =	simm.s32 @!p2 $0x0  }
0x1d: {  	s5 =	simm.s32 @p1 $0x1;
	p0 =	seq.s32 s7, s2  }
0x1e: {  	s7 =	smul.u32 @!p0 $0xF7A, s2;
	p2 =	seq.s32 @!p0 s5, $0x0  }
0x1f: {  	s9 =	smul.u32 $0xF7A, s1;
	s8 =	simm.s32 @!p0 $0x1BF5;
	p2 =	por !p2, p0  }
0x20: {  	[sflag:s8] =	ssyncset.s32 @!p0 $0xFFFFF086;
	s6 =	sadd.s32 @!p0 s3, s7;
	s7 =	simm.s32 @!p0 $0x108  }
0x21: {  	s3 =	sadd.s32 s3, s9;
	s6 =	sadd.s32 @!p0 $0x88, s6;
	s7 =	simm.s32 @p2 $0x1082  }
0x22: {  	[simem:s7], [sflag:s8] =	dma.local @!p0 [hbm:s6], $0xF7A  }
0x23: {  	s9 =	sor.u32 $0xD0000000, s2;
	s6 =	simm.s32 $0x108;
	_ =	swait.ge @!p0 [sflag:s8], $0x0  }
0x24: {  	s3 =	sadd.s32 $0x88, s3;
	s6 =	simm.s32 @!p1 $0x1082;
	[sflag:s4] =	ssyncset.s32 $0xFFFFF086  }
0x25: {  	[simem:s6], [sflag:s4] =	dma.local [hbm:s3], $0xF7A  }
0x26: {  	[smem:$0x3F9F] =	sst s1;
	(tag) =	ssettag s2;
	_ =	strace s9  }
0x27: {  	s1 =	sld [smem:$0x3FAF]  }
0x28: {  	s2 =	sld [smem:$0x3FB0]  }
0x29: {  	s4 =	sld [smem:$0x3FB2]  }
0x2a: {  	p0 =	seq.s32 s5, $0x0;
	s5 =	sld [smem:$0x3FB3]  }
0x2b: {  	s6 =	sld [smem:$0x3FB4]  }
0x2c: {  	s7 =	sld [smem:$0x3FB5]  }
0x2d: {  	s3 =	simm.s32 $0x108;
	s8 =	sld [smem:$0x3FB6]  }
0x2e: {  	s3 =	simm.s32 @!p0 $0x1082;
	s9 =	sld [smem:$0x3FB7]  }
0x2f: {  	lr =	sadd.s32 s0, s3;
	s0 =	sld [smem:$0x3FAE]  }
0x30: {  	s3 =	sld [smem:$0x3FB1]  }
0x31: {  	[smem:$0x3FBA] =	sst s10  }
0x32: {  	s10 =	sld [smem:$0x3FB8];
	_ =	sdelay $0x3  }
0x33: {  	p0 =	seq.s32 s10, $0x1;
	s10 =	sld [smem:$0x3FBA];
	_ =	sdelay $0x3  }
0x34: {  	[smem:$0x3FBA] =	sst s10  }
0x35: {  	s10 =	sld [smem:$0x3FB9];
	_ =	sdelay $0x3  }
0x36: {  	p1 =	seq.s32 s10, $0x1;
	s10 =	sld [smem:$0x3FBA];
	_ =	sdelay $0x3  }
0x37: {  	[smem:$0x3FBA] =	sst s10  }
0x38: {  	s10 =	sld [smem:$0x3FBB]  }
0x39: {  	_ = 	snop;
	(pc) =	sbr.ind lr, $3  }
0x3a: {  	_ = 	snop  }
0x3b: {  	_ = 	snop  }
0x3c: {  	p2 =	seq.s32 s10, $0x1;
	s10 =	sld [smem:$0x3FBA]  }
0x3d: {  	_ =	shalt  }
0x3e: {  	_ =	shalt  }
0x3f: {  	_ =	shalt  }
0x40: {  	_ =	shalt  }
0x41: {  	_ =	shalt  }
0x42: {  	_ =	shalt  }
0x43: {  	_ =	shalt  }
0x44: {  	_ =	shalt  }
0x45: {  	_ =	shalt  }
0x46: {  	_ =	shalt  }
0x47: {  	_ =	shalt  }
0x48: {  	_ =	shalt  }
0x49: {  	_ =	shalt  }
0x4a: {  	_ =	shalt  }
0x4b: {  	_ =	shalt  }
0x4c: {  	_ =	shalt  }
0x4d: {  	_ =	shalt  }
0x4e: {  	_ =	shalt  }
0x4f: {  	_ =	shalt  }
0x50: {  	_ =	shalt  }
0x51: {  	_ =	shalt  }
0x52: {  	_ =	shalt  }
0x53: {  	_ =	shalt  }
0x54: {  	_ =	shalt  }
0x55: {  	_ =	shalt  }
0x56: {  	_ =	shalt  }
0x57: {  	_ =	shalt  }
0x58: {  	_ =	shalt  }
0x59: {  	_ =	shalt  }
0x5a: {  	_ =	shalt  }
0x5b: {  	_ =	shalt  }
0x5c: {  	_ =	shalt  }
0x5d: {  	_ =	shalt  }
0x5e: {  	_ =	shalt  }
0x5f: {  	_ =	shalt  }
0x60: {  	_ =	shalt  }
0x61: {  	_ =	shalt  }
0x62: {  	_ =	shalt  }
0x63: {  	_ =	shalt  }
0x64: {  	_ =	shalt  }
0x65: {  	_ =	shalt  }
0x66: {  	_ =	shalt  }
0x67: {  	_ =	shalt  }
0x68: {  	_ =	shalt  }
0x69: {  	_ =	shalt  }
0x6a: {  	_ =	shalt  }
0x6b: {  	_ =	shalt  }
0x6c: {  	_ =	shalt  }
0x6d: {  	_ =	shalt  }
0x6e: {  	_ =	shalt  }
0x6f: {  	_ =	shalt  }
0x70: {  	_ =	shalt  }
0x71: {  	_ =	shalt  }
0x72: {  	_ =	shalt  }
0x73: {  	_ =	shalt  }
0x74: {  	_ =	shalt  }
0x75: {  	_ =	shalt  }
0x76: {  	_ =	shalt  }
0x77: {  	_ =	shalt  }
0x78: {  	_ =	shalt  }
0x79: {  	_ =	shalt  }
0x7a: {  	_ =	shalt  }
0x7b: {  	_ =	shalt  }
0x7c: {  	_ =	shalt  }
0x7d: {  	_ =	shalt  }
0x7e: {  	_ =	shalt  }
0x7f: {  	_ =	shalt  }
0x80: {  	_ =	shalt  }
0x81: {  	_ =	shalt  }
0x82: {  	_ =	shalt  }
0x83: {  	_ =	shalt  }
0x84: {  	_ =	shalt  }
0x85: {  	_ =	shalt  }
0x86: {  	_ =	shalt  }
0x87: {  	_ =	shalt  }
.Lfunc_end0:
.L_simem_size_0:
called_computation_lowered:
.L_overlay_start_0:
0x88: {  	s2 =	sld [smem:$0x3FD9]  }
0x89: {  	s3 =	sld [smem:$0x3FFE];
	_ =	sdelay $0x1  }
0x8a: {  	s1 =	srdreg.scid  }
0x8b: {  	s0 =	sand.u32 $0x1, s1  }
0x8c: {  	s17 =	sshll.u32 s0, $0xA;
	s2 =	sadd.s32 s3, s2  }
0x8d: {  	s2 =	sadd.s32 s2, s17  }
0x8e: {  	[smem:$0x3FC6] =	sst s2  }
0x8f: {  	_ = 	snop  }
0x90: {  	s2 =	sld [smem:$0x3FD0];
	(tm) =	ssettm $0x1  }
0x91: {  	s18 =	sld [smem:$0x3FFB];
	_ =	sdelay $0x3  }
0x92: {  	_ =	strace s18  }
0x93: {  	s3 =	sld [smem:$0x3FFC];
	_ =	sdelay $0x3  }
0x94: {  	_ =	strace s3  }
0x95: {  	s3 =	sld [smem:$0x3FFD];
	_ =	sdelay $0x3  }
0x96: {  	_ =	strace s3  }
0x97: {  	_ =	strace $0x8FFFFFFF  }
0x98: {  	s19 =	sld [smem:$0x3FDB];
	_ =	sdelay $0x1  }
0x99: {  	s4 =	simm.s32 $_scs_section_size  }
0x9a: {  	s5 =	simm.s32 $_size__tile_overlayer_lowered;
	s6 =	simm.s32 $_tile_overlayer_lowered  }
0x9b: {  	s22 =	simm.s32 $0x1BFF;
	s21 =	sshll.u32 s6, $0x1;
	s3 =	sadd.s32 s4, s19  }
0x9c: {  	s7 =	simm.s32 $0x0;
	s20 =	sshll.u32 s5, $0x1;
	s5 =	sadd.s32 s21, s3  }
0x9d: {  	[timem:s7], [sflag:s22] =	dma.local [hbm:s5], s20  }
0x9e: {  	_ =	swait.ge [sflag:s22], s20  }
0x9f: {  	s4 =	ssub.s32 $0x0, s20;
	[sflag:s22] =	ssyncset.done $0x0  }
0xa0: {  	[sflag:s22] =	ssyncadd.s32 s4;
	_ =	sdelay $0x1  }
0xa1: {  	s23 =	simm.s32 $0x1B8B  }
0xa2: {  	_ =	swait.ge [sflag:s23], $0x1  }
0xa3: {  	[sflag:s23] =	ssyncset.done $0x0  }
0xa4: {  	s25 =	simm.s32 $0x1B8E;
	s24 =	sld [smem:$0x3FFE];
	[sflag:s23] =	ssyncadd.s32 $0xFFFFFFFF  }
0xa5: {  	s26 =	simm.s32 $execute0_lowered;
	[smem:$0x3FD2] =	sst s25  }
0xa6: {  	s5 =	sshll.u32 s26, $0x1;
	_ =	strace $0x80000046;
	[dreg:$0x1] =	wrdreg $0xFFFFFFFF  }
0xa7: {  	s28 =	simm.s32 $_size_execute0_lowered;
	s3 =	sadd.s32 s3, s5;
	[dreg:$0x0] =	wrdreg $0x0  }
0xa8: {  	s5 =	sshll.u32 s28, $0x1;
	[dreg:$0x2] =	wrdreg s3  }
0xa9: {  	[dreg:$0x3] =	wrdreg s5  }
0xaa: {  	[dreg:$0x4] =	wrdreg $0xC0  }
0xab: {  	_ =	task [dreg:s7], $0x5FFFF  }
0xac: {  	[dreg:$0x1] =	wrdreg $0xFFFFFFFF  }
0xad: {  	[dreg:$0x0] =	wrdreg $0x60  }
0xae: {  	[dreg:$0x2] =	wrdreg s24  }
0xaf: {  	[dreg:$0x3] =	wrdreg s2  }
0xb0: {  	[dreg:$0x4] =	wrdreg $0x9  }
0xb1: {  	_ =	task.clear_ibuf [dreg:s7], $0x5FFFF;
	_ =	strace $0x90000046  }
0xb2: {  	s29 =	simm.s32 $0x9;
	_ =	strace $0x80000048  }
0xb3: {  	_ =	swait.ge [sflag:s29], $0x1  }
0xb4: {  	[sflag:s29] =	ssyncadd.s32 $0xFFFFFFFF  }
0xb5: {  	_ =	strace $0x90000048  }
0xb6: {  	_ =	sfence  }
0xb7: {  	s30 =	sld [smem:$0x0];
	_ =	sdelay $0x2  }
0xb8: {  	s31 =	sshll.u32 s1, $0xD;
	s1 =	sshrl.u32 s1, $0x2  }
0xb9: {  	s3 =	sand.u32 $0x4000, s31;
	s1 =	sadd.s32 s1, s30  }
0xba: {  	s0 =	sor.u32 s3, s0;
	s1 =	sshll.u32 s1, $0x11  }
0xbb: {  	s0 =	sor.u32 s1, s0  }
0xbc: {  	s0 =	sadd.s32 $0x8F2B, s0  }
0xbd: {  	[sflag:s0] =	ssyncadd.remote.s32 $0x1  }
0xbe: {  	_ =	sfence.sel $0xFFFF  }
0xbf: {  	[dreg:$0x0] =	wrdreg $0xFFFFFFFF;
	(pc) =	sbr.abs _section_cstart, $3  }
0xc0: {  	[dreg:$0x1] =	wrdreg $0xFFFFFFFF  }
0xc1: {  	_ =	task.clear_ibuf [dreg:s7], $0x2FFFF;
	_ =	strace $0x9FFFFFFF  }
0xc2: {  	(tm) =	ssettm $0x7FFFFFFF  }
0xc3: {  	_ =	shalt  }
tec
execute0_lowered:
.L_overlay_start_1:
0x0: {  	(tag) =	ssettag $0x1  }
0x1: {  	v0 =	vimm.s32 $0xFEDCBA98;
	v1 =	vimm.s32 $0x76543210;
	v2 =	vimm.s32 $0xBA98FEDC  }
0x2: {  	v3 =	vimm.s32 $0x32107654;
	v4 =	vimm.s32 $0xDCFE98BA;
	v5 =	vimm.s32 $0x54761032  }
0x3: {  	s3 =	rddreg [dreg:$0x0];
	v6 =	vimm.s32 $0xEFCDAB89;
	v7 =	vimm.s32 $0x67452301;
	vm0 =	vcmask $0x704  }
0x4: {  	s5 =	rddreg [dreg:$0x1];
	vm1 =	vcmask $0xB08;
	vm2 =	vcmask $0xF0C;
	vm3 =	vcmask $0x1310  }
0x5: {  	s0 =	rddreg [dreg:$0x2];
	vm4 =	vcmask $0x1714;
	vm5 =	vcmask $0x1B18;
	vm6 =	vcmask $0x1F1C  }
0x6: {  	s4 =	srdreg.scid;
	s1 =	stileid.u32;
	vm7 =	vcmask $0x2320;
	vm8 =	vcmask $0x2724;
	vm9 =	vcmask $0x2B28  }
0x7: {  	s2 =	simm.s32 $0x0;
	s14 =	simm.s32 $0x100;
	s15 =	simm.s32 $0x1;
	vm10 =	vcmask $0x2F2C;
	vm11 =	vcmask $0x3330;
	vm12 =	vcmask $0x3734  }
0x8: {  	s16 =	simm.s32 $0x200;
	s17 =	simm.s32 $0x80;
	s18 =	simm.s32 $0x400;
	v0 =	vunpack.c.l.s4.s8 v0;
	v1 =	vunpack.c.l.s4.s8 v1;
	v2 =	vunpack.c.l.s4.s8 v2  }
0x9: {  	s19 =	simm.s32 $0x2;
	v3 =	vunpack.c.l.s4.s8 v3;
	v4 =	vunpack.c.l.s4.s8 v4;
	v5 =	vunpack.c.l.s4.s8 v5;
	s4 =	sand.u32 $0x1, s4;
	s6 =	sshll.u32 s1, $0x1  }
0xa: {  	s20 =	simm.s32 $0x0;
	v6 =	vunpack.c.l.s4.s8 v6;
	v7 =	vunpack.c.l.s4.s8 v7;
	[smem:$0x7FF] =	sst s2;
	s6 =	sor.u32 s4, s6;
	v0 =	vunpack.c.0.s8.s32 v0  }
0xb: {  	s4 =	ssub.s32 $0x2, s4;
	v2 =	vunpack.c.0.s8.s32 v2;
	v3 =	vunpack.c.0.s8.s32 v3;
	v4 =	vunpack.c.0.s8.s32 v4;
	s7 =	sshll.u32 s6, $0x5;
	s6 =	smul.u32 $0x18700, s6  }
0xc: {  	_ =	strace $0x80000047;
	v5 =	vunpack.c.0.s8.s32 v5;
	v6 =	vunpack.c.0.s8.s32 v6;
	v7 =	vunpack.c.0.s8.s32 v7;
	s8 =	sshrl.u32 s4, $0x1;
	s7 =	sadd.s32 s7, s3  }
0xd: {  	vm13 =	vcmask $0x3B38;
	v1 =	vunpack.c.0.s8.s32 v1;
	s13 =	ssub.s32 s4, s8;
	v2 =	vcombine.low v3, v2;
	s3 =	sadd.s32 $0x400, s7;
	s5 =	sadd.s32 s5, s6  }
0xe: {  	v3 =	vcombine.low v5, v4;
	v4 =	vand.u32 $0xF, v0;
	v5 =	vcombine.low v7, v6;
	s4 =	sadd.s32 $0x800, s7;
	s13 =	smax.u32 s13, $0x1;
	s6 =	sadd.s32 $0x10, s5  }
0xf: {  	vm14 =	vcmask $0x3F3C;
	v0 =	vimm.f32 $0.0e+00;
	v1 =	vcombine.low v4, v1;
	s7 =	sadd.s32 $0x20, s5;
	s8 =	sadd.s32 $0x30, s5;
	s9 =	sadd.s32 $0x40, s5  }
0x10: {  	s10 =	sadd.s32 $0x50, s5;
	s11 =	sadd.s32 $0x60, s5;
	s12 =	sadd.s32 $0x70, s5;
	v2 =	vand.u32 $0xF, v2;
	v3 =	vand.u32 $0xF, v3;
	v4 =	vand.u32 $0xF, v5  }
.LBB2_1:
0x11: {  	[tilespmem:s2], [sflag:$0x1] =	stream.linear.gather [hbm4b:s3+s2], $0x100, $0x38;
	[tilespmem:$0x18900] =	vst v63  }
0x12: {  	s21 =	simm.s32 $0x2C0  }
0x13: {  	[tilespmem:s14], [sflag:$0x1] =	stream.linear.gather [hbm4b:s4+s2], $0x100, $0x38;
	[tilespmem:$0x18900] =	vst v63  }
0x14: {  	[tilespmem:s21+$0xFFFFFF40] =	vst v0  }
0x15: {  	[tilespmem:s21+$0xFFFFFFB0] =	vst v0  }
0x16: {  	[tilespmem:s21+$0xFFFFFFA0] =	vst v0  }
0x17: {  	[tilespmem:s21+$0xFFFFFF90] =	vst v0  }
0x18: {  	[tilespmem:s21+$0xFFFFFF80] =	vst v0  }
0x19: {  	[tilespmem:s21+$0xFFFFFF70] =	vst v0  }
0x1a: {  	[tilespmem:s21+$0xFFFFFF60] =	vst v0  }
0x1b: {  	s22 =	sand.u32 $0x1FFF0, s2;
	[tilespmem:s21+$0xFFFFFF50] =	vst v0  }
0x1c: {  	[tilespmem:s22+$0x280] =	vst v0  }
0x1d: {  	[tilespmem:s21+$0x30] =	vst v0  }
0x1e: {  	[tilespmem:s21+$0x20] =	vst v0  }
0x1f: {  	s23 =	simm.s32 $0x190;
	s24 =	simm.s32 $0x2C0;
	[tilespmem:s21+$0x10] =	vst v0  }
.LBB2_2:
0x20: {  	p0 =	sne.s32 s23, $0x18510  }
0x21: {  	[tilespmem:s21+$0x0] =	vst v0;
	s24 =	sadd.s32 $0x190, s24;
	s25 =	smov.u32 s23;
	s23 =	sadd.s32 $0x190, s23  }
0x22: {  	[tilespmem:s21+$0xFFFFFFF0] =	vst v0  }
0x23: {  	[tilespmem:s21+$0xFFFFFFD0] =	vst v0  }
0x24: {  	[tilespmem:s21+$0xFFFFFFE0] =	vst v0  }
0x25: {  	[tilespmem:s22+$0x300] =	vst v0  }
0x26: {  	[tilespmem:s21+$0x50] =	vst v0  }
0x27: {  	[tilespmem:s21+$0xB0] =	vst v0  }
0x28: {  	[tilespmem:s21+$0xA0] =	vst v0  }
0x29: {  	[tilespmem:s21+$0x90] =	vst v0  }
0x2a: {  	[tilespmem:s21+$0x80] =	vst v0  }
0x2b: {  	[tilespmem:s21+$0x60] =	vst v0  }
0x2c: {  	[tilespmem:s21+$0x70] =	vst v0;
	s21 =	smov.u32 s24  }
0x2d: {  	[tilespmem:s22+$0x380] =	vst v0  }
0x2e: {  	[tilespmem:s24+$0xFFFFFF40] =	vst v0  }
0x2f: {  	[tilespmem:s24+$0xFFFFFFB0] =	vst v0  }
0x30: {  	[tilespmem:s24+$0xFFFFFFA0] =	vst v0  }
0x31: {  	[tilespmem:s24+$0xFFFFFF90] =	vst v0  }
0x32: {  	[tilespmem:s24+$0xFFFFFF80] =	vst v0  }
0x33: {  	[tilespmem:s24+$0xFFFFFF70] =	vst v0  }
0x34: {  	[tilespmem:s24+$0xFFFFFF60] =	vst v0  }
.Ltmp0:
0x35: {  	s22 =	sand.u32 $0x1FFF0, s25;
	[tilespmem:s24+$0xFFFFFF50] =	vst v0;
	(pc) =	sbr.rel @p0 .LBB2_2-.Ltmp0, $4  }
0x36: {  	[tilespmem:s22+$0x280] =	vst v0  }
0x37: {  	[tilespmem:s24+$0x30] =	vst v0  }
0x38: {  	[tilespmem:s24+$0x20] =	vst v0  }
0x39: {  	[tilespmem:s24+$0x10] =	vst v0  }
0x3a: {  	[tilespmem:s21+$0x0] =	vst v0  }
0x3b: {  	[tilespmem:s21+$0xFFFFFFF0] =	vst v0  }
0x3c: {  	[tilespmem:s21+$0xFFFFFFD0] =	vst v0  }
0x3d: {  	[tilespmem:s21+$0xFFFFFFE0] =	vst v0  }
0x3e: {  	[tilespmem:s22+$0x300] =	vst v0  }
0x3f: {  	[tilespmem:s21+$0x50] =	vst v0  }
0x40: {  	[tilespmem:s21+$0xB0] =	vst v0  }
0x41: {  	[tilespmem:s21+$0xA0] =	vst v0  }
0x42: {  	[tilespmem:s21+$0x90] =	vst v0  }
0x43: {  	[tilespmem:s21+$0x80] =	vst v0  }
0x44: {  	[tilespmem:s21+$0x60] =	vst v0  }
0x45: {  	[tilespmem:s21+$0x70] =	vst v0  }
0x46: {  	[tilespmem:s22+$0x380] =	vst v0  }
0x47: {  	_ =	swait.ge [sflag:s15], $0x100  }
0x48: {  	[sflag:s15] =	ssyncset.done $0x0  }
0x49: {  	[sflag:s15] =	ssyncadd.s32 $0xFFFFFF00  }
0x4a: {  	_ =	swait.ge [sflag:s15], $0x100  }
0x4b: {  	[sflag:s15] =	ssyncset.done $0x0  }
0x4c: {  	[sflag:s15] =	ssyncadd.s32 $0xFFFFFF00  }
0x4d: {  	v5 =	vld [tilespmem:$0x100]  }
0x4e: {  	v6 =	vld [tilespmem:$0x110];
	_ =	sdelay $0x3  }
0x4f: {  	v5 =	vmul.f32 $-1.000000010e-01, v5  }
0x50: {  	v6 =	vmul.f32 $-1.000000010e-01, v6  }
0x51: {  	v5 =	vmul.f32 $1.442695020e+00, v5  }
0x52: {  	v6 =	vmul.f32 $1.442695020e+00, v6  }
0x53: {  	(erf) = vpow2.f32 v5  }
0x54: {  	(erf) = vpow2.f32 v6;
	_ =	sdelay $0x7  }
0x55: {  	v5 =	vpop (erf)  }
0x56: {  	v6 =	vpop (erf)  }
0x57: {  	v7 =	vadd.f32 v6, v5;
	_ =	sdelay $0x1  }
0x58: {  	v8 =	vperm.xlane v7, v1;
	_ =	sdelay $0x1  }
0x59: {  	v7 =	vadd.f32 v7, v8;
	_ =	sdelay $0x1  }
0x5a: {  	v8 =	vperm.xlane v7, v2;
	_ =	sdelay $0x1  }
0x5b: {  	v7 =	vadd.f32 v7, v8;
	_ =	sdelay $0x1  }
0x5c: {  	v8 =	vperm.xlane v7, v3;
	_ =	sdelay $0x1  }
0x5d: {  	v7 =	vadd.f32 v7, v8;
	_ =	sdelay $0x1  }
0x5e: {  	v8 =	vperm.xlane v7, v4;
	_ =	sdelay $0x1  }
0x5f: {  	v7 =	vadd.f32 v7, v8;
	_ =	sdelay $0x1  }
0x60: {  	(erf) = vrcp.f32 v7;
	_ =	sdelay $0x3  }
0x61: {  	v7 =	vld [tilespmem:$0x0];
	_ =	sdelay $0x4  }
0x62: {  	v49 =	vpop (erf)  }
0x63: {  	v5 =	vmul.f32 v49, v5  }
0x64: {  	v9 =	vld [tilespmem:$0x10]  }
0x65: {  	[tilespmem:v7+s16+$0x0] =	vst.idx.add.f32.msk $0x1, v5  }
0x66: {  	[tilespmem:v7+s16+$0x0] =	vst.idx.add.f32.msk vm0, v5  }
0x67: {  	[tilespmem:v7+s16+$0x0] =	vst.idx.add.f32.msk vm1, v5  }
0x68: {  	[tilespmem:v7+s16+$0x0] =	vst.idx.add.f32.msk vm2, v5  }
0x69: {  	[tilespmem:v7+s16+$0x0] =	vst.idx.add.f32.msk vm3, v5  }
0x6a: {  	[tilespmem:v7+s16+$0x0] =	vst.idx.add.f32.msk vm4, v5  }
0x6b: {  	[tilespmem:v7+s16+$0x0] =	vst.idx.add.f32.msk vm5, v5  }
0x6c: {  	[tilespmem:v7+s16+$0x0] =	vst.idx.add.f32.msk vm6, v5  }
0x6d: {  	[tilespmem:v7+s16+$0x0] =	vst.idx.add.f32.msk vm7, v5  }
0x6e: {  	[tilespmem:v7+s16+$0x0] =	vst.idx.add.f32.msk vm8, v5  }
0x6f: {  	[tilespmem:v7+s16+$0x0] =	vst.idx.add.f32.msk vm9, v5  }
0x70: {  	[tilespmem:v7+s16+$0x0] =	vst.idx.add.f32.msk vm10, v5  }
0x71: {  	[tilespmem:v7+s16+$0x0] =	vst.idx.add.f32.msk vm11, v5  }
0x72: {  	[tilespmem:v7+s16+$0x0] =	vst.idx.add.f32.msk vm12, v5  }
0x73: {  	v6 =	vmul.f32 v49, v6;
	[tilespmem:v7+s16+$0x0] =	vst.idx.add.f32.msk vm13, v5  }
0x74: {  	[tilespmem:v7+s16+$0x0] =	vst.idx.add.f32.msk vm14, v5  }
0x75: {  	[tilespmem:v9+s16+$0x0] =	vst.idx.add.f32.msk $0x1, v6  }
0x76: {  	[tilespmem:v9+s16+$0x0] =	vst.idx.add.f32.msk vm0, v6  }
0x77: {  	[tilespmem:v9+s16+$0x0] =	vst.idx.add.f32.msk vm1, v6  }
0x78: {  	[tilespmem:v9+s16+$0x0] =	vst.idx.add.f32.msk vm2, v6  }
0x79: {  	[tilespmem:v9+s16+$0x0] =	vst.idx.add.f32.msk vm3, v6  }
0x7a: {  	[tilespmem:v9+s16+$0x0] =	vst.idx.add.f32.msk vm4, v6  }
0x7b: {  	[tilespmem:v9+s16+$0x0] =	vst.idx.add.f32.msk vm5, v6  }
0x7c: {  	[tilespmem:v9+s16+$0x0] =	vst.idx.add.f32.msk vm6, v6  }
0x7d: {  	[tilespmem:v9+s16+$0x0] =	vst.idx.add.f32.msk vm7, v6  }
0x7e: {  	[tilespmem:v9+s16+$0x0] =	vst.idx.add.f32.msk vm8, v6  }
0x7f: {  	[tilespmem:v9+s16+$0x0] =	vst.idx.add.f32.msk vm9, v6  }
0x80: {  	[tilespmem:v9+s16+$0x0] =	vst.idx.add.f32.msk vm10, v6  }
0x81: {  	[tilespmem:v9+s16+$0x0] =	vst.idx.add.f32.msk vm11, v6  }
0x82: {  	[tilespmem:v9+s16+$0x0] =	vst.idx.add.f32.msk vm12, v6  }
0x83: {  	[tilespmem:v9+s16+$0x0] =	vst.idx.add.f32.msk vm13, v6  }
0x84: {  	[tilespmem:v9+s16+$0x0] =	vst.idx.add.f32.msk vm14, v6  }
0x85: {  	[hbm4b:s5+s17] =	stream.strided.scatter [tilespmem:s16], [sflag:$0x2], $0x18700, s18, s17, $0x38;
	[tilespmem:$0x18900] =	vst v63  }
0x86: {  	_ =	swait.ge [sflag:s19], $0x18700  }
0x87: {  	[sflag:s19] =	ssyncset.done $0x0  }
0x88: {  	[sflag:s19] =	ssyncadd.s32 $0xFFFE7900  }
0x89: {  	[tilespmem:v7+s16+$0x0] =	vst.idx.msk $0xffff, v0  }
0x8a: {  	[tilespmem:v9+s16+$0x0] =	vst.idx.msk $0xffff, v0  }
0x8b: {  	v5 =	vld [tilespmem:$0x120]  }
0x8c: {  	v6 =	vld [tilespmem:$0x130];
	_ =	sdelay $0x3  }
0x8d: {  	v5 =	vmul.f32 $-1.000000010e-01, v5  }
0x8e: {  	v6 =	vmul.f32 $-1.000000010e-01, v6  }
0x8f: {  	v5 =	vmul.f32 $1.442695020e+00, v5  }
0x90: {  	v6 =	vmul.f32 $1.442695020e+00, v6  }
0x91: {  	(erf) = vpow2.f32 v5  }
0x92: {  	(erf) = vpow2.f32 v6;
	_ =	sdelay $0x7  }
0x93: {  	v5 =	vpop (erf)  }
0x94: {  	v6 =	vpop (erf)  }
0x95: {  	v7 =	vadd.f32 v6, v5;
	_ =	sdelay $0x1  }
0x96: {  	v50 =	vperm.xlane v7, v1;
	_ =	sdelay $0x1  }
0x97: {  	v7 =	vadd.f32 v7, v50;
	_ =	sdelay $0x1  }
0x98: {  	v8 =	vperm.xlane v7, v2;
	_ =	sdelay $0x1  }
0x99: {  	v7 =	vadd.f32 v7, v8;
	_ =	sdelay $0x1  }
0x9a: {  	v8 =	vperm.xlane v7, v3;
	_ =	sdelay $0x1  }
0x9b: {  	v7 =	vadd.f32 v7, v8;
	_ =	sdelay $0x1  }
0x9c: {  	v8 =	vperm.xlane v7, v4;
	_ =	sdelay $0x1  }
0x9d: {  	v7 =	vadd.f32 v7, v8;
	_ =	sdelay $0x1  }
0x9e: {  	(erf) = vrcp.f32 v7;
	_ =	sdelay $0x3  }
0x9f: {  	v7 =	vld [tilespmem:$0x20];
	_ =	sdelay $0x4  }
0xa0: {  	v51 =	vpop (erf)  }
0xa1: {  	v5 =	vmul.f32 v51, v5  }
0xa2: {  	v9 =	vld [tilespmem:$0x30]  }
0xa3: {  	[tilespmem:v7+s16+$0x0] =	vst.idx.add.f32.msk $0x1, v5  }
0xa4: {  	[tilespmem:v7+s16+$0x0] =	vst.idx.add.f32.msk vm0, v5  }
0xa5: {  	[tilespmem:v7+s16+$0x0] =	vst.idx.add.f32.msk vm1, v5  }
0xa6: {  	[tilespmem:v7+s16+$0x0] =	vst.idx.add.f32.msk vm2, v5  }
0xa7: {  	[tilespmem:v7+s16+$0x0] =	vst.idx.add.f32.msk vm3, v5  }
0xa8: {  	[tilespmem:v7+s16+$0x0] =	vst.idx.add.f32.msk vm4, v5  }
0xa9: {  	[tilespmem:v7+s16+$0x0] =	vst.idx.add.f32.msk vm5, v5  }
0xaa: {  	[tilespmem:v7+s16+$0x0] =	vst.idx.add.f32.msk vm6, v5  }
0xab: {  	[tilespmem:v7+s16+$0x0] =	vst.idx.add.f32.msk vm7, v5  }
0xac: {  	[tilespmem:v7+s16+$0x0] =	vst.idx.add.f32.msk vm8, v5  }
0xad: {  	[tilespmem:v7+s16+$0x0] =	vst.idx.add.f32.msk vm9, v5  }
0xae: {  	[tilespmem:v7+s16+$0x0] =	vst.idx.add.f32.msk vm10, v5  }
0xaf: {  	[tilespmem:v7+s16+$0x0] =	vst.idx.add.f32.msk vm11, v5  }
0xb0: {  	[tilespmem:v7+s16+$0x0] =	vst.idx.add.f32.msk vm12, v5  }
0xb1: {  	v6 =	vmul.f32 v51, v6;
	[tilespmem:v7+s16+$0x0] =	vst.idx.add.f32.msk vm13, v5  }
0xb2: {  	[tilespmem:v7+s16+$0x0] =	vst.idx.add.f32.msk vm14, v5  }
0xb3: {  	[tilespmem:v9+s16+$0x0] =	vst.idx.add.f32.msk $0x1, v6  }
0xb4: {  	[tilespmem:v9+s16+$0x0] =	vst.idx.add.f32.msk vm0, v6  }
0xb5: {  	[tilespmem:v9+s16+$0x0] =	vst.idx.add.f32.msk vm1, v6  }
0xb6: {  	[tilespmem:v9+s16+$0x0] =	vst.idx.add.f32.msk vm2, v6  }
0xb7: {  	[tilespmem:v9+s16+$0x0] =	vst.idx.add.f32.msk vm3, v6  }
0xb8: {  	[tilespmem:v9+s16+$0x0] =	vst.idx.add.f32.msk vm4, v6  }
0xb9: {  	[tilespmem:v9+s16+$0x0] =	vst.idx.add.f32.msk vm5, v6  }
0xba: {  	[tilespmem:v9+s16+$0x0] =	vst.idx.add.f32.msk vm6, v6  }
0xbb: {  	[tilespmem:v9+s16+$0x0] =	vst.idx.add.f32.msk vm7, v6  }
0xbc: {  	[tilespmem:v9+s16+$0x0] =	vst.idx.add.f32.msk vm8, v6  }
0xbd: {  	[tilespmem:v9+s16+$0x0] =	vst.idx.add.f32.msk vm9, v6  }
0xbe: {  	[tilespmem:v9+s16+$0x0] =	vst.idx.add.f32.msk vm10, v6  }
0xbf: {  	[tilespmem:v9+s16+$0x0] =	vst.idx.add.f32.msk vm11, v6  }
0xc0: {  	[tilespmem:v9+s16+$0x0] =	vst.idx.add.f32.msk vm12, v6  }
0xc1: {  	[tilespmem:v9+s16+$0x0] =	vst.idx.add.f32.msk vm13, v6  }
0xc2: {  	[tilespmem:v9+s16+$0x0] =	vst.idx.add.f32.msk vm14, v6  }
0xc3: {  	[hbm4b:s6+s17] =	stream.strided.scatter [tilespmem:s16], [sflag:$0x2], $0x18700, s18, s17, $0x38;
	[tilespmem:$0x18900] =	vst v63  }
0xc4: {  	_ =	swait.ge [sflag:s19], $0x18700  }
0xc5: {  	[sflag:s19] =	ssyncset.done $0x0  }
0xc6: {  	[sflag:s19] =	ssyncadd.s32 $0xFFFE7900  }
0xc7: {  	[tilespmem:v7+s16+$0x0] =	vst.idx.msk $0xffff, v0  }
0xc8: {  	[tilespmem:v9+s16+$0x0] =	vst.idx.msk $0xffff, v0  }
0xc9: {  	v5 =	vld [tilespmem:$0x140]  }
0xca: {  	v6 =	vld [tilespmem:$0x150];
	_ =	sdelay $0x3  }
0xcb: {  	v5 =	vmul.f32 $-1.000000010e-01, v5  }
0xcc: {  	v6 =	vmul.f32 $-1.000000010e-01, v6  }
0xcd: {  	v5 =	vmul.f32 $1.442695020e+00, v5  }
0xce: {  	v6 =	vmul.f32 $1.442695020e+00, v6  }
0xcf: {  	(erf) = vpow2.f32 v5  }
0xd0: {  	(erf) = vpow2.f32 v6;
	_ =	sdelay $0x7  }
0xd1: {  	v5 =	vpop (erf)  }
0xd2: {  	v6 =	vpop (erf)  }
0xd3: {  	v7 =	vadd.f32 v6, v5;
	_ =	sdelay $0x1  }
0xd4: {  	v52 =	vperm.xlane v7, v1;
	_ =	sdelay $0x1  }
0xd5: {  	v7 =	vadd.f32 v7, v52;
	_ =	sdelay $0x1  }
0xd6: {  	v8 =	vperm.xlane v7, v2;
	_ =	sdelay $0x1  }
0xd7: {  	v7 =	vadd.f32 v7, v8;
	_ =	sdelay $0x1  }
0xd8: {  	v8 =	vperm.xlane v7, v3;
	_ =	sdelay $0x1  }
0xd9: {  	v7 =	vadd.f32 v7, v8;
	_ =	sdelay $0x1  }
0xda: {  	v8 =	vperm.xlane v7, v4;
	_ =	sdelay $0x1  }
0xdb: {  	v7 =	vadd.f32 v7, v8;
	_ =	sdelay $0x1  }
0xdc: {  	(erf) = vrcp.f32 v7;
	_ =	sdelay $0x3  }
0xdd: {  	v7 =	vld [tilespmem:$0x40];
	_ =	sdelay $0x4  }
0xde: {  	v53 =	vpop (erf)  }
0xdf: {  	v5 =	vmul.f32 v53, v5  }
0xe0: {  	v9 =	vld [tilespmem:$0x50]  }
0xe1: {  	[tilespmem:v7+s16+$0x0] =	vst.idx.add.f32.msk $0x1, v5  }
0xe2: {  	[tilespmem:v7+s16+$0x0] =	vst.idx.add.f32.msk vm0, v5  }
0xe3: {  	[tilespmem:v7+s16+$0x0] =	vst.idx.add.f32.msk vm1, v5  }
0xe4: {  	[tilespmem:v7+s16+$0x0] =	vst.idx.add.f32.msk vm2, v5  }
0xe5: {  	[tilespmem:v7+s16+$0x0] =	vst.idx.add.f32.msk vm3, v5  }
0xe6: {  	[tilespmem:v7+s16+$0x0] =	vst.idx.add.f32.msk vm4, v5  }
0xe7: {  	[tilespmem:v7+s16+$0x0] =	vst.idx.add.f32.msk vm5, v5  }
0xe8: {  	[tilespmem:v7+s16+$0x0] =	vst.idx.add.f32.msk vm6, v5  }
0xe9: {  	[tilespmem:v7+s16+$0x0] =	vst.idx.add.f32.msk vm7, v5  }
0xea: {  	[tilespmem:v7+s16+$0x0] =	vst.idx.add.f32.msk vm8, v5  }
0xeb: {  	[tilespmem:v7+s16+$0x0] =	vst.idx.add.f32.msk vm9, v5  }
0xec: {  	[tilespmem:v7+s16+$0x0] =	vst.idx.add.f32.msk vm10, v5  }
0xed: {  	[tilespmem:v7+s16+$0x0] =	vst.idx.add.f32.msk vm11, v5  }
0xee: {  	[tilespmem:v7+s16+$0x0] =	vst.idx.add.f32.msk vm12, v5  }
0xef: {  	v6 =	vmul.f32 v53, v6;
	[tilespmem:v7+s16+$0x0] =	vst.idx.add.f32.msk vm13, v5  }
0xf0: {  	[tilespmem:v7+s16+$0x0] =	vst.idx.add.f32.msk vm14, v5  }
0xf1: {  	[tilespmem:v9+s16+$0x0] =	vst.idx.add.f32.msk $0x1, v6  }
0xf2: {  	[tilespmem:v9+s16+$0x0] =	vst.idx.add.f32.msk vm0, v6  }
0xf3: {  	[tilespmem:v9+s16+$0x0] =	vst.idx.add.f32.msk vm1, v6  }
0xf4: {  	[tilespmem:v9+s16+$0x0] =	vst.idx.add.f32.msk vm2, v6  }
0xf5: {  	[tilespmem:v9+s16+$0x0] =	vst.idx.add.f32.msk vm3, v6  }
0xf6: {  	[tilespmem:v9+s16+$0x0] =	vst.idx.add.f32.msk vm4, v6  }
0xf7: {  	[tilespmem:v9+s16+$0x0] =	vst.idx.add.f32.msk vm5, v6  }
0xf8: {  	[tilespmem:v9+s16+$0x0] =	vst.idx.add.f32.msk vm6, v6  }
0xf9: {  	[tilespmem:v9+s16+$0x0] =	vst.idx.add.f32.msk vm7, v6  }
0xfa: {  	[tilespmem:v9+s16+$0x0] =	vst.idx.add.f32.msk vm8, v6  }
0xfb: {  	[tilespmem:v9+s16+$0x0] =	vst.idx.add.f32.msk vm9, v6  }
0xfc: {  	[tilespmem:v9+s16+$0x0] =	vst.idx.add.f32.msk vm10, v6  }
0xfd: {  	[tilespmem:v9+s16+$0x0] =	vst.idx.add.f32.msk vm11, v6  }
0xfe: {  	[tilespmem:v9+s16+$0x0] =	vst.idx.add.f32.msk vm12, v6  }
0xff: {  	[tilespmem:v9+s16+$0x0] =	vst.idx.add.f32.msk vm13, v6  }
0x100: {  	[tilespmem:v9+s16+$0x0] =	vst.idx.add.f32.msk vm14, v6  }
0x101: {  	[hbm4b:s7+s17] =	stream.strided.scatter [tilespmem:s16], [sflag:$0x2], $0x18700, s18, s17, $0x38;
	[tilespmem:$0x18900] =	vst v63  }
0x102: {  	_ =	swait.ge [sflag:s19], $0x18700  }
0x103: {  	[sflag:s19] =	ssyncset.done $0x0  }
0x104: {  	[sflag:s19] =	ssyncadd.s32 $0xFFFE7900  }
0x105: {  	[tilespmem:v7+s16+$0x0] =	vst.idx.msk $0xffff, v0  }
0x106: {  	[tilespmem:v9+s16+$0x0] =	vst.idx.msk $0xffff, v0  }
0x107: {  	v5 =	vld [tilespmem:$0x160]  }
0x108: {  	v6 =	vld [tilespmem:$0x170];
	_ =	sdelay $0x3  }
0x109: {  	v5 =	vmul.f32 $-1.000000010e-01, v5  }
0x10a: {  	v6 =	vmul.f32 $-1.000000010e-01, v6  }
0x10b: {  	v5 =	vmul.f32 $1.442695020e+00, v5  }
0x10c: {  	v6 =	vmul.f32 $1.442695020e+00, v6  }
0x10d: {  	(erf) = vpow2.f32 v5  }
0x10e: {  	(erf) = vpow2.f32 v6;
	_ =	sdelay $0x7  }
0x10f: {  	v5 =	vpop (erf)  }
0x110: {  	v6 =	vpop (erf)  }
0x111: {  	v7 =	vadd.f32 v6, v5;
	_ =	sdelay $0x1  }
0x112: {  	v54 =	vperm.xlane v7, v1;
	_ =	sdelay $0x1  }
0x113: {  	v7 =	vadd.f32 v7, v54;
	_ =	sdelay $0x1  }
0x114: {  	v8 =	vperm.xlane v7, v2;
	_ =	sdelay $0x1  }
0x115: {  	v7 =	vadd.f32 v7, v8;
	_ =	sdelay $0x1  }
0x116: {  	v8 =	vperm.xlane v7, v3;
	_ =	sdelay $0x1  }
0x117: {  	v7 =	vadd.f32 v7, v8;
	_ =	sdelay $0x1  }
0x118: {  	v8 =	vperm.xlane v7, v4;
	_ =	sdelay $0x1  }
0x119: {  	v7 =	vadd.f32 v7, v8;
	_ =	sdelay $0x1  }
0x11a: {  	(erf) = vrcp.f32 v7;
	_ =	sdelay $0x3  }
0x11b: {  	v7 =	vld [tilespmem:$0x60];
	_ =	sdelay $0x4  }
0x11c: {  	v55 =	vpop (erf)  }
0x11d: {  	v5 =	vmul.f32 v55, v5  }
0x11e: {  	v9 =	vld [tilespmem:$0x70]  }
0x11f: {  	[tilespmem:v7+s16+$0x0] =	vst.idx.add.f32.msk $0x1, v5  }
0x120: {  	[tilespmem:v7+s16+$0x0] =	vst.idx.add.f32.msk vm0, v5  }
0x121: {  	[tilespmem:v7+s16+$0x0] =	vst.idx.add.f32.msk vm1, v5  }
0x122: {  	[tilespmem:v7+s16+$0x0] =	vst.idx.add.f32.msk vm2, v5  }
0x123: {  	[tilespmem:v7+s16+$0x0] =	vst.idx.add.f32.msk vm3, v5  }
0x124: {  	[tilespmem:v7+s16+$0x0] =	vst.idx.add.f32.msk vm4, v5  }
0x125: {  	[tilespmem:v7+s16+$0x0] =	vst.idx.add.f32.msk vm5, v5  }
0x126: {  	[tilespmem:v7+s16+$0x0] =	vst.idx.add.f32.msk vm6, v5  }
0x127: {  	[tilespmem:v7+s16+$0x0] =	vst.idx.add.f32.msk vm7, v5  }
0x128: {  	[tilespmem:v7+s16+$0x0] =	vst.idx.add.f32.msk vm8, v5  }
0x129: {  	[tilespmem:v7+s16+$0x0] =	vst.idx.add.f32.msk vm9, v5  }
0x12a: {  	[tilespmem:v7+s16+$0x0] =	vst.idx.add.f32.msk vm10, v5  }
0x12b: {  	[tilespmem:v7+s16+$0x0] =	vst.idx.add.f32.msk vm11, v5  }
0x12c: {  	[tilespmem:v7+s16+$0x0] =	vst.idx.add.f32.msk vm12, v5  }
0x12d: {  	v6 =	vmul.f32 v55, v6;
	[tilespmem:v7+s16+$0x0] =	vst.idx.add.f32.msk vm13, v5  }
0x12e: {  	[tilespmem:v7+s16+$0x0] =	vst.idx.add.f32.msk vm14, v5  }
0x12f: {  	[tilespmem:v9+s16+$0x0] =	vst.idx.add.f32.msk $0x1, v6  }
0x130: {  	[tilespmem:v9+s16+$0x0] =	vst.idx.add.f32.msk vm0, v6  }
0x131: {  	[tilespmem:v9+s16+$0x0] =	vst.idx.add.f32.msk vm1, v6  }
0x132: {  	[tilespmem:v9+s16+$0x0] =	vst.idx.add.f32.msk vm2, v6  }
0x133: {  	[tilespmem:v9+s16+$0x0] =	vst.idx.add.f32.msk vm3, v6  }
0x134: {  	[tilespmem:v9+s16+$0x0] =	vst.idx.add.f32.msk vm4, v6  }
0x135: {  	[tilespmem:v9+s16+$0x0] =	vst.idx.add.f32.msk vm5, v6  }
0x136: {  	[tilespmem:v9+s16+$0x0] =	vst.idx.add.f32.msk vm6, v6  }
0x137: {  	[tilespmem:v9+s16+$0x0] =	vst.idx.add.f32.msk vm7, v6  }
0x138: {  	[tilespmem:v9+s16+$0x0] =	vst.idx.add.f32.msk vm8, v6  }
0x139: {  	[tilespmem:v9+s16+$0x0] =	vst.idx.add.f32.msk vm9, v6  }
0x13a: {  	[tilespmem:v9+s16+$0x0] =	vst.idx.add.f32.msk vm10, v6  }
0x13b: {  	[tilespmem:v9+s16+$0x0] =	vst.idx.add.f32.msk vm11, v6  }
0x13c: {  	[tilespmem:v9+s16+$0x0] =	vst.idx.add.f32.msk vm12, v6  }
0x13d: {  	[tilespmem:v9+s16+$0x0] =	vst.idx.add.f32.msk vm13, v6  }
0x13e: {  	[tilespmem:v9+s16+$0x0] =	vst.idx.add.f32.msk vm14, v6  }
0x13f: {  	[hbm4b:s8+s17] =	stream.strided.scatter [tilespmem:s16], [sflag:$0x2], $0x18700, s18, s17, $0x38;
	[tilespmem:$0x18900] =	vst v63  }
0x140: {  	_ =	swait.ge [sflag:s19], $0x18700  }
0x141: {  	[sflag:s19] =	ssyncset.done $0x0  }
0x142: {  	[sflag:s19] =	ssyncadd.s32 $0xFFFE7900  }
0x143: {  	[tilespmem:v7+s16+$0x0] =	vst.idx.msk $0xffff, v0  }
0x144: {  	[tilespmem:v9+s16+$0x0] =	vst.idx.msk $0xffff, v0  }
0x145: {  	v5 =	vld [tilespmem:$0x180]  }
0x146: {  	v6 =	vld [tilespmem:$0x190];
	_ =	sdelay $0x3  }
0x147: {  	v5 =	vmul.f32 $-1.000000010e-01, v5  }
0x148: {  	v6 =	vmul.f32 $-1.000000010e-01, v6  }
0x149: {  	v5 =	vmul.f32 $1.442695020e+00, v5  }
0x14a: {  	v6 =	vmul.f32 $1.442695020e+00, v6  }
0x14b: {  	(erf) = vpow2.f32 v5  }
0x14c: {  	(erf) = vpow2.f32 v6;
	_ =	sdelay $0x7  }
0x14d: {  	v5 =	vpop (erf)  }
0x14e: {  	v6 =	vpop (erf)  }
0x14f: {  	v7 =	vadd.f32 v6, v5;
	_ =	sdelay $0x1  }
0x150: {  	v56 =	vperm.xlane v7, v1;
	_ =	sdelay $0x1  }
0x151: {  	v7 =	vadd.f32 v7, v56;
	_ =	sdelay $0x1  }
0x152: {  	v8 =	vperm.xlane v7, v2;
	_ =	sdelay $0x1  }
0x153: {  	v7 =	vadd.f32 v7, v8;
	_ =	sdelay $0x1  }
0x154: {  	v8 =	vperm.xlane v7, v3;
	_ =	sdelay $0x1  }
0x155: {  	v7 =	vadd.f32 v7, v8;
	_ =	sdelay $0x1  }
0x156: {  	v8 =	vperm.xlane v7, v4;
	_ =	sdelay $0x1  }
0x157: {  	v7 =	vadd.f32 v7, v8;
	_ =	sdelay $0x1  }
0x158: {  	(erf) = vrcp.f32 v7;
	_ =	sdelay $0x3  }
0x159: {  	v7 =	vld [tilespmem:$0x80];
	_ =	sdelay $0x4  }
0x15a: {  	v57 =	vpop (erf)  }
0x15b: {  	v5 =	vmul.f32 v57, v5  }
0x15c: {  	v9 =	vld [tilespmem:$0x90]  }
0x15d: {  	[tilespmem:v7+s16+$0x0] =	vst.idx.add.f32.msk $0x1, v5  }
0x15e: {  	[tilespmem:v7+s16+$0x0] =	vst.idx.add.f32.msk vm0, v5  }
0x15f: {  	[tilespmem:v7+s16+$0x0] =	vst.idx.add.f32.msk vm1, v5  }
0x160: {  	[tilespmem:v7+s16+$0x0] =	vst.idx.add.f32.msk vm2, v5  }
0x161: {  	[tilespmem:v7+s16+$0x0] =	vst.idx.add.f32.msk vm3, v5  }
0x162: {  	[tilespmem:v7+s16+$0x0] =	vst.idx.add.f32.msk vm4, v5  }
0x163: {  	[tilespmem:v7+s16+$0x0] =	vst.idx.add.f32.msk vm5, v5  }
0x164: {  	[tilespmem:v7+s16+$0x0] =	vst.idx.add.f32.msk vm6, v5  }
0x165: {  	[tilespmem:v7+s16+$0x0] =	vst.idx.add.f32.msk vm7, v5  }
0x166: {  	[tilespmem:v7+s16+$0x0] =	vst.idx.add.f32.msk vm8, v5  }
0x167: {  	[tilespmem:v7+s16+$0x0] =	vst.idx.add.f32.msk vm9, v5  }
0x168: {  	[tilespmem:v7+s16+$0x0] =	vst.idx.add.f32.msk vm10, v5  }
0x169: {  	[tilespmem:v7+s16+$0x0] =	vst.idx.add.f32.msk vm11, v5  }
0x16a: {  	[tilespmem:v7+s16+$0x0] =	vst.idx.add.f32.msk vm12, v5  }
0x16b: {  	v6 =	vmul.f32 v57, v6;
	[tilespmem:v7+s16+$0x0] =	vst.idx.add.f32.msk vm13, v5  }
0x16c: {  	[tilespmem:v7+s16+$0x0] =	vst.idx.add.f32.msk vm14, v5  }
0x16d: {  	[tilespmem:v9+s16+$0x0] =	vst.idx.add.f32.msk $0x1, v6  }
0x16e: {  	[tilespmem:v9+s16+$0x0] =	vst.idx.add.f32.msk vm0, v6  }
0x16f: {  	[tilespmem:v9+s16+$0x0] =	vst.idx.add.f32.msk vm1, v6  }
0x170: {  	[tilespmem:v9+s16+$0x0] =	vst.idx.add.f32.msk vm2, v6  }
0x171: {  	[tilespmem:v9+s16+$0x0] =	vst.idx.add.f32.msk vm3, v6  }
0x172: {  	[tilespmem:v9+s16+$0x0] =	vst.idx.add.f32.msk vm4, v6  }
0x173: {  	[tilespmem:v9+s16+$0x0] =	vst.idx.add.f32.msk vm5, v6  }
0x174: {  	[tilespmem:v9+s16+$0x0] =	vst.idx.add.f32.msk vm6, v6  }
0x175: {  	[tilespmem:v9+s16+$0x0] =	vst.idx.add.f32.msk vm7, v6  }
0x176: {  	[tilespmem:v9+s16+$0x0] =	vst.idx.add.f32.msk vm8, v6  }
0x177: {  	[tilespmem:v9+s16+$0x0] =	vst.idx.add.f32.msk vm9, v6  }
0x178: {  	[tilespmem:v9+s16+$0x0] =	vst.idx.add.f32.msk vm10, v6  }
0x179: {  	[tilespmem:v9+s16+$0x0] =	vst.idx.add.f32.msk vm11, v6  }
0x17a: {  	[tilespmem:v9+s16+$0x0] =	vst.idx.add.f32.msk vm12, v6  }
0x17b: {  	[tilespmem:v9+s16+$0x0] =	vst.idx.add.f32.msk vm13, v6  }
0x17c: {  	[tilespmem:v9+s16+$0x0] =	vst.idx.add.f32.msk vm14, v6  }
0x17d: {  	[hbm4b:s9+s17] =	stream.strided.scatter [tilespmem:s16], [sflag:$0x2], $0x18700, s18, s17, $0x38;
	[tilespmem:$0x18900] =	vst v63  }
0x17e: {  	_ =	swait.ge [sflag:s19], $0x18700  }
0x17f: {  	[sflag:s19] =	ssyncset.done $0x0  }
0x180: {  	[sflag:s19] =	ssyncadd.s32 $0xFFFE7900  }
0x181: {  	[tilespmem:v7+s16+$0x0] =	vst.idx.msk $0xffff, v0  }
0x182: {  	[tilespmem:v9+s16+$0x0] =	vst.idx.msk $0xffff, v0  }
0x183: {  	v5 =	vld [tilespmem:$0x1A0]  }
0x184: {  	v6 =	vld [tilespmem:$0x1B0];
	_ =	sdelay $0x3  }
0x185: {  	v5 =	vmul.f32 $-1.000000010e-01, v5  }
0x186: {  	v6 =	vmul.f32 $-1.000000010e-01, v6  }
0x187: {  	v5 =	vmul.f32 $1.442695020e+00, v5  }
0x188: {  	v6 =	vmul.f32 $1.442695020e+00, v6  }
0x189: {  	(erf) = vpow2.f32 v5  }
0x18a: {  	(erf) = vpow2.f32 v6;
	_ =	sdelay $0x7  }
0x18b: {  	v5 =	vpop (erf)  }
0x18c: {  	v6 =	vpop (erf)  }
0x18d: {  	v7 =	vadd.f32 v6, v5;
	_ =	sdelay $0x1  }
0x18e: {  	v58 =	vperm.xlane v7, v1;
	_ =	sdelay $0x1  }
0x18f: {  	v7 =	vadd.f32 v7, v58;
	_ =	sdelay $0x1  }
0x190: {  	v8 =	vperm.xlane v7, v2;
	_ =	sdelay $0x1  }
0x191: {  	v7 =	vadd.f32 v7, v8;
	_ =	sdelay $0x1  }
0x192: {  	v8 =	vperm.xlane v7, v3;
	_ =	sdelay $0x1  }
0x193: {  	v7 =	vadd.f32 v7, v8;
	_ =	sdelay $0x1  }
0x194: {  	v8 =	vperm.xlane v7, v4;
	_ =	sdelay $0x1  }
0x195: {  	v7 =	vadd.f32 v7, v8;
	_ =	sdelay $0x1  }
0x196: {  	(erf) = vrcp.f32 v7;
	_ =	sdelay $0x3  }
0x197: {  	v7 =	vld [tilespmem:$0xA0];
	_ =	sdelay $0x4  }
0x198: {  	v59 =	vpop (erf)  }
0x199: {  	v5 =	vmul.f32 v59, v5  }
0x19a: {  	v9 =	vld [tilespmem:$0xB0]  }
0x19b: {  	[tilespmem:v7+s16+$0x0] =	vst.idx.add.f32.msk $0x1, v5  }
0x19c: {  	[tilespmem:v7+s16+$0x0] =	vst.idx.add.f32.msk vm0, v5  }
0x19d: {  	[tilespmem:v7+s16+$0x0] =	vst.idx.add.f32.msk vm1, v5  }
0x19e: {  	[tilespmem:v7+s16+$0x0] =	vst.idx.add.f32.msk vm2, v5  }
0x19f: {  	[tilespmem:v7+s16+$0x0] =	vst.idx.add.f32.msk vm3, v5  }
0x1a0: {  	[tilespmem:v7+s16+$0x0] =	vst.idx.add.f32.msk vm4, v5  }
0x1a1: {  	[tilespmem:v7+s16+$0x0] =	vst.idx.add.f32.msk vm5, v5  }
0x1a2: {  	[tilespmem:v7+s16+$0x0] =	vst.idx.add.f32.msk vm6, v5  }
0x1a3: {  	[tilespmem:v7+s16+$0x0] =	vst.idx.add.f32.msk vm7, v5  }
0x1a4: {  	[tilespmem:v7+s16+$0x0] =	vst.idx.add.f32.msk vm8, v5  }
0x1a5: {  	[tilespmem:v7+s16+$0x0] =	vst.idx.add.f32.msk vm9, v5  }
0x1a6: {  	[tilespmem:v7+s16+$0x0] =	vst.idx.add.f32.msk vm10, v5  }
0x1a7: {  	[tilespmem:v7+s16+$0x0] =	vst.idx.add.f32.msk vm11, v5  }
0x1a8: {  	[tilespmem:v7+s16+$0x0] =	vst.idx.add.f32.msk vm12, v5  }
0x1a9: {  	v6 =	vmul.f32 v59, v6;
	[tilespmem:v7+s16+$0x0] =	vst.idx.add.f32.msk vm13, v5  }
0x1aa: {  	[tilespmem:v7+s16+$0x0] =	vst.idx.add.f32.msk vm14, v5  }
0x1ab: {  	[tilespmem:v9+s16+$0x0] =	vst.idx.add.f32.msk $0x1, v6  }
0x1ac: {  	[tilespmem:v9+s16+$0x0] =	vst.idx.add.f32.msk vm0, v6  }
0x1ad: {  	[tilespmem:v9+s16+$0x0] =	vst.idx.add.f32.msk vm1, v6  }
0x1ae: {  	[tilespmem:v9+s16+$0x0] =	vst.idx.add.f32.msk vm2, v6  }
0x1af: {  	[tilespmem:v9+s16+$0x0] =	vst.idx.add.f32.msk vm3, v6  }
0x1b0: {  	[tilespmem:v9+s16+$0x0] =	vst.idx.add.f32.msk vm4, v6  }
0x1b1: {  	[tilespmem:v9+s16+$0x0] =	vst.idx.add.f32.msk vm5, v6  }
0x1b2: {  	[tilespmem:v9+s16+$0x0] =	vst.idx.add.f32.msk vm6, v6  }
0x1b3: {  	[tilespmem:v9+s16+$0x0] =	vst.idx.add.f32.msk vm7, v6  }
0x1b4: {  	[tilespmem:v9+s16+$0x0] =	vst.idx.add.f32.msk vm8, v6  }
0x1b5: {  	[tilespmem:v9+s16+$0x0] =	vst.idx.add.f32.msk vm9, v6  }
0x1b6: {  	[tilespmem:v9+s16+$0x0] =	vst.idx.add.f32.msk vm10, v6  }
0x1b7: {  	[tilespmem:v9+s16+$0x0] =	vst.idx.add.f32.msk vm11, v6  }
0x1b8: {  	[tilespmem:v9+s16+$0x0] =	vst.idx.add.f32.msk vm12, v6  }
0x1b9: {  	[tilespmem:v9+s16+$0x0] =	vst.idx.add.f32.msk vm13, v6  }
0x1ba: {  	[tilespmem:v9+s16+$0x0] =	vst.idx.add.f32.msk vm14, v6  }
0x1bb: {  	[hbm4b:s10+s17] =	stream.strided.scatter [tilespmem:s16], [sflag:$0x2], $0x18700, s18, s17, $0x38;
	[tilespmem:$0x18900] =	vst v63  }
0x1bc: {  	_ =	swait.ge [sflag:s19], $0x18700  }
0x1bd: {  	[sflag:s19] =	ssyncset.done $0x0  }
0x1be: {  	[sflag:s19] =	ssyncadd.s32 $0xFFFE7900  }
0x1bf: {  	[tilespmem:v7+s16+$0x0] =	vst.idx.msk $0xffff, v0  }
0x1c0: {  	[tilespmem:v9+s16+$0x0] =	vst.idx.msk $0xffff, v0  }
0x1c1: {  	v5 =	vld [tilespmem:$0x1C0]  }
0x1c2: {  	v6 =	vld [tilespmem:$0x1D0];
	_ =	sdelay $0x3  }
0x1c3: {  	v5 =	vmul.f32 $-1.000000010e-01, v5  }
0x1c4: {  	v6 =	vmul.f32 $-1.000000010e-01, v6  }
0x1c5: {  	v5 =	vmul.f32 $1.442695020e+00, v5  }
0x1c6: {  	v6 =	vmul.f32 $1.442695020e+00, v6  }
0x1c7: {  	(erf) = vpow2.f32 v5  }
0x1c8: {  	(erf) = vpow2.f32 v6;
	_ =	sdelay $0x7  }
0x1c9: {  	v5 =	vpop (erf)  }
0x1ca: {  	v6 =	vpop (erf)  }
0x1cb: {  	v7 =	vadd.f32 v6, v5;
	_ =	sdelay $0x1  }
0x1cc: {  	v60 =	vperm.xlane v7, v1;
	_ =	sdelay $0x1  }
0x1cd: {  	v7 =	vadd.f32 v7, v60;
	_ =	sdelay $0x1  }
0x1ce: {  	v8 =	vperm.xlane v7, v2;
	_ =	sdelay $0x1  }
0x1cf: {  	v7 =	vadd.f32 v7, v8;
	_ =	sdelay $0x1  }
0x1d0: {  	v8 =	vperm.xlane v7, v3;
	_ =	sdelay $0x1  }
0x1d1: {  	v7 =	vadd.f32 v7, v8;
	_ =	sdelay $0x1  }
0x1d2: {  	v8 =	vperm.xlane v7, v4;
	_ =	sdelay $0x1  }
0x1d3: {  	v7 =	vadd.f32 v7, v8;
	_ =	sdelay $0x1  }
0x1d4: {  	(erf) = vrcp.f32 v7;
	_ =	sdelay $0x3  }
0x1d5: {  	v7 =	vld [tilespmem:$0xC0];
	_ =	sdelay $0x4  }
0x1d6: {  	v61 =	vpop (erf)  }
0x1d7: {  	v5 =	vmul.f32 v61, v5  }
0x1d8: {  	v9 =	vld [tilespmem:$0xD0]  }
0x1d9: {  	[tilespmem:v7+s16+$0x0] =	vst.idx.add.f32.msk $0x1, v5  }
0x1da: {  	[tilespmem:v7+s16+$0x0] =	vst.idx.add.f32.msk vm0, v5  }
0x1db: {  	[tilespmem:v7+s16+$0x0] =	vst.idx.add.f32.msk vm1, v5  }
0x1dc: {  	[tilespmem:v7+s16+$0x0] =	vst.idx.add.f32.msk vm2, v5  }
0x1dd: {  	[tilespmem:v7+s16+$0x0] =	vst.idx.add.f32.msk vm3, v5  }
0x1de: {  	[tilespmem:v7+s16+$0x0] =	vst.idx.add.f32.msk vm4, v5  }
0x1df: {  	[tilespmem:v7+s16+$0x0] =	vst.idx.add.f32.msk vm5, v5  }
0x1e0: {  	[tilespmem:v7+s16+$0x0] =	vst.idx.add.f32.msk vm6, v5  }
0x1e1: {  	[tilespmem:v7+s16+$0x0] =	vst.idx.add.f32.msk vm7, v5  }
0x1e2: {  	[tilespmem:v7+s16+$0x0] =	vst.idx.add.f32.msk vm8, v5  }
0x1e3: {  	[tilespmem:v7+s16+$0x0] =	vst.idx.add.f32.msk vm9, v5  }
0x1e4: {  	[tilespmem:v7+s16+$0x0] =	vst.idx.add.f32.msk vm10, v5  }
0x1e5: {  	[tilespmem:v7+s16+$0x0] =	vst.idx.add.f32.msk vm11, v5  }
0x1e6: {  	[tilespmem:v7+s16+$0x0] =	vst.idx.add.f32.msk vm12, v5  }
0x1e7: {  	v6 =	vmul.f32 v61, v6;
	[tilespmem:v7+s16+$0x0] =	vst.idx.add.f32.msk vm13, v5  }
0x1e8: {  	[tilespmem:v7+s16+$0x0] =	vst.idx.add.f32.msk vm14, v5  }
0x1e9: {  	[tilespmem:v9+s16+$0x0] =	vst.idx.add.f32.msk $0x1, v6  }
0x1ea: {  	[tilespmem:v9+s16+$0x0] =	vst.idx.add.f32.msk vm0, v6  }
0x1eb: {  	[tilespmem:v9+s16+$0x0] =	vst.idx.add.f32.msk vm1, v6  }
0x1ec: {  	[tilespmem:v9+s16+$0x0] =	vst.idx.add.f32.msk vm2, v6  }
0x1ed: {  	[tilespmem:v9+s16+$0x0] =	vst.idx.add.f32.msk vm3, v6  }
0x1ee: {  	[tilespmem:v9+s16+$0x0] =	vst.idx.add.f32.msk vm4, v6  }
0x1ef: {  	[tilespmem:v9+s16+$0x0] =	vst.idx.add.f32.msk vm5, v6  }
0x1f0: {  	[tilespmem:v9+s16+$0x0] =	vst.idx.add.f32.msk vm6, v6  }
0x1f1: {  	[tilespmem:v9+s16+$0x0] =	vst.idx.add.f32.msk vm7, v6  }
0x1f2: {  	[tilespmem:v9+s16+$0x0] =	vst.idx.add.f32.msk vm8, v6  }
0x1f3: {  	[tilespmem:v9+s16+$0x0] =	vst.idx.add.f32.msk vm9, v6  }
0x1f4: {  	[tilespmem:v9+s16+$0x0] =	vst.idx.add.f32.msk vm10, v6  }
0x1f5: {  	[tilespmem:v9+s16+$0x0] =	vst.idx.add.f32.msk vm11, v6  }
0x1f6: {  	[tilespmem:v9+s16+$0x0] =	vst.idx.add.f32.msk vm12, v6  }
0x1f7: {  	[tilespmem:v9+s16+$0x0] =	vst.idx.add.f32.msk vm13, v6  }
0x1f8: {  	[tilespmem:v9+s16+$0x0] =	vst.idx.add.f32.msk vm14, v6  }
0x1f9: {  	[hbm4b:s11+s17] =	stream.strided.scatter [tilespmem:s16], [sflag:$0x2], $0x18700, s18, s17, $0x38;
	[tilespmem:$0x18900] =	vst v63  }
0x1fa: {  	_ =	swait.ge [sflag:s19], $0x18700  }
0x1fb: {  	[sflag:s19] =	ssyncset.done $0x0  }
0x1fc: {  	[sflag:s19] =	ssyncadd.s32 $0xFFFE7900  }
0x1fd: {  	[tilespmem:v7+s16+$0x0] =	vst.idx.msk $0xffff, v0  }
0x1fe: {  	[tilespmem:v9+s16+$0x0] =	vst.idx.msk $0xffff, v0  }
0x1ff: {  	v5 =	vld [tilespmem:$0x1E0]  }
0x200: {  	v6 =	vld [tilespmem:$0x1F0];
	_ =	sdelay $0x3  }
0x201: {  	v5 =	vmul.f32 $-1.000000010e-01, v5  }
0x202: {  	v6 =	vmul.f32 $-1.000000010e-01, v6  }
0x203: {  	v5 =	vmul.f32 $1.442695020e+00, v5  }
0x204: {  	v6 =	vmul.f32 $1.442695020e+00, v6  }
0x205: {  	(erf) = vpow2.f32 v5  }
0x206: {  	(erf) = vpow2.f32 v6;
	_ =	sdelay $0x7  }
0x207: {  	v5 =	vpop (erf)  }
0x208: {  	v6 =	vpop (erf)  }
0x209: {  	v7 =	vadd.f32 v6, v5;
	_ =	sdelay $0x1  }
0x20a: {  	v62 =	vperm.xlane v7, v1;
	_ =	sdelay $0x1  }
0x20b: {  	v7 =	vadd.f32 v7, v62;
	_ =	sdelay $0x1  }
0x20c: {  	v8 =	vperm.xlane v7, v2;
	_ =	sdelay $0x1  }
0x20d: {  	v7 =	vadd.f32 v7, v8;
	_ =	sdelay $0x1  }
0x20e: {  	v8 =	vperm.xlane v7, v3;
	_ =	sdelay $0x1  }
0x20f: {  	v7 =	vadd.f32 v7, v8;
	_ =	sdelay $0x1  }
0x210: {  	v8 =	vperm.xlane v7, v4;
	_ =	sdelay $0x1  }
0x211: {  	v7 =	vadd.f32 v7, v8;
	_ =	sdelay $0x1  }
0x212: {  	(erf) = vrcp.f32 v7;
	_ =	sdelay $0x3  }
0x213: {  	v7 =	vld [tilespmem:$0xE0];
	_ =	sdelay $0x4  }
0x214: {  	v63 =	vpop (erf)  }
0x215: {  	v5 =	vmul.f32 v63, v5  }
0x216: {  	v9 =	vld [tilespmem:$0xF0]  }
0x217: {  	[tilespmem:v7+s16+$0x0] =	vst.idx.add.f32.msk $0x1, v5  }
0x218: {  	[tilespmem:v7+s16+$0x0] =	vst.idx.add.f32.msk vm0, v5  }
0x219: {  	[tilespmem:v7+s16+$0x0] =	vst.idx.add.f32.msk vm1, v5  }
0x21a: {  	[tilespmem:v7+s16+$0x0] =	vst.idx.add.f32.msk vm2, v5  }
0x21b: {  	[tilespmem:v7+s16+$0x0] =	vst.idx.add.f32.msk vm3, v5  }
0x21c: {  	[tilespmem:v7+s16+$0x0] =	vst.idx.add.f32.msk vm4, v5  }
0x21d: {  	[tilespmem:v7+s16+$0x0] =	vst.idx.add.f32.msk vm5, v5  }
0x21e: {  	[tilespmem:v7+s16+$0x0] =	vst.idx.add.f32.msk vm6, v5  }
0x21f: {  	[tilespmem:v7+s16+$0x0] =	vst.idx.add.f32.msk vm7, v5  }
0x220: {  	[tilespmem:v7+s16+$0x0] =	vst.idx.add.f32.msk vm8, v5  }
0x221: {  	[tilespmem:v7+s16+$0x0] =	vst.idx.add.f32.msk vm9, v5  }
0x222: {  	[tilespmem:v7+s16+$0x0] =	vst.idx.add.f32.msk vm10, v5  }
0x223: {  	[tilespmem:v7+s16+$0x0] =	vst.idx.add.f32.msk vm11, v5  }
0x224: {  	[tilespmem:v7+s16+$0x0] =	vst.idx.add.f32.msk vm12, v5  }
0x225: {  	v6 =	vmul.f32 v63, v6;
	[tilespmem:v7+s16+$0x0] =	vst.idx.add.f32.msk vm13, v5  }
0x226: {  	[tilespmem:v7+s16+$0x0] =	vst.idx.add.f32.msk vm14, v5  }
0x227: {  	[tilespmem:v9+s16+$0x0] =	vst.idx.add.f32.msk $0x1, v6  }
0x228: {  	[tilespmem:v9+s16+$0x0] =	vst.idx.add.f32.msk vm0, v6  }
0x229: {  	[tilespmem:v9+s16+$0x0] =	vst.idx.add.f32.msk vm1, v6  }
0x22a: {  	[tilespmem:v9+s16+$0x0] =	vst.idx.add.f32.msk vm2, v6  }
0x22b: {  	[tilespmem:v9+s16+$0x0] =	vst.idx.add.f32.msk vm3, v6  }
0x22c: {  	[tilespmem:v9+s16+$0x0] =	vst.idx.add.f32.msk vm4, v6  }
0x22d: {  	[tilespmem:v9+s16+$0x0] =	vst.idx.add.f32.msk vm5, v6  }
0x22e: {  	[tilespmem:v9+s16+$0x0] =	vst.idx.add.f32.msk vm6, v6  }
0x22f: {  	[tilespmem:v9+s16+$0x0] =	vst.idx.add.f32.msk vm7, v6  }
0x230: {  	[tilespmem:v9+s16+$0x0] =	vst.idx.add.f32.msk vm8, v6  }
0x231: {  	[tilespmem:v9+s16+$0x0] =	vst.idx.add.f32.msk vm9, v6  }
0x232: {  	[tilespmem:v9+s16+$0x0] =	vst.idx.add.f32.msk vm10, v6  }
0x233: {  	[tilespmem:v9+s16+$0x0] =	vst.idx.add.f32.msk vm11, v6  }
0x234: {  	[tilespmem:v9+s16+$0x0] =	vst.idx.add.f32.msk vm12, v6  }
0x235: {  	s20 =	sadd.s32 $0x1, s20;
	[tilespmem:v9+s16+$0x0] =	vst.idx.add.f32.msk vm13, v6  }
0x236: {  	p0 =	sne.s32 s20, s13;
	[tilespmem:v9+s16+$0x0] =	vst.idx.add.f32.msk vm14, v6  }
0x237: {  	[hbm4b:s12+s17] =	stream.strided.scatter [tilespmem:s16], [sflag:$0x2], $0x18700, s18, s17, $0x38;
	[tilespmem:$0x18900] =	vst v63  }
.Ltmp1:
0x238: {  	_ =	swait.ge [sflag:s19], $0x18700;
	(pc) =	sbr.rel @p0 .LBB2_1-.Ltmp1, $4  }
0x239: {  	[sflag:s19] =	ssyncset.done $0x0  }
0x23a: {  	[sflag:s19] =	ssyncadd.s32 $0xFFFE7900  }
0x23b: {  	[tilespmem:v7+s16+$0x0] =	vst.idx.msk $0xffff, v0  }
0x23c: {  	[tilespmem:v9+s16+$0x0] =	vst.idx.msk $0xffff, v0  }
0x23d: {  	_ =	sfence.sel $0x180000  }
0x23e: {  	[bflag:$0x0] =	sbarrier.arrive $0xFFFF  }
0x23f: {  	p0 =	sne.s32 s1, $0x0;
	_ =	strace $0x90000047  }
0x240: {  	s0 =	sadd.s32 @!p0 $0x100000, s0;
	[bflag:$0x2] =	sbarrier.arrive $0xFFFF  }
0x241: {  	[sflag:s0] =	ssyncadd.tile.s32 @!p0 $0x1;
	_ =	shalt  }
.Lfunc_end2:
_tile_overlayer_lowered:
.L_overlay_start_2:
0x242: {  	(tag) =	ssettag $0x2  }
0x243: {  	s0 =	rddreg [dreg:$0x0];
	s2 =	stileid.u32  }
0x244: {  	s1 =	rddreg [dreg:$0x1];
	p0 =	sne.s32 s2, $0x0  }
0x245: {  	s3 =	rddreg [dreg:$0x2];
	[bflag:$0x3] =	sbarrier.arrive $0xFFFF;
	s2 =	simm.s32 @!p0 $0x1C02  }
0x246: {  	[timem:s3], [sflag:s2] =	dma.local @!p0 [hbm:s0], s1  }
0x247: {  	s0 =	simm.s32 @!p0 $0x2  }
0x248: {  	_ =	swait.ge @!p0 [sflag:s0], s1  }
0x249: {  	s1 =	ssub.s32 @!p0 $0x0, s1;
	[sflag:s0] =	ssyncset.done @!p0 $0x0  }
0x24a: {  	[sflag:s0] =	ssyncadd.s32 @!p0 s1  }
0x24b: {  	[bflag:$0x3] =	sbarrier.arrive $0xFFFF  }
0x24c: {  	_ =	shalt  }

</sc_bundles>
